<compile_context>
chip_gen: v7x
topology: tpu7x:2x2x1
jax: 0.10.2.dev20260603
libtpu: 0.0.44.dev20260713+nightly
codegen_flags: <defaults>
</compile_context>

<pallas_src>
import functools

import jax
import jax.numpy as jnp
from jax import lax
from jax.experimental import pallas as pl
from jax.experimental.pallas import tpu as pltpu
from jax.experimental.pallas import tpu_sc as plsc

_K = 9
_PAD_K = 16
_ROWS = 512
_GROUP = 128


def _knn_body(xft_ref, xfc_ref, nn_ref):
    b = pl.program_id(0)
    rows = xft_ref[0]
    allc = xfc_ref[0]
    m, _ = rows.shape
    n = allc.shape[1]
    rn = jnp.sqrt(jnp.sum(rows * rows, axis=1, keepdims=True))
    rown = rows / jnp.maximum(rn, 1e-12)
    cn = jnp.sqrt(jnp.sum(allc * allc, axis=0, keepdims=True))
    alln = allc / jnp.maximum(cn, 1e-12)
    inner = lax.dot_general(
        rown, alln, (((1,), (0,)), ((), ())),
        preferred_element_type=jnp.float32,
        precision=lax.Precision.DEFAULT,
    )
    rowsq = jnp.sum(rown * rown, axis=1, keepdims=True)
    colsq = jnp.sum(alln * alln, axis=0, keepdims=True)
    dist = rowsq - 2.0 * inner + colsq
    lanes = lax.broadcasted_iota(jnp.int32, (m, n), 1)
    d = dist
    base = b * n
    for k in range(_K):
        amin = jnp.argmin(d, axis=1).astype(jnp.int32)
        for g in range(m // _GROUP):
            nn_ref[0, g, k, :] = amin[g * _GROUP:(g + 1) * _GROUP] + base
        if k + 1 < _K:
            d = jnp.where(lanes == amin[:, None], jnp.float32(3.0e38), d)


def _knn(xft, xfc):
    bb, n, c = xft.shape
    gs = _ROWS // _GROUP
    return pl.pallas_call(
        _knn_body,
        grid=(bb, n // _ROWS),
        in_specs=[
            pl.BlockSpec((1, _ROWS, c), lambda b, i: (b, i, 0)),
            pl.BlockSpec((1, c, n), lambda b, i: (b, 0, 0)),
        ],
        out_specs=pl.BlockSpec((1, gs, _PAD_K, _GROUP), lambda b, i: (b, i, 0, 0)),
        out_shape=jax.ShapeDtypeStruct((bb, n // _GROUP, _PAD_K, _GROUP),
                                       jnp.int32),
    )(xft, xfc)


def _gather_max(xftf, idxk):
    bn, c = xftf.shape
    g_total = idxk.shape[0]
    info = plsc.get_sparse_core_info()
    nw = info.num_cores * info.num_subcores
    gpw = g_total // nw
    mesh = plsc.VectorSubcoreMesh(core_axis_name="c", subcore_axis_name="s")

    @functools.partial(
        pl.kernel,
        mesh=mesh,
        compiler_params=pltpu.CompilerParams(use_tc_tiling_on_sc=False),
        out_type=jax.ShapeDtypeStruct((bn, c), jnp.float32),
        scratch_types=[
            pltpu.VMEM((_K, _GROUP), jnp.int32),
            pltpu.VMEM((_K * _GROUP, c), jnp.float32),
            pltpu.VMEM((_GROUP, c), jnp.float32),
            pltpu.SemaphoreType.DMA,
        ],
    )
    def sck(xf_hbm, idx_hbm, out_hbm, idx_v, rows_v, out_v, sem):
        wid = lax.axis_index("s") * info.num_cores + lax.axis_index("c")
        for g2 in range(gpw):
            g = wid * gpw + g2
            pltpu.sync_copy(idx_hbm.at[g], idx_v)
            cps = []
            for j in range(_K):
                cps.append(pltpu.async_copy(
                    xf_hbm.at[idx_v.at[j]],
                    rows_v.at[pl.ds(j * _GROUP, _GROUP)],
                    sem,
                ))
            for cp in cps:
                cp.wait()

            def body(nn, carry):
                for cc in range(c // 16):
                    sl = pl.ds(cc * 16, 16)
                    acc = rows_v[nn, sl]
                    for j in range(1, _K):
                        acc = jnp.maximum(acc, rows_v[j * _GROUP + nn, sl])
                    out_v[nn, sl] = acc
                return carry

            lax.fori_loop(0, _GROUP, body, 0)
            pltpu.sync_copy(out_v, out_hbm.at[pl.ds(g * _GROUP, _GROUP)])

    return sck(xftf, idxk)


def _conv_body(xf_ref, rw_ref, we_ref, wo_ref, b_ref, out_ref):
    xf = xf_ref[...]
    diff = rw_ref[...] - xf
    acc = lax.dot_general(
        we_ref[...], xf, (((1,), (1,)), ((), ())),
        preferred_element_type=jnp.float32, precision=lax.Precision.DEFAULT)
    acc = acc + lax.dot_general(
        wo_ref[...], diff, (((1,), (1,)), ((), ())),
        preferred_element_type=jnp.float32, precision=lax.Precision.DEFAULT)
    out_ref[0] = jnp.maximum(acc + b_ref[...], 0.0)


def _conv(xftf, rawmax, we, wo, bias, bb):
    bn, c = xftf.shape
    n = bn // bb
    out_c = we.shape[0]
    tile = 512
    npb = n // tile

    def nmap(b, i):
        return (b * npb + i, 0)

    return pl.pallas_call(
        _conv_body,
        grid=(bb, npb),
        in_specs=[
            pl.BlockSpec((tile, c), nmap),
            pl.BlockSpec((tile, c), nmap),
            pl.BlockSpec((out_c, c), lambda b, i: (0, 0)),
            pl.BlockSpec((out_c, c), lambda b, i: (0, 0)),
            pl.BlockSpec((out_c, 1), lambda b, i: (0, 0)),
        ],
        out_specs=pl.BlockSpec((1, out_c, tile), lambda b, i: (b, 0, i)),
        out_shape=jax.ShapeDtypeStruct((bb, out_c, n), jnp.float32),
    )(xftf, rawmax, we, wo, bias)


def kernel(x, Wc, b):
    bb, c, h, w, d = x.shape
    n = h * w * d
    out_c = Wc.shape[0]
    xfc = x.reshape(bb, c, n)
    xft = xfc.transpose(0, 2, 1)
    nn = _knn(xft, xfc)
    idxk = nn[:, :, :_K, :].reshape(bb * n // _GROUP, _K, _GROUP)
    xftf = xft.reshape(bb * n, c)
    rawmax = _gather_max(xftf, idxk)
    we = Wc[:, 0::2]
    wo = Wc[:, 1::2]
    out = _conv(xftf, rawmax, we, wo, b.reshape(out_c, 1), bb)
    return out.reshape(bb, out_c, h, w, d)

# --- scband reference (transcript-rebuilt; emitter-appended) ---
"""Pipeline reference for scband-dy-graph-conv-1632087572829 (READ-ONLY COPY).

The authoritative reference and input builder live on the scoring server;
editing this copy changes nothing except your own understanding.
"""

import jax, jax.numpy as jnp
import numpy as np

B, C, H, W, D = 2, 96, 16, 16, 16
OUT = 96
K = 9

def setup_inputs(seed: int = 0) -> dict:
    key = jax.random.key(seed)
    k1, k2, k3 = jax.random.split(key, 3)
    x = jax.random.normal(k1, (B, C, H, W, D), dtype=jnp.float32)
    Wc = jax.random.normal(k2, (OUT, 2 * C), dtype=jnp.float32) * (1.0 / np.sqrt(2 * C))
    b = jax.random.normal(k3, (OUT,), dtype=jnp.float32) * 0.01
    return {"x": x, "Wc": Wc, "b": b}

def reference(x, Wc, b):
    Bs, Cs, Hs, Ws, Ds = x.shape
    N = Hs * Ws * Ds
    xf = x.reshape(Bs, Cs, N)  # [B, C, N] (flattened spatial, trailing 1 implicit)
    # --- DenseDilatedKnnGraph: l2-normalize over channel dim, dense pairwise dist, top-k ---
    nrm = jnp.sqrt(jnp.sum(xf * xf, axis=1, keepdims=True))
    xn = xf / jnp.maximum(nrm, 1e-12)
    feat = jnp.transpose(xn, (0, 2, 1))  # [B, N, C]
    x_sq = jnp.sum(feat * feat, axis=-1, keepdims=True)  # [B, N, 1]
    inner = -2.0 * jnp.matmul(feat, jnp.transpose(feat, (0, 2, 1)))  # [B, N, N]
    dist = x_sq + inner + jnp.transpose(x_sq, (0, 2, 1))
    _, nn_idx = jax.lax.top_k(-dist, K)  # [B, N, K]; dilation=1 -> no striding
    # edge_index[0] = nn_idx (source/neighbor), edge_index[1] = center idx
    # --- MRConv: batched_index_select gathers ---
    idx = jnp.broadcast_to(nn_idx[:, None, :, :], (Bs, Cs, N, K))
    xe = jnp.broadcast_to(xf[:, :, :, None], (Bs, Cs, N, K))
    x_j = jnp.take_along_axis(xe, idx, axis=2)  # neighbor feats [B, C, N, K]
    x_i = xf[:, :, :, None]  # center feats broadcast over K
    x_j_max = jnp.max(x_j - x_i, axis=-1, keepdims=True)  # [B, C, N, 1]
    # cat([x.unsqueeze(2), x_j.unsqueeze(2)], dim=2).reshape(B, 2C, N, 1) -> interleaved channels
    cat = jnp.concatenate([xf[:, :, None, :, None], x_j_max[:, :, None, :, :]], axis=2)
    cat = cat.reshape(Bs, 2 * Cs, N)
    # BasicConv: 1x1x1 conv (pointwise) + bias + relu
    out = jnp.einsum('oc,bcn->bon', Wc, cat) + b[None, :, None]
    out = jax.nn.relu(out)
    return out.reshape(Bs, OUT, Hs, Ws, Ds)

if __name__ == "__main__":
    import jax
    _d = setup_inputs()
    print(jax.jit(kernel)(*tuple(_d.values())))

</pallas_src>

<mosaic_0001>
#map = affine_map<(d0, d1) -> (0, 0)>
#map1 = affine_map<(d0, d1) -> (0, 0, 0)>
module attributes {stable_mosaic.version = 14 : i64} {
  func.func @sck(%arg0: i32, %arg1: i32, %arg2: memref<8192x96xf32, #tpu.memory_space<hbm>>, %arg3: memref<64x9x128xi32, #tpu.memory_space<hbm>>, %arg4: memref<8192x96xf32, #tpu.memory_space<hbm>>, %arg5: memref<9x128xi32, #tpu.memory_space<vmem>>, %arg6: memref<1152x96xf32, #tpu.memory_space<vmem>>, %arg7: memref<128x96xf32, #tpu.memory_space<vmem>>, %arg8: memref<!tpu.dma_semaphore, #tpu.memory_space<semaphore_mem>>) attributes {dimension_semantics = [#tpu.dimension_semantics<core_parallel>, #tpu.dimension_semantics<subcore_parallel>], iteration_bounds = array<i64: 2, 16>, scalar_prefetch = 0 : i64, scratch_operands = 4 : i64, tpu.core_type = #tpu.core_type<sc_vector_subcore>, window_params = [{transform_indices = #map}, {transform_indices = #map1}, {transform_indices = #map}]} {
    %mul3A = arith.constant 2 : i32
    %mul3A_0 = arith.muli %arg1, %mul3A : i32
    %add3A = arith.addi %mul3A_0, %arg0 : i32
    %mul3A_1 = arith.constant 2 : i32
    %mul3A_2 = arith.muli %add3A, %mul3A_1 : i32
    %add3A_3 = arith.constant 0 : i32
    %add3A_4 = arith.addi %mul3A_2, %add3A_3 : i32
    "tpu.region"() ({
      %run_scoped3A = tpu.sem_alloc : memref<!tpu.dma_semaphore, #tpu.memory_space<semaphore_mem>>
      %dma_start3A_382 = arith.constant 0 : i32
      %dma_start3A_383 = arith.constant 0 : i32
      %dma_start3A_384 = tpu.memref_slice %arg3[%add3A_4, %dma_start3A_382, %dma_start3A_383] : memref<64x9x128xi32, #tpu.memory_space<hbm>> -> memref<1x9x128xi32, #tpu.memory_space<hbm>>
      %dma_start3A_385 = tpu.memref_squeeze %dma_start3A_384 : memref<1x9x128xi32, #tpu.memory_space<hbm>> -> memref<9x128xi32, #tpu.memory_space<hbm>>
      %dma_start3A_386 = arith.constant 0 : i32
      %dma_start3A_387 = arith.constant 0 : i32
      %dma_start3A_388 = tpu.memref_slice %arg3[%add3A_4, %dma_start3A_386, %dma_start3A_387] : memref<64x9x128xi32, #tpu.memory_space<hbm>> -> memref<1x9x128xi32, #tpu.memory_space<hbm>>
      %dma_start3A_389 = tpu.memref_squeeze %dma_start3A_388 : memref<1x9x128xi32, #tpu.memory_space<hbm>> -> memref<9x128xi32, #tpu.memory_space<hbm>>
      tpu.enqueue_dma source(%dma_start3A_389 : memref<9x128xi32, #tpu.memory_space<hbm>>) target(%arg5 : memref<9x128xi32, #tpu.memory_space<vmem>>) target_semaphore(%run_scoped3A : memref<!tpu.dma_semaphore, #tpu.memory_space<semaphore_mem>>)
      %dma_wait3A_390 = arith.constant 0 : i32
      %dma_wait3A_391 = arith.constant 0 : i32
      %dma_wait3A_392 = tpu.memref_slice %arg3[%add3A_4, %dma_wait3A_390, %dma_wait3A_391] : memref<64x9x128xi32, #tpu.memory_space<hbm>> -> memref<1x9x128xi32, #tpu.memory_space<hbm>>
      %dma_wait3A_393 = tpu.memref_squeeze %dma_wait3A_392 : memref<1x9x128xi32, #tpu.memory_space<hbm>> -> memref<9x128xi32, #tpu.memory_space<hbm>>
      %dma_wait3A_394 = arith.constant 0 : i32
      %dma_wait3A_395 = arith.constant 0 : i32
      %dma_wait3A_396 = tpu.memref_slice %arg3[%add3A_4, %dma_wait3A_394, %dma_wait3A_395] : memref<64x9x128xi32, #tpu.memory_space<hbm>> -> memref<1x9x128xi32, #tpu.memory_space<hbm>>
      %dma_wait3A_397 = tpu.memref_squeeze %dma_wait3A_396 : memref<1x9x128xi32, #tpu.memory_space<hbm>> -> memref<9x128xi32, #tpu.memory_space<hbm>>
      tpu.wait_dma2 semaphore(%run_scoped3A : memref<!tpu.dma_semaphore, #tpu.memory_space<semaphore_mem>>) src(%dma_wait3A_397 : memref<9x128xi32, #tpu.memory_space<hbm>>) dst(%arg5 : memref<9x128xi32, #tpu.memory_space<vmem>>)
      tpu.yield
    }) : () -> ()
    %dma_start3A = arith.constant 0 : i32
    %dma_start3A_5 = arith.constant 0 : i32
    %dma_start3A_6 = arith.constant 0 : i32
    %dma_start3A_7 = tpu.memref_slice %arg6[%dma_start3A_5, %dma_start3A_6] : memref<1152x96xf32, #tpu.memory_space<vmem>> -> memref<128x96xf32, #tpu.memory_space<vmem>>
    %dma_start3A_8 = arith.constant 0 : i32
    %dma_start3A_9 = tpu.memref_slice %arg5[%dma_start3A, %dma_start3A_8] : memref<9x128xi32, #tpu.memory_space<vmem>> -> memref<1x128xi32, #tpu.memory_space<vmem>>
    %dma_start3A_10 = tpu.memref_squeeze %dma_start3A_9 : memref<1x128xi32, #tpu.memory_space<vmem>> -> memref<128xi32, #tpu.memory_space<vmem>>
    %dma_start3A_11 = arith.constant 0 : i32
    %dma_start3A_12 = arith.constant 0 : i32
    %dma_start3A_13 = tpu.memref_slice %arg2[%dma_start3A_11, %dma_start3A_12] : memref<8192x96xf32, #tpu.memory_space<hbm>> -> memref<8192x96xf32, #tpu.memory_space<hbm>>
    tpu.enqueue_indirect_dma source(%dma_start3A_13 : memref<8192x96xf32, #tpu.memory_space<hbm>>) target(%dma_start3A_7 : memref<128x96xf32, #tpu.memory_space<vmem>>) offsets(%dma_start3A_10 : memref<128xi32, #tpu.memory_space<vmem>>) semaphore(%arg8 : memref<!tpu.dma_semaphore, #tpu.memory_space<semaphore_mem>>)
    %dma_start3A_14 = arith.constant 1 : i32
    %dma_start3A_15 = arith.constant 128 : i32
    %dma_start3A_16 = arith.constant 0 : i32
    %dma_start3A_17 = tpu.memref_slice %arg6[%dma_start3A_15, %dma_start3A_16] : memref<1152x96xf32, #tpu.memory_space<vmem>> -> memref<128x96xf32, #tpu.memory_space<vmem>>
    %dma_start3A_18 = arith.constant 0 : i32
    %dma_start3A_19 = tpu.memref_slice %arg5[%dma_start3A_14, %dma_start3A_18] : memref<9x128xi32, #tpu.memory_space<vmem>> -> memref<1x128xi32, #tpu.memory_space<vmem>>
    %dma_start3A_20 = tpu.memref_squeeze %dma_start3A_19 : memref<1x128xi32, #tpu.memory_space<vmem>> -> memref<128xi32, #tpu.memory_space<vmem>>
    %dma_start3A_21 = arith.constant 0 : i32
    %dma_start3A_22 = arith.constant 0 : i32
    %dma_start3A_23 = tpu.memref_slice %arg2[%dma_start3A_21, %dma_start3A_22] : memref<8192x96xf32, #tpu.memory_space<hbm>> -> memref<8192x96xf32, #tpu.memory_space<hbm>>
    tpu.enqueue_indirect_dma source(%dma_start3A_23 : memref<8192x96xf32, #tpu.memory_space<hbm>>) target(%dma_start3A_17 : memref<128x96xf32, #tpu.memory_space<vmem>>) offsets(%dma_start3A_20 : memref<128xi32, #tpu.memory_space<vmem>>) semaphore(%arg8 : memref<!tpu.dma_semaphore, #tpu.memory_space<semaphore_mem>>)
    %dma_start3A_24 = arith.constant 2 : i32
    %dma_start3A_25 = arith.constant 256 : i32
    %dma_start3A_26 = arith.constant 0 : i32
    %dma_start3A_27 = tpu.memref_slice %arg6[%dma_start3A_25, %dma_start3A_26] : memref<1152x96xf32, #tpu.memory_space<vmem>> -> memref<128x96xf32, #tpu.memory_space<vmem>>
    %dma_start3A_28 = arith.constant 0 : i32
    %dma_start3A_29 = tpu.memref_slice %arg5[%dma_start3A_24, %dma_start3A_28] : memref<9x128xi32, #tpu.memory_space<vmem>> -> memref<1x128xi32, #tpu.memory_space<vmem>>
    %dma_start3A_30 = tpu.memref_squeeze %dma_start3A_29 : memref<1x128xi32, #tpu.memory_space<vmem>> -> memref<128xi32, #tpu.memory_space<vmem>>
    %dma_start3A_31 = arith.constant 0 : i32
    %dma_start3A_32 = arith.constant 0 : i32
    %dma_start3A_33 = tpu.memref_slice %arg2[%dma_start3A_31, %dma_start3A_32] : memref<8192x96xf32, #tpu.memory_space<hbm>> -> memref<8192x96xf32, #tpu.memory_space<hbm>>
    tpu.enqueue_indirect_dma source(%dma_start3A_33 : memref<8192x96xf32, #tpu.memory_space<hbm>>) target(%dma_start3A_27 : memref<128x96xf32, #tpu.memory_space<vmem>>) offsets(%dma_start3A_30 : memref<128xi32, #tpu.memory_space<vmem>>) semaphore(%arg8 : memref<!tpu.dma_semaphore, #tpu.memory_space<semaphore_mem>>)
    %dma_start3A_34 = arith.constant 3 : i32
    %dma_start3A_35 = arith.constant 384 : i32
    %dma_start3A_36 = arith.constant 0 : i32
    %dma_start3A_37 = tpu.memref_slice %arg6[%dma_start3A_35, %dma_start3A_36] : memref<1152x96xf32, #tpu.memory_space<vmem>> -> memref<128x96xf32, #tpu.memory_space<vmem>>
    %dma_start3A_38 = arith.constant 0 : i32
    %dma_start3A_39 = tpu.memref_slice %arg5[%dma_start3A_34, %dma_start3A_38] : memref<9x128xi32, #tpu.memory_space<vmem>> -> memref<1x128xi32, #tpu.memory_space<vmem>>
    %dma_start3A_40 = tpu.memref_squeeze %dma_start3A_39 : memref<1x128xi32, #tpu.memory_space<vmem>> -> memref<128xi32, #tpu.memory_space<vmem>>
    %dma_start3A_41 = arith.constant 0 : i32
    %dma_start3A_42 = arith.constant 0 : i32
    %dma_start3A_43 = tpu.memref_slice %arg2[%dma_start3A_41, %dma_start3A_42] : memref<8192x96xf32, #tpu.memory_space<hbm>> -> memref<8192x96xf32, #tpu.memory_space<hbm>>
    tpu.enqueue_indirect_dma source(%dma_start3A_43 : memref<8192x96xf32, #tpu.memory_space<hbm>>) target(%dma_start3A_37 : memref<128x96xf32, #tpu.memory_space<vmem>>) offsets(%dma_start3A_40 : memref<128xi32, #tpu.memory_space<vmem>>) semaphore(%arg8 : memref<!tpu.dma_semaphore, #tpu.memory_space<semaphore_mem>>)
    %dma_start3A_44 = arith.constant 4 : i32
    %dma_start3A_45 = arith.constant 512 : i32
    %dma_start3A_46 = arith.constant 0 : i32
    %dma_start3A_47 = tpu.memref_slice %arg6[%dma_start3A_45, %dma_start3A_46] : memref<1152x96xf32, #tpu.memory_space<vmem>> -> memref<128x96xf32, #tpu.memory_space<vmem>>
    %dma_start3A_48 = arith.constant 0 : i32
    %dma_start3A_49 = tpu.memref_slice %arg5[%dma_start3A_44, %dma_start3A_48] : memref<9x128xi32, #tpu.memory_space<vmem>> -> memref<1x128xi32, #tpu.memory_space<vmem>>
    %dma_start3A_50 = tpu.memref_squeeze %dma_start3A_49 : memref<1x128xi32, #tpu.memory_space<vmem>> -> memref<128xi32, #tpu.memory_space<vmem>>
    %dma_start3A_51 = arith.constant 0 : i32
    %dma_start3A_52 = arith.constant 0 : i32
    %dma_start3A_53 = tpu.memref_slice %arg2[%dma_start3A_51, %dma_start3A_52] : memref<8192x96xf32, #tpu.memory_space<hbm>> -> memref<8192x96xf32, #tpu.memory_space<hbm>>
    tpu.enqueue_indirect_dma source(%dma_start3A_53 : memref<8192x96xf32, #tpu.memory_space<hbm>>) target(%dma_start3A_47 : memref<128x96xf32, #tpu.memory_space<vmem>>) offsets(%dma_start3A_50 : memref<128xi32, #tpu.memory_space<vmem>>) semaphore(%arg8 : memref<!tpu.dma_semaphore, #tpu.memory_space<semaphore_mem>>)
    %dma_start3A_54 = arith.constant 5 : i32
    %dma_start3A_55 = arith.constant 640 : i32
    %dma_start3A_56 = arith.constant 0 : i32
    %dma_start3A_57 = tpu.memref_slice %arg6[%dma_start3A_55, %dma_start3A_56] : memref<1152x96xf32, #tpu.memory_space<vmem>> -> memref<128x96xf32, #tpu.memory_space<vmem>>
    %dma_start3A_58 = arith.constant 0 : i32
    %dma_start3A_59 = tpu.memref_slice %arg5[%dma_start3A_54, %dma_start3A_58] : memref<9x128xi32, #tpu.memory_space<vmem>> -> memref<1x128xi32, #tpu.memory_space<vmem>>
    %dma_start3A_60 = tpu.memref_squeeze %dma_start3A_59 : memref<1x128xi32, #tpu.memory_space<vmem>> -> memref<128xi32, #tpu.memory_space<vmem>>
    %dma_start3A_61 = arith.constant 0 : i32
    %dma_start3A_62 = arith.constant 0 : i32
    %dma_start3A_63 = tpu.memref_slice %arg2[%dma_start3A_61, %dma_start3A_62] : memref<8192x96xf32, #tpu.memory_space<hbm>> -> memref<8192x96xf32, #tpu.memory_space<hbm>>
    tpu.enqueue_indirect_dma source(%dma_start3A_63 : memref<8192x96xf32, #tpu.memory_space<hbm>>) target(%dma_start3A_57 : memref<128x96xf32, #tpu.memory_space<vmem>>) offsets(%dma_start3A_60 : memref<128xi32, #tpu.memory_space<vmem>>) semaphore(%arg8 : memref<!tpu.dma_semaphore, #tpu.memory_space<semaphore_mem>>)
    %dma_start3A_64 = arith.constant 6 : i32
    %dma_start3A_65 = arith.constant 768 : i32
    %dma_start3A_66 = arith.constant 0 : i32
    %dma_start3A_67 = tpu.memref_slice %arg6[%dma_start3A_65, %dma_start3A_66] : memref<1152x96xf32, #tpu.memory_space<vmem>> -> memref<128x96xf32, #tpu.memory_space<vmem>>
    %dma_start3A_68 = arith.constant 0 : i32
    %dma_start3A_69 = tpu.memref_slice %arg5[%dma_start3A_64, %dma_start3A_68] : memref<9x128xi32, #tpu.memory_space<vmem>> -> memref<1x128xi32, #tpu.memory_space<vmem>>
    %dma_start3A_70 = tpu.memref_squeeze %dma_start3A_69 : memref<1x128xi32, #tpu.memory_space<vmem>> -> memref<128xi32, #tpu.memory_space<vmem>>
    %dma_start3A_71 = arith.constant 0 : i32
    %dma_start3A_72 = arith.constant 0 : i32
    %dma_start3A_73 = tpu.memref_slice %arg2[%dma_start3A_71, %dma_start3A_72] : memref<8192x96xf32, #tpu.memory_space<hbm>> -> memref<8192x96xf32, #tpu.memory_space<hbm>>
    tpu.enqueue_indirect_dma source(%dma_start3A_73 : memref<8192x96xf32, #tpu.memory_space<hbm>>) target(%dma_start3A_67 : memref<128x96xf32, #tpu.memory_space<vmem>>) offsets(%dma_start3A_70 : memref<128xi32, #tpu.memory_space<vmem>>) semaphore(%arg8 : memref<!tpu.dma_semaphore, #tpu.memory_space<semaphore_mem>>)
    %dma_start3A_74 = arith.constant 7 : i32
    %dma_start3A_75 = arith.constant 896 : i32
    %dma_start3A_76 = arith.constant 0 : i32
    %dma_start3A_77 = tpu.memref_slice %arg6[%dma_start3A_75, %dma_start3A_76] : memref<1152x96xf32, #tpu.memory_space<vmem>> -> memref<128x96xf32, #tpu.memory_space<vmem>>
    %dma_start3A_78 = arith.constant 0 : i32
    %dma_start3A_79 = tpu.memref_slice %arg5[%dma_start3A_74, %dma_start3A_78] : memref<9x128xi32, #tpu.memory_space<vmem>> -> memref<1x128xi32, #tpu.memory_space<vmem>>
    %dma_start3A_80 = tpu.memref_squeeze %dma_start3A_79 : memref<1x128xi32, #tpu.memory_space<vmem>> -> memref<128xi32, #tpu.memory_space<vmem>>
    %dma_start3A_81 = arith.constant 0 : i32
    %dma_start3A_82 = arith.constant 0 : i32
    %dma_start3A_83 = tpu.memref_slice %arg2[%dma_start3A_81, %dma_start3A_82] : memref<8192x96xf32, #tpu.memory_space<hbm>> -> memref<8192x96xf32, #tpu.memory_space<hbm>>
    tpu.enqueue_indirect_dma source(%dma_start3A_83 : memref<8192x96xf32, #tpu.memory_space<hbm>>) target(%dma_start3A_77 : memref<128x96xf32, #tpu.memory_space<vmem>>) offsets(%dma_start3A_80 : memref<128xi32, #tpu.memory_space<vmem>>) semaphore(%arg8 : memref<!tpu.dma_semaphore, #tpu.memory_space<semaphore_mem>>)
    %dma_start3A_84 = arith.constant 8 : i32
    %dma_start3A_85 = arith.constant 1024 : i32
    %dma_start3A_86 = arith.constant 0 : i32
    %dma_start3A_87 = tpu.memref_slice %arg6[%dma_start3A_85, %dma_start3A_86] : memref<1152x96xf32, #tpu.memory_space<vmem>> -> memref<128x96xf32, #tpu.memory_space<vmem>>
    %dma_start3A_88 = arith.constant 0 : i32
    %dma_start3A_89 = tpu.memref_slice %arg5[%dma_start3A_84, %dma_start3A_88] : memref<9x128xi32, #tpu.memory_space<vmem>> -> memref<1x128xi32, #tpu.memory_space<vmem>>
    %dma_start3A_90 = tpu.memref_squeeze %dma_start3A_89 : memref<1x128xi32, #tpu.memory_space<vmem>> -> memref<128xi32, #tpu.memory_space<vmem>>
    %dma_start3A_91 = arith.constant 0 : i32
    %dma_start3A_92 = arith.constant 0 : i32
    %dma_start3A_93 = tpu.memref_slice %arg2[%dma_start3A_91, %dma_start3A_92] : memref<8192x96xf32, #tpu.memory_space<hbm>> -> memref<8192x96xf32, #tpu.memory_space<hbm>>
    tpu.enqueue_indirect_dma source(%dma_start3A_93 : memref<8192x96xf32, #tpu.memory_space<hbm>>) target(%dma_start3A_87 : memref<128x96xf32, #tpu.memory_space<vmem>>) offsets(%dma_start3A_90 : memref<128xi32, #tpu.memory_space<vmem>>) semaphore(%arg8 : memref<!tpu.dma_semaphore, #tpu.memory_space<semaphore_mem>>)
    %dma_wait3A = arith.constant 0 : i32
    %dma_wait3A_94 = arith.constant 0 : i32
    %dma_wait3A_95 = arith.constant 0 : i32
    %dma_wait3A_96 = tpu.memref_slice %arg6[%dma_wait3A_94, %dma_wait3A_95] : memref<1152x96xf32, #tpu.memory_space<vmem>> -> memref<128x96xf32, #tpu.memory_space<vmem>>
    %dma_wait3A_97 = arith.constant 0 : i32
    %dma_wait3A_98 = tpu.memref_slice %arg5[%dma_wait3A, %dma_wait3A_97] : memref<9x128xi32, #tpu.memory_space<vmem>> -> memref<1x128xi32, #tpu.memory_space<vmem>>
    %dma_wait3A_99 = tpu.memref_squeeze %dma_wait3A_98 : memref<1x128xi32, #tpu.memory_space<vmem>> -> memref<128xi32, #tpu.memory_space<vmem>>
    %dma_wait3A_100 = arith.constant 0 : i32
    %dma_wait3A_101 = arith.constant 0 : i32
    %dma_wait3A_102 = tpu.memref_slice %arg2[%dma_wait3A_100, %dma_wait3A_101] : memref<8192x96xf32, #tpu.memory_space<hbm>> -> memref<8192x96xf32, #tpu.memory_space<hbm>>
    tpu.wait_indirect_dma semaphore(%arg8 : memref<!tpu.dma_semaphore, #tpu.memory_space<semaphore_mem>>) src(%dma_wait3A_102 : memref<8192x96xf32, #tpu.memory_space<hbm>>) dst(%dma_wait3A_96 : memref<128x96xf32, #tpu.memory_space<vmem>>)
    %dma_wait3A_103 = arith.constant 1 : i32
    %dma_wait3A_104 = arith.constant 128 : i32
    %dma_wait3A_105 = arith.constant 0 : i32
    %dma_wait3A_106 = tpu.memref_slice %arg6[%dma_wait3A_104, %dma_wait3A_105] : memref<1152x96xf32, #tpu.memory_space<vmem>> -> memref<128x96xf32, #tpu.memory_space<vmem>>
    %dma_wait3A_107 = arith.constant 0 : i32
    %dma_wait3A_108 = tpu.memref_slice %arg5[%dma_wait3A_103, %dma_wait3A_107] : memref<9x128xi32, #tpu.memory_space<vmem>> -> memref<1x128xi32, #tpu.memory_space<vmem>>
    %dma_wait3A_109 = tpu.memref_squeeze %dma_wait3A_108 : memref<1x128xi32, #tpu.memory_space<vmem>> -> memref<128xi32, #tpu.memory_space<vmem>>
    %dma_wait3A_110 = arith.constant 0 : i32
    %dma_wait3A_111 = arith.constant 0 : i32
    %dma_wait3A_112 = tpu.memref_slice %arg2[%dma_wait3A_110, %dma_wait3A_111] : memref<8192x96xf32, #tpu.memory_space<hbm>> -> memref<8192x96xf32, #tpu.memory_space<hbm>>
    tpu.wait_indirect_dma semaphore(%arg8 : memref<!tpu.dma_semaphore, #tpu.memory_space<semaphore_mem>>) src(%dma_wait3A_112 : memref<8192x96xf32, #tpu.memory_space<hbm>>) dst(%dma_wait3A_106 : memref<128x96xf32, #tpu.memory_space<vmem>>)
    %dma_wait3A_113 = arith.constant 2 : i32
    %dma_wait3A_114 = arith.constant 256 : i32
    %dma_wait3A_115 = arith.constant 0 : i32
    %dma_wait3A_116 = tpu.memref_slice %arg6[%dma_wait3A_114, %dma_wait3A_115] : memref<1152x96xf32, #tpu.memory_space<vmem>> -> memref<128x96xf32, #tpu.memory_space<vmem>>
    %dma_wait3A_117 = arith.constant 0 : i32
    %dma_wait3A_118 = tpu.memref_slice %arg5[%dma_wait3A_113, %dma_wait3A_117] : memref<9x128xi32, #tpu.memory_space<vmem>> -> memref<1x128xi32, #tpu.memory_space<vmem>>
    %dma_wait3A_119 = tpu.memref_squeeze %dma_wait3A_118 : memref<1x128xi32, #tpu.memory_space<vmem>> -> memref<128xi32, #tpu.memory_space<vmem>>
    %dma_wait3A_120 = arith.constant 0 : i32
    %dma_wait3A_121 = arith.constant 0 : i32
    %dma_wait3A_122 = tpu.memref_slice %arg2[%dma_wait3A_120, %dma_wait3A_121] : memref<8192x96xf32, #tpu.memory_space<hbm>> -> memref<8192x96xf32, #tpu.memory_space<hbm>>
    tpu.wait_indirect_dma semaphore(%arg8 : memref<!tpu.dma_semaphore, #tpu.memory_space<semaphore_mem>>) src(%dma_wait3A_122 : memref<8192x96xf32, #tpu.memory_space<hbm>>) dst(%dma_wait3A_116 : memref<128x96xf32, #tpu.memory_space<vmem>>)
    %dma_wait3A_123 = arith.constant 3 : i32
    %dma_wait3A_124 = arith.constant 384 : i32
    %dma_wait3A_125 = arith.constant 0 : i32
    %dma_wait3A_126 = tpu.memref_slice %arg6[%dma_wait3A_124, %dma_wait3A_125] : memref<1152x96xf32, #tpu.memory_space<vmem>> -> memref<128x96xf32, #tpu.memory_space<vmem>>
    %dma_wait3A_127 = arith.constant 0 : i32
    %dma_wait3A_128 = tpu.memref_slice %arg5[%dma_wait3A_123, %dma_wait3A_127] : memref<9x128xi32, #tpu.memory_space<vmem>> -> memref<1x128xi32, #tpu.memory_space<vmem>>
    %dma_wait3A_129 = tpu.memref_squeeze %dma_wait3A_128 : memref<1x128xi32, #tpu.memory_space<vmem>> -> memref<128xi32, #tpu.memory_space<vmem>>
    %dma_wait3A_130 = arith.constant 0 : i32
    %dma_wait3A_131 = arith.constant 0 : i32
    %dma_wait3A_132 = tpu.memref_slice %arg2[%dma_wait3A_130, %dma_wait3A_131] : memref<8192x96xf32, #tpu.memory_space<hbm>> -> memref<8192x96xf32, #tpu.memory_space<hbm>>
    tpu.wait_indirect_dma semaphore(%arg8 : memref<!tpu.dma_semaphore, #tpu.memory_space<semaphore_mem>>) src(%dma_wait3A_132 : memref<8192x96xf32, #tpu.memory_space<hbm>>) dst(%dma_wait3A_126 : memref<128x96xf32, #tpu.memory_space<vmem>>)
    %dma_wait3A_133 = arith.constant 4 : i32
    %dma_wait3A_134 = arith.constant 512 : i32
    %dma_wait3A_135 = arith.constant 0 : i32
    %dma_wait3A_136 = tpu.memref_slice %arg6[%dma_wait3A_134, %dma_wait3A_135] : memref<1152x96xf32, #tpu.memory_space<vmem>> -> memref<128x96xf32, #tpu.memory_space<vmem>>
    %dma_wait3A_137 = arith.constant 0 : i32
    %dma_wait3A_138 = tpu.memref_slice %arg5[%dma_wait3A_133, %dma_wait3A_137] : memref<9x128xi32, #tpu.memory_space<vmem>> -> memref<1x128xi32, #tpu.memory_space<vmem>>
    %dma_wait3A_139 = tpu.memref_squeeze %dma_wait3A_138 : memref<1x128xi32, #tpu.memory_space<vmem>> -> memref<128xi32, #tpu.memory_space<vmem>>
    %dma_wait3A_140 = arith.constant 0 : i32
    %dma_wait3A_141 = arith.constant 0 : i32
    %dma_wait3A_142 = tpu.memref_slice %arg2[%dma_wait3A_140, %dma_wait3A_141] : memref<8192x96xf32, #tpu.memory_space<hbm>> -> memref<8192x96xf32, #tpu.memory_space<hbm>>
    tpu.wait_indirect_dma semaphore(%arg8 : memref<!tpu.dma_semaphore, #tpu.memory_space<semaphore_mem>>) src(%dma_wait3A_142 : memref<8192x96xf32, #tpu.memory_space<hbm>>) dst(%dma_wait3A_136 : memref<128x96xf32, #tpu.memory_space<vmem>>)
    %dma_wait3A_143 = arith.constant 5 : i32
    %dma_wait3A_144 = arith.constant 640 : i32
    %dma_wait3A_145 = arith.constant 0 : i32
    %dma_wait3A_146 = tpu.memref_slice %arg6[%dma_wait3A_144, %dma_wait3A_145] : memref<1152x96xf32, #tpu.memory_space<vmem>> -> memref<128x96xf32, #tpu.memory_space<vmem>>
    %dma_wait3A_147 = arith.constant 0 : i32
    %dma_wait3A_148 = tpu.memref_slice %arg5[%dma_wait3A_143, %dma_wait3A_147] : memref<9x128xi32, #tpu.memory_space<vmem>> -> memref<1x128xi32, #tpu.memory_space<vmem>>
    %dma_wait3A_149 = tpu.memref_squeeze %dma_wait3A_148 : memref<1x128xi32, #tpu.memory_space<vmem>> -> memref<128xi32, #tpu.memory_space<vmem>>
    %dma_wait3A_150 = arith.constant 0 : i32
    %dma_wait3A_151 = arith.constant 0 : i32
    %dma_wait3A_152 = tpu.memref_slice %arg2[%dma_wait3A_150, %dma_wait3A_151] : memref<8192x96xf32, #tpu.memory_space<hbm>> -> memref<8192x96xf32, #tpu.memory_space<hbm>>
    tpu.wait_indirect_dma semaphore(%arg8 : memref<!tpu.dma_semaphore, #tpu.memory_space<semaphore_mem>>) src(%dma_wait3A_152 : memref<8192x96xf32, #tpu.memory_space<hbm>>) dst(%dma_wait3A_146 : memref<128x96xf32, #tpu.memory_space<vmem>>)
    %dma_wait3A_153 = arith.constant 6 : i32
    %dma_wait3A_154 = arith.constant 768 : i32
    %dma_wait3A_155 = arith.constant 0 : i32
    %dma_wait3A_156 = tpu.memref_slice %arg6[%dma_wait3A_154, %dma_wait3A_155] : memref<1152x96xf32, #tpu.memory_space<vmem>> -> memref<128x96xf32, #tpu.memory_space<vmem>>
    %dma_wait3A_157 = arith.constant 0 : i32
    %dma_wait3A_158 = tpu.memref_slice %arg5[%dma_wait3A_153, %dma_wait3A_157] : memref<9x128xi32, #tpu.memory_space<vmem>> -> memref<1x128xi32, #tpu.memory_space<vmem>>
    %dma_wait3A_159 = tpu.memref_squeeze %dma_wait3A_158 : memref<1x128xi32, #tpu.memory_space<vmem>> -> memref<128xi32, #tpu.memory_space<vmem>>
    %dma_wait3A_160 = arith.constant 0 : i32
    %dma_wait3A_161 = arith.constant 0 : i32
    %dma_wait3A_162 = tpu.memref_slice %arg2[%dma_wait3A_160, %dma_wait3A_161] : memref<8192x96xf32, #tpu.memory_space<hbm>> -> memref<8192x96xf32, #tpu.memory_space<hbm>>
    tpu.wait_indirect_dma semaphore(%arg8 : memref<!tpu.dma_semaphore, #tpu.memory_space<semaphore_mem>>) src(%dma_wait3A_162 : memref<8192x96xf32, #tpu.memory_space<hbm>>) dst(%dma_wait3A_156 : memref<128x96xf32, #tpu.memory_space<vmem>>)
    %dma_wait3A_163 = arith.constant 7 : i32
    %dma_wait3A_164 = arith.constant 896 : i32
    %dma_wait3A_165 = arith.constant 0 : i32
    %dma_wait3A_166 = tpu.memref_slice %arg6[%dma_wait3A_164, %dma_wait3A_165] : memref<1152x96xf32, #tpu.memory_space<vmem>> -> memref<128x96xf32, #tpu.memory_space<vmem>>
    %dma_wait3A_167 = arith.constant 0 : i32
    %dma_wait3A_168 = tpu.memref_slice %arg5[%dma_wait3A_163, %dma_wait3A_167] : memref<9x128xi32, #tpu.memory_space<vmem>> -> memref<1x128xi32, #tpu.memory_space<vmem>>
    %dma_wait3A_169 = tpu.memref_squeeze %dma_wait3A_168 : memref<1x128xi32, #tpu.memory_space<vmem>> -> memref<128xi32, #tpu.memory_space<vmem>>
    %dma_wait3A_170 = arith.constant 0 : i32
    %dma_wait3A_171 = arith.constant 0 : i32
    %dma_wait3A_172 = tpu.memref_slice %arg2[%dma_wait3A_170, %dma_wait3A_171] : memref<8192x96xf32, #tpu.memory_space<hbm>> -> memref<8192x96xf32, #tpu.memory_space<hbm>>
    tpu.wait_indirect_dma semaphore(%arg8 : memref<!tpu.dma_semaphore, #tpu.memory_space<semaphore_mem>>) src(%dma_wait3A_172 : memref<8192x96xf32, #tpu.memory_space<hbm>>) dst(%dma_wait3A_166 : memref<128x96xf32, #tpu.memory_space<vmem>>)
    %dma_wait3A_173 = arith.constant 8 : i32
    %dma_wait3A_174 = arith.constant 1024 : i32
    %dma_wait3A_175 = arith.constant 0 : i32
    %dma_wait3A_176 = tpu.memref_slice %arg6[%dma_wait3A_174, %dma_wait3A_175] : memref<1152x96xf32, #tpu.memory_space<vmem>> -> memref<128x96xf32, #tpu.memory_space<vmem>>
    %dma_wait3A_177 = arith.constant 0 : i32
    %dma_wait3A_178 = tpu.memref_slice %arg5[%dma_wait3A_173, %dma_wait3A_177] : memref<9x128xi32, #tpu.memory_space<vmem>> -> memref<1x128xi32, #tpu.memory_space<vmem>>
    %dma_wait3A_179 = tpu.memref_squeeze %dma_wait3A_178 : memref<1x128xi32, #tpu.memory_space<vmem>> -> memref<128xi32, #tpu.memory_space<vmem>>
    %dma_wait3A_180 = arith.constant 0 : i32
    %dma_wait3A_181 = arith.constant 0 : i32
    %dma_wait3A_182 = tpu.memref_slice %arg2[%dma_wait3A_180, %dma_wait3A_181] : memref<8192x96xf32, #tpu.memory_space<hbm>> -> memref<8192x96xf32, #tpu.memory_space<hbm>>
    tpu.wait_indirect_dma semaphore(%arg8 : memref<!tpu.dma_semaphore, #tpu.memory_space<semaphore_mem>>) src(%dma_wait3A_182 : memref<8192x96xf32, #tpu.memory_space<hbm>>) dst(%dma_wait3A_176 : memref<128x96xf32, #tpu.memory_space<vmem>>)
    %scan3A = arith.constant 0 : i32
    %scan3A_183 = arith.constant 0 : i32
    %scan3A_184 = arith.constant 128 : i32
    %scan3A_185 = arith.addi %scan3A_183, %scan3A_184 : i32
    %scan3A_186 = arith.constant 1 : i32
    scf.for %scan3A_382 = %scan3A_183 to %scan3A_185 step %scan3A_186  : i32 {
      %get3A = arith.index_cast %scan3A_382 : i32 to index
      %get3A_383 = arith.constant 0 : index
      %get3A_384 = tpu.vector_load %arg6[%get3A, %get3A_383] {strides = array<i32>} : memref<1152x96xf32, #tpu.memory_space<vmem>>, vector<1x16xf32>,
      %get3A_385 = vector.shape_cast %get3A_384 : vector<1x16xf32> to vector<16xf32>
      %add3A_386 = arith.constant 128 : i32
      %add3A_387 = arith.addi %add3A_386, %scan3A_382 : i32
      %get3A_388 = arith.index_cast %add3A_387 : i32 to index
      %get3A_389 = arith.constant 0 : index
      %get3A_390 = tpu.vector_load %arg6[%get3A_388, %get3A_389] {strides = array<i32>} : memref<1152x96xf32, #tpu.memory_space<vmem>>, vector<1x16xf32>,
      %get3A_391 = vector.shape_cast %get3A_390 : vector<1x16xf32> to vector<16xf32>
      %max3A = arith.maximumf %get3A_385, %get3A_391 : vector<16xf32>
      %add3A_392 = arith.constant 256 : i32
      %add3A_393 = arith.addi %add3A_392, %scan3A_382 : i32
      %get3A_394 = arith.index_cast %add3A_393 : i32 to index
      %get3A_395 = arith.constant 0 : index
      %get3A_396 = tpu.vector_load %arg6[%get3A_394, %get3A_395] {strides = array<i32>} : memref<1152x96xf32, #tpu.memory_space<vmem>>, vector<1x16xf32>,
      %get3A_397 = vector.shape_cast %get3A_396 : vector<1x16xf32> to vector<16xf32>
      %max3A_398 = arith.maximumf %max3A, %get3A_397 : vector<16xf32>
      %add3A_399 = arith.constant 384 : i32
      %add3A_400 = arith.addi %add3A_399, %scan3A_382 : i32
      %get3A_401 = arith.index_cast %add3A_400 : i32 to index
      %get3A_402 = arith.constant 0 : index
      %get3A_403 = tpu.vector_load %arg6[%get3A_401, %get3A_402] {strides = array<i32>} : memref<1152x96xf32, #tpu.memory_space<vmem>>, vector<1x16xf32>,
      %get3A_404 = vector.shape_cast %get3A_403 : vector<1x16xf32> to vector<16xf32>
      %max3A_405 = arith.maximumf %max3A_398, %get3A_404 : vector<16xf32>
      %add3A_406 = arith.constant 512 : i32
      %add3A_407 = arith.addi %add3A_406, %scan3A_382 : i32
      %get3A_408 = arith.index_cast %add3A_407 : i32 to index
      %get3A_409 = arith.constant 0 : index
      %get3A_410 = tpu.vector_load %arg6[%get3A_408, %get3A_409] {strides = array<i32>} : memref<1152x96xf32, #tpu.memory_space<vmem>>, vector<1x16xf32>,
      %get3A_411 = vector.shape_cast %get3A_410 : vector<1x16xf32> to vector<16xf32>
      %max3A_412 = arith.maximumf %max3A_405, %get3A_411 : vector<16xf32>
      %add3A_413 = arith.constant 640 : i32
      %add3A_414 = arith.addi %add3A_413, %scan3A_382 : i32
      %get3A_415 = arith.index_cast %add3A_414 : i32 to index
      %get3A_416 = arith.constant 0 : index
      %get3A_417 = tpu.vector_load %arg6[%get3A_415, %get3A_416] {strides = array<i32>} : memref<1152x96xf32, #tpu.memory_space<vmem>>, vector<1x16xf32>,
      %get3A_418 = vector.shape_cast %get3A_417 : vector<1x16xf32> to vector<16xf32>
      %max3A_419 = arith.maximumf %max3A_412, %get3A_418 : vector<16xf32>
      %add3A_420 = arith.constant 768 : i32
      %add3A_421 = arith.addi %add3A_420, %scan3A_382 : i32
      %get3A_422 = arith.index_cast %add3A_421 : i32 to index
      %get3A_423 = arith.constant 0 : index
      %get3A_424 = tpu.vector_load %arg6[%get3A_422, %get3A_423] {strides = array<i32>} : memref<1152x96xf32, #tpu.memory_space<vmem>>, vector<1x16xf32>,
      %get3A_425 = vector.shape_cast %get3A_424 : vector<1x16xf32> to vector<16xf32>
      %max3A_426 = arith.maximumf %max3A_419, %get3A_425 : vector<16xf32>
      %add3A_427 = arith.constant 896 : i32
      %add3A_428 = arith.addi %add3A_427, %scan3A_382 : i32
      %get3A_429 = arith.index_cast %add3A_428 : i32 to index
      %get3A_430 = arith.constant 0 : index
      %get3A_431 = tpu.vector_load %arg6[%get3A_429, %get3A_430] {strides = array<i32>} : memref<1152x96xf32, #tpu.memory_space<vmem>>, vector<1x16xf32>,
      %get3A_432 = vector.shape_cast %get3A_431 : vector<1x16xf32> to vector<16xf32>
      %max3A_433 = arith.maximumf %max3A_426, %get3A_432 : vector<16xf32>
      %add3A_434 = arith.constant 1024 : i32
      %add3A_435 = arith.addi %add3A_434, %scan3A_382 : i32
      %get3A_436 = arith.index_cast %add3A_435 : i32 to index
      %get3A_437 = arith.constant 0 : index
      %get3A_438 = tpu.vector_load %arg6[%get3A_436, %get3A_437] {strides = array<i32>} : memref<1152x96xf32, #tpu.memory_space<vmem>>, vector<1x16xf32>,
      %get3A_439 = vector.shape_cast %get3A_438 : vector<1x16xf32> to vector<16xf32>
      %max3A_440 = arith.maximumf %max3A_433, %get3A_439 : vector<16xf32>
      %swap3A = arith.index_cast %scan3A_382 : i32 to index
      %swap3A_441 = arith.constant 0 : index
      %swap3A_442 = tpu.vector_load %arg7[%swap3A, %swap3A_441] {strides = array<i32>} : memref<128x96xf32, #tpu.memory_space<vmem>>, vector<1x16xf32>,
      %swap3A_443 = vector.shape_cast %swap3A_442 : vector<1x16xf32> to vector<16xf32>
      %swap3A_444 = vector.shape_cast %max3A_440 : vector<16xf32> to vector<1x16xf32>
      tpu.vector_store %arg7[%swap3A, %swap3A_441], %swap3A_444 {strides = array<i32>} : memref<128x96xf32, #tpu.memory_space<vmem>>, vector<1x16xf32>,
      %get3A_445 = arith.index_cast %scan3A_382 : i32 to index
      %get3A_446 = arith.constant 16 : index
      %get3A_447 = tpu.vector_load %arg6[%get3A_445, %get3A_446] {strides = array<i32>} : memref<1152x96xf32, #tpu.memory_space<vmem>>, vector<1x16xf32>,
      %get3A_448 = vector.shape_cast %get3A_447 : vector<1x16xf32> to vector<16xf32>
      %add3A_449 = arith.constant 128 : i32
      %add3A_450 = arith.addi %add3A_449, %scan3A_382 : i32
      %get3A_451 = arith.index_cast %add3A_450 : i32 to index
      %get3A_452 = arith.constant 16 : index
      %get3A_453 = tpu.vector_load %arg6[%get3A_451, %get3A_452] {strides = array<i32>} : memref<1152x96xf32, #tpu.memory_space<vmem>>, vector<1x16xf32>,
      %get3A_454 = vector.shape_cast %get3A_453 : vector<1x16xf32> to vector<16xf32>
      %max3A_455 = arith.maximumf %get3A_448, %get3A_454 : vector<16xf32>
      %add3A_456 = arith.constant 256 : i32
      %add3A_457 = arith.addi %add3A_456, %scan3A_382 : i32
      %get3A_458 = arith.index_cast %add3A_457 : i32 to index
      %get3A_459 = arith.constant 16 : index
      %get3A_460 = tpu.vector_load %arg6[%get3A_458, %get3A_459] {strides = array<i32>} : memref<1152x96xf32, #tpu.memory_space<vmem>>, vector<1x16xf32>,
      %get3A_461 = vector.shape_cast %get3A_460 : vector<1x16xf32> to vector<16xf32>
      %max3A_462 = arith.maximumf %max3A_455, %get3A_461 : vector<16xf32>
      %add3A_463 = arith.constant 384 : i32
      %add3A_464 = arith.addi %add3A_463, %scan3A_382 : i32
      %get3A_465 = arith.index_cast %add3A_464 : i32 to index
      %get3A_466 = arith.constant 16 : index
      %get3A_467 = tpu.vector_load %arg6[%get3A_465, %get3A_466] {strides = array<i32>} : memref<1152x96xf32, #tpu.memory_space<vmem>>, vector<1x16xf32>,
      %get3A_468 = vector.shape_cast %get3A_467 : vector<1x16xf32> to vector<16xf32>
      %max3A_469 = arith.maximumf %max3A_462, %get3A_468 : vector<16xf32>
      %add3A_470 = arith.constant 512 : i32
      %add3A_471 = arith.addi %add3A_470, %scan3A_382 : i32
      %get3A_472 = arith.index_cast %add3A_471 : i32 to index
      %get3A_473 = arith.constant 16 : index
      %get3A_474 = tpu.vector_load %arg6[%get3A_472, %get3A_473] {strides = array<i32>} : memref<1152x96xf32, #tpu.memory_space<vmem>>, vector<1x16xf32>,
      %get3A_475 = vector.shape_cast %get3A_474 : vector<1x16xf32> to vector<16xf32>
      %max3A_476 = arith.maximumf %max3A_469, %get3A_475 : vector<16xf32>
      %add3A_477 = arith.constant 640 : i32
      %add3A_478 = arith.addi %add3A_477, %scan3A_382 : i32
      %get3A_479 = arith.index_cast %add3A_478 : i32 to index
      %get3A_480 = arith.constant 16 : index
      %get3A_481 = tpu.vector_load %arg6[%get3A_479, %get3A_480] {strides = array<i32>} : memref<1152x96xf32, #tpu.memory_space<vmem>>, vector<1x16xf32>,
      %get3A_482 = vector.shape_cast %get3A_481 : vector<1x16xf32> to vector<16xf32>
      %max3A_483 = arith.maximumf %max3A_476, %get3A_482 : vector<16xf32>
      %add3A_484 = arith.constant 768 : i32
      %add3A_485 = arith.addi %add3A_484, %scan3A_382 : i32
      %get3A_486 = arith.index_cast %add3A_485 : i32 to index
      %get3A_487 = arith.constant 16 : index
      %get3A_488 = tpu.vector_load %arg6[%get3A_486, %get3A_487] {strides = array<i32>} : memref<1152x96xf32, #tpu.memory_space<vmem>>, vector<1x16xf32>,
      %get3A_489 = vector.shape_cast %get3A_488 : vector<1x16xf32> to vector<16xf32>
      %max3A_490 = arith.maximumf %max3A_483, %get3A_489 : vector<16xf32>
      %add3A_491 = arith.constant 896 : i32
      %add3A_492 = arith.addi %add3A_491, %scan3A_382 : i32
      %get3A_493 = arith.index_cast %add3A_492 : i32 to index
      %get3A_494 = arith.constant 16 : index
      %get3A_495 = tpu.vector_load %arg6[%get3A_493, %get3A_494] {strides = array<i32>} : memref<1152x96xf32, #tpu.memory_space<vmem>>, vector<1x16xf32>,
      %get3A_496 = vector.shape_cast %get3A_495 : vector<1x16xf32> to vector<16xf32>
      %max3A_497 = arith.maximumf %max3A_490, %get3A_496 : vector<16xf32>
      %add3A_498 = arith.constant 1024 : i32
      %add3A_499 = arith.addi %add3A_498, %scan3A_382 : i32
      %get3A_500 = arith.index_cast %add3A_499 : i32 to index
      %get3A_501 = arith.constant 16 : index
      %get3A_502 = tpu.vector_load %arg6[%get3A_500, %get3A_501] {strides = array<i32>} : memref<1152x96xf32, #tpu.memory_space<vmem>>, vector<1x16xf32>,
      %get3A_503 = vector.shape_cast %get3A_502 : vector<1x16xf32> to vector<16xf32>
      %max3A_504 = arith.maximumf %max3A_497, %get3A_503 : vector<16xf32>
      %swap3A_505 = arith.index_cast %scan3A_382 : i32 to index
      %swap3A_506 = arith.constant 16 : index
      %swap3A_507 = tpu.vector_load %arg7[%swap3A_505, %swap3A_506] {strides = array<i32>} : memref<128x96xf32, #tpu.memory_space<vmem>>, vector<1x16xf32>,
      %swap3A_508 = vector.shape_cast %swap3A_507 : vector<1x16xf32> to vector<16xf32>
      %swap3A_509 = vector.shape_cast %max3A_504 : vector<16xf32> to vector<1x16xf32>
      tpu.vector_store %arg7[%swap3A_505, %swap3A_506], %swap3A_509 {strides = array<i32>} : memref<128x96xf32, #tpu.memory_space<vmem>>, vector<1x16xf32>,
      %get3A_510 = arith.index_cast %scan3A_382 : i32 to index
      %get3A_511 = arith.constant 32 : index
      %get3A_512 = tpu.vector_load %arg6[%get3A_510, %get3A_511] {strides = array<i32>} : memref<1152x96xf32, #tpu.memory_space<vmem>>, vector<1x16xf32>,
      %get3A_513 = vector.shape_cast %get3A_512 : vector<1x16xf32> to vector<16xf32>
      %add3A_514 = arith.constant 128 : i32
      %add3A_515 = arith.addi %add3A_514, %scan3A_382 : i32
      %get3A_516 = arith.index_cast %add3A_515 : i32 to index
      %get3A_517 = arith.constant 32 : index
      %get3A_518 = tpu.vector_load %arg6[%get3A_516, %get3A_517] {strides = array<i32>} : memref<1152x96xf32, #tpu.memory_space<vmem>>, vector<1x16xf32>,
      %get3A_519 = vector.shape_cast %get3A_518 : vector<1x16xf32> to vector<16xf32>
      %max3A_520 = arith.maximumf %get3A_513, %get3A_519 : vector<16xf32>
      %add3A_521 = arith.constant 256 : i32
      %add3A_522 = arith.addi %add3A_521, %scan3A_382 : i32
      %get3A_523 = arith.index_cast %add3A_522 : i32 to index
      %get3A_524 = arith.constant 32 : index
      %get3A_525 = tpu.vector_load %arg6[%get3A_523, %get3A_524] {strides = array<i32>} : memref<1152x96xf32, #tpu.memory_space<vmem>>, vector<1x16xf32>,
      %get3A_526 = vector.shape_cast %get3A_525 : vector<1x16xf32> to vector<16xf32>
      %max3A_527 = arith.maximumf %max3A_520, %get3A_526 : vector<16xf32>
      %add3A_528 = arith.constant 384 : i32
      %add3A_529 = arith.addi %add3A_528, %scan3A_382 : i32
      %get3A_530 = arith.index_cast %add3A_529 : i32 to index
      %get3A_531 = arith.constant 32 : index
      %get3A_532 = tpu.vector_load %arg6[%get3A_530, %get3A_531] {strides = array<i32>} : memref<1152x96xf32, #tpu.memory_space<vmem>>, vector<1x16xf32>,
      %get3A_533 = vector.shape_cast %get3A_532 : vector<1x16xf32> to vector<16xf32>
      %max3A_534 = arith.maximumf %max3A_527, %get3A_533 : vector<16xf32>
      %add3A_535 = arith.constant 512 : i32
      %add3A_536 = arith.addi %add3A_535, %scan3A_382 : i32
      %get3A_537 = arith.index_cast %add3A_536 : i32 to index
      %get3A_538 = arith.constant 32 : index
      %get3A_539 = tpu.vector_load %arg6[%get3A_537, %get3A_538] {strides = array<i32>} : memref<1152x96xf32, #tpu.memory_space<vmem>>, vector<1x16xf32>,
      %get3A_540 = vector.shape_cast %get3A_539 : vector<1x16xf32> to vector<16xf32>
      %max3A_541 = arith.maximumf %max3A_534, %get3A_540 : vector<16xf32>
      %add3A_542 = arith.constant 640 : i32
      %add3A_543 = arith.addi %add3A_542, %scan3A_382 : i32
      %get3A_544 = arith.index_cast %add3A_543 : i32 to index
      %get3A_545 = arith.constant 32 : index
      %get3A_546 = tpu.vector_load %arg6[%get3A_544, %get3A_545] {strides = array<i32>} : memref<1152x96xf32, #tpu.memory_space<vmem>>, vector<1x16xf32>,
      %get3A_547 = vector.shape_cast %get3A_546 : vector<1x16xf32> to vector<16xf32>
      %max3A_548 = arith.maximumf %max3A_541, %get3A_547 : vector<16xf32>
      %add3A_549 = arith.constant 768 : i32
      %add3A_550 = arith.addi %add3A_549, %scan3A_382 : i32
      %get3A_551 = arith.index_cast %add3A_550 : i32 to index
      %get3A_552 = arith.constant 32 : index
      %get3A_553 = tpu.vector_load %arg6[%get3A_551, %get3A_552] {strides = array<i32>} : memref<1152x96xf32, #tpu.memory_space<vmem>>, vector<1x16xf32>,
      %get3A_554 = vector.shape_cast %get3A_553 : vector<1x16xf32> to vector<16xf32>
      %max3A_555 = arith.maximumf %max3A_548, %get3A_554 : vector<16xf32>
      %add3A_556 = arith.constant 896 : i32
      %add3A_557 = arith.addi %add3A_556, %scan3A_382 : i32
      %get3A_558 = arith.index_cast %add3A_557 : i32 to index
      %get3A_559 = arith.constant 32 : index
      %get3A_560 = tpu.vector_load %arg6[%get3A_558, %get3A_559] {strides = array<i32>} : memref<1152x96xf32, #tpu.memory_space<vmem>>, vector<1x16xf32>,
      %get3A_561 = vector.shape_cast %get3A_560 : vector<1x16xf32> to vector<16xf32>
      %max3A_562 = arith.maximumf %max3A_555, %get3A_561 : vector<16xf32>
      %add3A_563 = arith.constant 1024 : i32
      %add3A_564 = arith.addi %add3A_563, %scan3A_382 : i32
      %get3A_565 = arith.index_cast %add3A_564 : i32 to index
      %get3A_566 = arith.constant 32 : index
      %get3A_567 = tpu.vector_load %arg6[%get3A_565, %get3A_566] {strides = array<i32>} : memref<1152x96xf32, #tpu.memory_space<vmem>>, vector<1x16xf32>,
      %get3A_568 = vector.shape_cast %get3A_567 : vector<1x16xf32> to vector<16xf32>
      %max3A_569 = arith.maximumf %max3A_562, %get3A_568 : vector<16xf32>
      %swap3A_570 = arith.index_cast %scan3A_382 : i32 to index
      %swap3A_571 = arith.constant 32 : index
      %swap3A_572 = tpu.vector_load %arg7[%swap3A_570, %swap3A_571] {strides = array<i32>} : memref<128x96xf32, #tpu.memory_space<vmem>>, vector<1x16xf32>,
      %swap3A_573 = vector.shape_cast %swap3A_572 : vector<1x16xf32> to vector<16xf32>
      %swap3A_574 = vector.shape_cast %max3A_569 : vector<16xf32> to vector<1x16xf32>
      tpu.vector_store %arg7[%swap3A_570, %swap3A_571], %swap3A_574 {strides = array<i32>} : memref<128x96xf32, #tpu.memory_space<vmem>>, vector<1x16xf32>,
      %get3A_575 = arith.index_cast %scan3A_382 : i32 to index
      %get3A_576 = arith.constant 48 : index
      %get3A_577 = tpu.vector_load %arg6[%get3A_575, %get3A_576] {strides = array<i32>} : memref<1152x96xf32, #tpu.memory_space<vmem>>, vector<1x16xf32>,
      %get3A_578 = vector.shape_cast %get3A_577 : vector<1x16xf32> to vector<16xf32>
      %add3A_579 = arith.constant 128 : i32
      %add3A_580 = arith.addi %add3A_579, %scan3A_382 : i32
      %get3A_581 = arith.index_cast %add3A_580 : i32 to index
      %get3A_582 = arith.constant 48 : index
      %get3A_583 = tpu.vector_load %arg6[%get3A_581, %get3A_582] {strides = array<i32>} : memref<1152x96xf32, #tpu.memory_space<vmem>>, vector<1x16xf32>,
      %get3A_584 = vector.shape_cast %get3A_583 : vector<1x16xf32> to vector<16xf32>
      %max3A_585 = arith.maximumf %get3A_578, %get3A_584 : vector<16xf32>
      %add3A_586 = arith.constant 256 : i32
      %add3A_587 = arith.addi %add3A_586, %scan3A_382 : i32
      %get3A_588 = arith.index_cast %add3A_587 : i32 to index
      %get3A_589 = arith.constant 48 : index
      %get3A_590 = tpu.vector_load %arg6[%get3A_588, %get3A_589] {strides = array<i32>} : memref<1152x96xf32, #tpu.memory_space<vmem>>, vector<1x16xf32>,
      %get3A_591 = vector.shape_cast %get3A_590 : vector<1x16xf32> to vector<16xf32>
      %max3A_592 = arith.maximumf %max3A_585, %get3A_591 : vector<16xf32>
      %add3A_593 = arith.constant 384 : i32
      %add3A_594 = arith.addi %add3A_593, %scan3A_382 : i32
      %get3A_595 = arith.index_cast %add3A_594 : i32 to index
      %get3A_596 = arith.constant 48 : index
      %get3A_597 = tpu.vector_load %arg6[%get3A_595, %get3A_596] {strides = array<i32>} : memref<1152x96xf32, #tpu.memory_space<vmem>>, vector<1x16xf32>,
      %get3A_598 = vector.shape_cast %get3A_597 : vector<1x16xf32> to vector<16xf32>
      %max3A_599 = arith.maximumf %max3A_592, %get3A_598 : vector<16xf32>
      %add3A_600 = arith.constant 512 : i32
      %add3A_601 = arith.addi %add3A_600, %scan3A_382 : i32
      %get3A_602 = arith.index_cast %add3A_601 : i32 to index
      %get3A_603 = arith.constant 48 : index
      %get3A_604 = tpu.vector_load %arg6[%get3A_602, %get3A_603] {strides = array<i32>} : memref<1152x96xf32, #tpu.memory_space<vmem>>, vector<1x16xf32>,
      %get3A_605 = vector.shape_cast %get3A_604 : vector<1x16xf32> to vector<16xf32>
      %max3A_606 = arith.maximumf %max3A_599, %get3A_605 : vector<16xf32>
      %add3A_607 = arith.constant 640 : i32
      %add3A_608 = arith.addi %add3A_607, %scan3A_382 : i32
      %get3A_609 = arith.index_cast %add3A_608 : i32 to index
      %get3A_610 = arith.constant 48 : index
      %get3A_611 = tpu.vector_load %arg6[%get3A_609, %get3A_610] {strides = array<i32>} : memref<1152x96xf32, #tpu.memory_space<vmem>>, vector<1x16xf32>,
      %get3A_612 = vector.shape_cast %get3A_611 : vector<1x16xf32> to vector<16xf32>
      %max3A_613 = arith.maximumf %max3A_606, %get3A_612 : vector<16xf32>
      %add3A_614 = arith.constant 768 : i32
      %add3A_615 = arith.addi %add3A_614, %scan3A_382 : i32
      %get3A_616 = arith.index_cast %add3A_615 : i32 to index
      %get3A_617 = arith.constant 48 : index
      %get3A_618 = tpu.vector_load %arg6[%get3A_616, %get3A_617] {strides = array<i32>} : memref<1152x96xf32, #tpu.memory_space<vmem>>, vector<1x16xf32>,
      %get3A_619 = vector.shape_cast %get3A_618 : vector<1x16xf32> to vector<16xf32>
      %max3A_620 = arith.maximumf %max3A_613, %get3A_619 : vector<16xf32>
      %add3A_621 = arith.constant 896 : i32
      %add3A_622 = arith.addi %add3A_621, %scan3A_382 : i32
      %get3A_623 = arith.index_cast %add3A_622 : i32 to index
      %get3A_624 = arith.constant 48 : index
      %get3A_625 = tpu.vector_load %arg6[%get3A_623, %get3A_624] {strides = array<i32>} : memref<1152x96xf32, #tpu.memory_space<vmem>>, vector<1x16xf32>,
      %get3A_626 = vector.shape_cast %get3A_625 : vector<1x16xf32> to vector<16xf32>
      %max3A_627 = arith.maximumf %max3A_620, %get3A_626 : vector<16xf32>
      %add3A_628 = arith.constant 1024 : i32
      %add3A_629 = arith.addi %add3A_628, %scan3A_382 : i32
      %get3A_630 = arith.index_cast %add3A_629 : i32 to index
      %get3A_631 = arith.constant 48 : index
      %get3A_632 = tpu.vector_load %arg6[%get3A_630, %get3A_631] {strides = array<i32>} : memref<1152x96xf32, #tpu.memory_space<vmem>>, vector<1x16xf32>,
      %get3A_633 = vector.shape_cast %get3A_632 : vector<1x16xf32> to vector<16xf32>
      %max3A_634 = arith.maximumf %max3A_627, %get3A_633 : vector<16xf32>
      %swap3A_635 = arith.index_cast %scan3A_382 : i32 to index
      %swap3A_636 = arith.constant 48 : index
      %swap3A_637 = tpu.vector_load %arg7[%swap3A_635, %swap3A_636] {strides = array<i32>} : memref<128x96xf32, #tpu.memory_space<vmem>>, vector<1x16xf32>,
      %swap3A_638 = vector.shape_cast %swap3A_637 : vector<1x16xf32> to vector<16xf32>
      %swap3A_639 = vector.shape_cast %max3A_634 : vector<16xf32> to vector<1x16xf32>
      tpu.vector_store %arg7[%swap3A_635, %swap3A_636], %swap3A_639 {strides = array<i32>} : memref<128x96xf32, #tpu.memory_space<vmem>>, vector<1x16xf32>,
      %get3A_640 = arith.index_cast %scan3A_382 : i32 to index
      %get3A_641 = arith.constant 64 : index
      %get3A_642 = tpu.vector_load %arg6[%get3A_640, %get3A_641] {strides = array<i32>} : memref<1152x96xf32, #tpu.memory_space<vmem>>, vector<1x16xf32>,
      %get3A_643 = vector.shape_cast %get3A_642 : vector<1x16xf32> to vector<16xf32>
      %add3A_644 = arith.constant 128 : i32
      %add3A_645 = arith.addi %add3A_644, %scan3A_382 : i32
      %get3A_646 = arith.index_cast %add3A_645 : i32 to index
      %get3A_647 = arith.constant 64 : index
      %get3A_648 = tpu.vector_load %arg6[%get3A_646, %get3A_647] {strides = array<i32>} : memref<1152x96xf32, #tpu.memory_space<vmem>>, vector<1x16xf32>,
      %get3A_649 = vector.shape_cast %get3A_648 : vector<1x16xf32> to vector<16xf32>
      %max3A_650 = arith.maximumf %get3A_643, %get3A_649 : vector<16xf32>
      %add3A_651 = arith.constant 256 : i32
      %add3A_652 = arith.addi %add3A_651, %scan3A_382 : i32
      %get3A_653 = arith.index_cast %add3A_652 : i32 to index
      %get3A_654 = arith.constant 64 : index
      %get3A_655 = tpu.vector_load %arg6[%get3A_653, %get3A_654] {strides = array<i32>} : memref<1152x96xf32, #tpu.memory_space<vmem>>, vector<1x16xf32>,
      %get3A_656 = vector.shape_cast %get3A_655 : vector<1x16xf32> to vector<16xf32>
      %max3A_657 = arith.maximumf %max3A_650, %get3A_656 : vector<16xf32>
      %add3A_658 = arith.constant 384 : i32
      %add3A_659 = arith.addi %add3A_658, %scan3A_382 : i32
      %get3A_660 = arith.index_cast %add3A_659 : i32 to index
      %get3A_661 = arith.constant 64 : index
      %get3A_662 = tpu.vector_load %arg6[%get3A_660, %get3A_661] {strides = array<i32>} : memref<1152x96xf32, #tpu.memory_space<vmem>>, vector<1x16xf32>,
      %get3A_663 = vector.shape_cast %get3A_662 : vector<1x16xf32> to vector<16xf32>
      %max3A_664 = arith.maximumf %max3A_657, %get3A_663 : vector<16xf32>
      %add3A_665 = arith.constant 512 : i32
      %add3A_666 = arith.addi %add3A_665, %scan3A_382 : i32
      %get3A_667 = arith.index_cast %add3A_666 : i32 to index
      %get3A_668 = arith.constant 64 : index
      %get3A_669 = tpu.vector_load %arg6[%get3A_667, %get3A_668] {strides = array<i32>} : memref<1152x96xf32, #tpu.memory_space<vmem>>, vector<1x16xf32>,
      %get3A_670 = vector.shape_cast %get3A_669 : vector<1x16xf32> to vector<16xf32>
      %max3A_671 = arith.maximumf %max3A_664, %get3A_670 : vector<16xf32>
      %add3A_672 = arith.constant 640 : i32
      %add3A_673 = arith.addi %add3A_672, %scan3A_382 : i32
      %get3A_674 = arith.index_cast %add3A_673 : i32 to index
      %get3A_675 = arith.constant 64 : index
      %get3A_676 = tpu.vector_load %arg6[%get3A_674, %get3A_675] {strides = array<i32>} : memref<1152x96xf32, #tpu.memory_space<vmem>>, vector<1x16xf32>,
      %get3A_677 = vector.shape_cast %get3A_676 : vector<1x16xf32> to vector<16xf32>
      %max3A_678 = arith.maximumf %max3A_671, %get3A_677 : vector<16xf32>
      %add3A_679 = arith.constant 768 : i32
      %add3A_680 = arith.addi %add3A_679, %scan3A_382 : i32
      %get3A_681 = arith.index_cast %add3A_680 : i32 to index
      %get3A_682 = arith.constant 64 : index
      %get3A_683 = tpu.vector_load %arg6[%get3A_681, %get3A_682] {strides = array<i32>} : memref<1152x96xf32, #tpu.memory_space<vmem>>, vector<1x16xf32>,
      %get3A_684 = vector.shape_cast %get3A_683 : vector<1x16xf32> to vector<16xf32>
      %max3A_685 = arith.maximumf %max3A_678, %get3A_684 : vector<16xf32>
      %add3A_686 = arith.constant 896 : i32
      %add3A_687 = arith.addi %add3A_686, %scan3A_382 : i32
      %get3A_688 = arith.index_cast %add3A_687 : i32 to index
      %get3A_689 = arith.constant 64 : index
      %get3A_690 = tpu.vector_load %arg6[%get3A_688, %get3A_689] {strides = array<i32>} : memref<1152x96xf32, #tpu.memory_space<vmem>>, vector<1x16xf32>,
      %get3A_691 = vector.shape_cast %get3A_690 : vector<1x16xf32> to vector<16xf32>
      %max3A_692 = arith.maximumf %max3A_685, %get3A_691 : vector<16xf32>
      %add3A_693 = arith.constant 1024 : i32
      %add3A_694 = arith.addi %add3A_693, %scan3A_382 : i32
      %get3A_695 = arith.index_cast %add3A_694 : i32 to index
      %get3A_696 = arith.constant 64 : index
      %get3A_697 = tpu.vector_load %arg6[%get3A_695, %get3A_696] {strides = array<i32>} : memref<1152x96xf32, #tpu.memory_space<vmem>>, vector<1x16xf32>,
      %get3A_698 = vector.shape_cast %get3A_697 : vector<1x16xf32> to vector<16xf32>
      %max3A_699 = arith.maximumf %max3A_692, %get3A_698 : vector<16xf32>
      %swap3A_700 = arith.index_cast %scan3A_382 : i32 to index
      %swap3A_701 = arith.constant 64 : index
      %swap3A_702 = tpu.vector_load %arg7[%swap3A_700, %swap3A_701] {strides = array<i32>} : memref<128x96xf32, #tpu.memory_space<vmem>>, vector<1x16xf32>,
      %swap3A_703 = vector.shape_cast %swap3A_702 : vector<1x16xf32> to vector<16xf32>
      %swap3A_704 = vector.shape_cast %max3A_699 : vector<16xf32> to vector<1x16xf32>
      tpu.vector_store %arg7[%swap3A_700, %swap3A_701], %swap3A_704 {strides = array<i32>} : memref<128x96xf32, #tpu.memory_space<vmem>>, vector<1x16xf32>,
      %get3A_705 = arith.index_cast %scan3A_382 : i32 to index
      %get3A_706 = arith.constant 80 : index
      %get3A_707 = tpu.vector_load %arg6[%get3A_705, %get3A_706] {strides = array<i32>} : memref<1152x96xf32, #tpu.memory_space<vmem>>, vector<1x16xf32>,
      %get3A_708 = vector.shape_cast %get3A_707 : vector<1x16xf32> to vector<16xf32>
      %add3A_709 = arith.constant 128 : i32
      %add3A_710 = arith.addi %add3A_709, %scan3A_382 : i32
      %get3A_711 = arith.index_cast %add3A_710 : i32 to index
      %get3A_712 = arith.constant 80 : index
      %get3A_713 = tpu.vector_load %arg6[%get3A_711, %get3A_712] {strides = array<i32>} : memref<1152x96xf32, #tpu.memory_space<vmem>>, vector<1x16xf32>,
      %get3A_714 = vector.shape_cast %get3A_713 : vector<1x16xf32> to vector<16xf32>
      %max3A_715 = arith.maximumf %get3A_708, %get3A_714 : vector<16xf32>
      %add3A_716 = arith.constant 256 : i32
      %add3A_717 = arith.addi %add3A_716, %scan3A_382 : i32
      %get3A_718 = arith.index_cast %add3A_717 : i32 to index
      %get3A_719 = arith.constant 80 : index
      %get3A_720 = tpu.vector_load %arg6[%get3A_718, %get3A_719] {strides = array<i32>} : memref<1152x96xf32, #tpu.memory_space<vmem>>, vector<1x16xf32>,
      %get3A_721 = vector.shape_cast %get3A_720 : vector<1x16xf32> to vector<16xf32>
      %max3A_722 = arith.maximumf %max3A_715, %get3A_721 : vector<16xf32>
      %add3A_723 = arith.constant 384 : i32
      %add3A_724 = arith.addi %add3A_723, %scan3A_382 : i32
      %get3A_725 = arith.index_cast %add3A_724 : i32 to index
      %get3A_726 = arith.constant 80 : index
      %get3A_727 = tpu.vector_load %arg6[%get3A_725, %get3A_726] {strides = array<i32>} : memref<1152x96xf32, #tpu.memory_space<vmem>>, vector<1x16xf32>,
      %get3A_728 = vector.shape_cast %get3A_727 : vector<1x16xf32> to vector<16xf32>
      %max3A_729 = arith.maximumf %max3A_722, %get3A_728 : vector<16xf32>
      %add3A_730 = arith.constant 512 : i32
      %add3A_731 = arith.addi %add3A_730, %scan3A_382 : i32
      %get3A_732 = arith.index_cast %add3A_731 : i32 to index
      %get3A_733 = arith.constant 80 : index
      %get3A_734 = tpu.vector_load %arg6[%get3A_732, %get3A_733] {strides = array<i32>} : memref<1152x96xf32, #tpu.memory_space<vmem>>, vector<1x16xf32>,
      %get3A_735 = vector.shape_cast %get3A_734 : vector<1x16xf32> to vector<16xf32>
      %max3A_736 = arith.maximumf %max3A_729, %get3A_735 : vector<16xf32>
      %add3A_737 = arith.constant 640 : i32
      %add3A_738 = arith.addi %add3A_737, %scan3A_382 : i32
      %get3A_739 = arith.index_cast %add3A_738 : i32 to index
      %get3A_740 = arith.constant 80 : index
      %get3A_741 = tpu.vector_load %arg6[%get3A_739, %get3A_740] {strides = array<i32>} : memref<1152x96xf32, #tpu.memory_space<vmem>>, vector<1x16xf32>,
      %get3A_742 = vector.shape_cast %get3A_741 : vector<1x16xf32> to vector<16xf32>
      %max3A_743 = arith.maximumf %max3A_736, %get3A_742 : vector<16xf32>
      %add3A_744 = arith.constant 768 : i32
      %add3A_745 = arith.addi %add3A_744, %scan3A_382 : i32
      %get3A_746 = arith.index_cast %add3A_745 : i32 to index
      %get3A_747 = arith.constant 80 : index
      %get3A_748 = tpu.vector_load %arg6[%get3A_746, %get3A_747] {strides = array<i32>} : memref<1152x96xf32, #tpu.memory_space<vmem>>, vector<1x16xf32>,
      %get3A_749 = vector.shape_cast %get3A_748 : vector<1x16xf32> to vector<16xf32>
      %max3A_750 = arith.maximumf %max3A_743, %get3A_749 : vector<16xf32>
      %add3A_751 = arith.constant 896 : i32
      %add3A_752 = arith.addi %add3A_751, %scan3A_382 : i32
      %get3A_753 = arith.index_cast %add3A_752 : i32 to index
      %get3A_754 = arith.constant 80 : index
      %get3A_755 = tpu.vector_load %arg6[%get3A_753, %get3A_754] {strides = array<i32>} : memref<1152x96xf32, #tpu.memory_space<vmem>>, vector<1x16xf32>,
      %get3A_756 = vector.shape_cast %get3A_755 : vector<1x16xf32> to vector<16xf32>
      %max3A_757 = arith.maximumf %max3A_750, %get3A_756 : vector<16xf32>
      %add3A_758 = arith.constant 1024 : i32
      %add3A_759 = arith.addi %add3A_758, %scan3A_382 : i32
      %get3A_760 = arith.index_cast %add3A_759 : i32 to index
      %get3A_761 = arith.constant 80 : index
      %get3A_762 = tpu.vector_load %arg6[%get3A_760, %get3A_761] {strides = array<i32>} : memref<1152x96xf32, #tpu.memory_space<vmem>>, vector<1x16xf32>,
      %get3A_763 = vector.shape_cast %get3A_762 : vector<1x16xf32> to vector<16xf32>
      %max3A_764 = arith.maximumf %max3A_757, %get3A_763 : vector<16xf32>
      %swap3A_765 = arith.index_cast %scan3A_382 : i32 to index
      %swap3A_766 = arith.constant 80 : index
      %swap3A_767 = tpu.vector_load %arg7[%swap3A_765, %swap3A_766] {strides = array<i32>} : memref<128x96xf32, #tpu.memory_space<vmem>>, vector<1x16xf32>,
      %swap3A_768 = vector.shape_cast %swap3A_767 : vector<1x16xf32> to vector<16xf32>
      %swap3A_769 = vector.shape_cast %max3A_764 : vector<16xf32> to vector<1x16xf32>
      tpu.vector_store %arg7[%swap3A_765, %swap3A_766], %swap3A_769 {strides = array<i32>} : memref<128x96xf32, #tpu.memory_space<vmem>>, vector<1x16xf32>,
    }
    %scan3A_187 = arith.constant 128 : i32
    %mul3A_188 = arith.constant 128 : i32
    %mul3A_189 = arith.muli %add3A_4, %mul3A_188 : i32
    "tpu.region"() ({
      %run_scoped3A = tpu.sem_alloc : memref<!tpu.dma_semaphore, #tpu.memory_space<semaphore_mem>>
      %dma_start3A_382 = arith.constant 0 : i32
      %dma_start3A_383 = tpu.memref_slice %arg4[%mul3A_189, %dma_start3A_382] : memref<8192x96xf32, #tpu.memory_space<hbm>> -> memref<128x96xf32, #tpu.memory_space<hbm>>
      %dma_start3A_384 = arith.constant 0 : i32
      %dma_start3A_385 = tpu.memref_slice %arg4[%mul3A_189, %dma_start3A_384] : memref<8192x96xf32, #tpu.memory_space<hbm>> -> memref<128x96xf32, #tpu.memory_space<hbm>>
      tpu.enqueue_dma source(%arg7 : memref<128x96xf32, #tpu.memory_space<vmem>>) target(%dma_start3A_385 : memref<128x96xf32, #tpu.memory_space<hbm>>) target_semaphore(%run_scoped3A : memref<!tpu.dma_semaphore, #tpu.memory_space<semaphore_mem>>)
      %dma_wait3A_386 = arith.constant 0 : i32
      %dma_wait3A_387 = tpu.memref_slice %arg4[%mul3A_189, %dma_wait3A_386] : memref<8192x96xf32, #tpu.memory_space<hbm>> -> memref<128x96xf32, #tpu.memory_space<hbm>>
      %dma_wait3A_388 = arith.constant 0 : i32
      %dma_wait3A_389 = tpu.memref_slice %arg4[%mul3A_189, %dma_wait3A_388] : memref<8192x96xf32, #tpu.memory_space<hbm>> -> memref<128x96xf32, #tpu.memory_space<hbm>>
      tpu.wait_dma2 semaphore(%run_scoped3A : memref<!tpu.dma_semaphore, #tpu.memory_space<semaphore_mem>>) src(%arg7 : memref<128x96xf32, #tpu.memory_space<vmem>>) dst(%dma_wait3A_389 : memref<128x96xf32, #tpu.memory_space<hbm>>)
      tpu.yield
    }) : () -> ()
    %mul3A_190 = arith.constant 2 : i32
    %mul3A_191 = arith.muli %add3A, %mul3A_190 : i32
    %add3A_192 = arith.constant 1 : i32
    %add3A_193 = arith.addi %mul3A_191, %add3A_192 : i32
    "tpu.region"() ({
      %run_scoped3A = tpu.sem_alloc : memref<!tpu.dma_semaphore, #tpu.memory_space<semaphore_mem>>
      %dma_start3A_382 = arith.constant 0 : i32
      %dma_start3A_383 = arith.constant 0 : i32
      %dma_start3A_384 = tpu.memref_slice %arg3[%add3A_193, %dma_start3A_382, %dma_start3A_383] : memref<64x9x128xi32, #tpu.memory_space<hbm>> -> memref<1x9x128xi32, #tpu.memory_space<hbm>>
      %dma_start3A_385 = tpu.memref_squeeze %dma_start3A_384 : memref<1x9x128xi32, #tpu.memory_space<hbm>> -> memref<9x128xi32, #tpu.memory_space<hbm>>
      %dma_start3A_386 = arith.constant 0 : i32
      %dma_start3A_387 = arith.constant 0 : i32
      %dma_start3A_388 = tpu.memref_slice %arg3[%add3A_193, %dma_start3A_386, %dma_start3A_387] : memref<64x9x128xi32, #tpu.memory_space<hbm>> -> memref<1x9x128xi32, #tpu.memory_space<hbm>>
      %dma_start3A_389 = tpu.memref_squeeze %dma_start3A_388 : memref<1x9x128xi32, #tpu.memory_space<hbm>> -> memref<9x128xi32, #tpu.memory_space<hbm>>
      tpu.enqueue_dma source(%dma_start3A_389 : memref<9x128xi32, #tpu.memory_space<hbm>>) target(%arg5 : memref<9x128xi32, #tpu.memory_space<vmem>>) target_semaphore(%run_scoped3A : memref<!tpu.dma_semaphore, #tpu.memory_space<semaphore_mem>>)
      %dma_wait3A_390 = arith.constant 0 : i32
      %dma_wait3A_391 = arith.constant 0 : i32
      %dma_wait3A_392 = tpu.memref_slice %arg3[%add3A_193, %dma_wait3A_390, %dma_wait3A_391] : memref<64x9x128xi32, #tpu.memory_space<hbm>> -> memref<1x9x128xi32, #tpu.memory_space<hbm>>
      %dma_wait3A_393 = tpu.memref_squeeze %dma_wait3A_392 : memref<1x9x128xi32, #tpu.memory_space<hbm>> -> memref<9x128xi32, #tpu.memory_space<hbm>>
      %dma_wait3A_394 = arith.constant 0 : i32
      %dma_wait3A_395 = arith.constant 0 : i32
      %dma_wait3A_396 = tpu.memref_slice %arg3[%add3A_193, %dma_wait3A_394, %dma_wait3A_395] : memref<64x9x128xi32, #tpu.memory_space<hbm>> -> memref<1x9x128xi32, #tpu.memory_space<hbm>>
      %dma_wait3A_397 = tpu.memref_squeeze %dma_wait3A_396 : memref<1x9x128xi32, #tpu.memory_space<hbm>> -> memref<9x128xi32, #tpu.memory_space<hbm>>
      tpu.wait_dma2 semaphore(%run_scoped3A : memref<!tpu.dma_semaphore, #tpu.memory_space<semaphore_mem>>) src(%dma_wait3A_397 : memref<9x128xi32, #tpu.memory_space<hbm>>) dst(%arg5 : memref<9x128xi32, #tpu.memory_space<vmem>>)
      tpu.yield
    }) : () -> ()
    %dma_start3A_194 = arith.constant 0 : i32
    %dma_start3A_195 = arith.constant 0 : i32
    %dma_start3A_196 = arith.constant 0 : i32
    %dma_start3A_197 = tpu.memref_slice %arg6[%dma_start3A_195, %dma_start3A_196] : memref<1152x96xf32, #tpu.memory_space<vmem>> -> memref<128x96xf32, #tpu.memory_space<vmem>>
    %dma_start3A_198 = arith.constant 0 : i32
    %dma_start3A_199 = tpu.memref_slice %arg5[%dma_start3A_194, %dma_start3A_198] : memref<9x128xi32, #tpu.memory_space<vmem>> -> memref<1x128xi32, #tpu.memory_space<vmem>>
    %dma_start3A_200 = tpu.memref_squeeze %dma_start3A_199 : memref<1x128xi32, #tpu.memory_space<vmem>> -> memref<128xi32, #tpu.memory_space<vmem>>
    %dma_start3A_201 = arith.constant 0 : i32
    %dma_start3A_202 = arith.constant 0 : i32
    %dma_start3A_203 = tpu.memref_slice %arg2[%dma_start3A_201, %dma_start3A_202] : memref<8192x96xf32, #tpu.memory_space<hbm>> -> memref<8192x96xf32, #tpu.memory_space<hbm>>
    tpu.enqueue_indirect_dma source(%dma_start3A_203 : memref<8192x96xf32, #tpu.memory_space<hbm>>) target(%dma_start3A_197 : memref<128x96xf32, #tpu.memory_space<vmem>>) offsets(%dma_start3A_200 : memref<128xi32, #tpu.memory_space<vmem>>) semaphore(%arg8 : memref<!tpu.dma_semaphore, #tpu.memory_space<semaphore_mem>>)
    %dma_start3A_204 = arith.constant 1 : i32
    %dma_start3A_205 = arith.constant 128 : i32
    %dma_start3A_206 = arith.constant 0 : i32
    %dma_start3A_207 = tpu.memref_slice %arg6[%dma_start3A_205, %dma_start3A_206] : memref<1152x96xf32, #tpu.memory_space<vmem>> -> memref<128x96xf32, #tpu.memory_space<vmem>>
    %dma_start3A_208 = arith.constant 0 : i32
    %dma_start3A_209 = tpu.memref_slice %arg5[%dma_start3A_204, %dma_start3A_208] : memref<9x128xi32, #tpu.memory_space<vmem>> -> memref<1x128xi32, #tpu.memory_space<vmem>>
    %dma_start3A_210 = tpu.memref_squeeze %dma_start3A_209 : memref<1x128xi32, #tpu.memory_space<vmem>> -> memref<128xi32, #tpu.memory_space<vmem>>
    %dma_start3A_211 = arith.constant 0 : i32
    %dma_start3A_212 = arith.constant 0 : i32
    %dma_start3A_213 = tpu.memref_slice %arg2[%dma_start3A_211, %dma_start3A_212] : memref<8192x96xf32, #tpu.memory_space<hbm>> -> memref<8192x96xf32, #tpu.memory_space<hbm>>
    tpu.enqueue_indirect_dma source(%dma_start3A_213 : memref<8192x96xf32, #tpu.memory_space<hbm>>) target(%dma_start3A_207 : memref<128x96xf32, #tpu.memory_space<vmem>>) offsets(%dma_start3A_210 : memref<128xi32, #tpu.memory_space<vmem>>) semaphore(%arg8 : memref<!tpu.dma_semaphore, #tpu.memory_space<semaphore_mem>>)
    %dma_start3A_214 = arith.constant 2 : i32
    %dma_start3A_215 = arith.constant 256 : i32
    %dma_start3A_216 = arith.constant 0 : i32
    %dma_start3A_217 = tpu.memref_slice %arg6[%dma_start3A_215, %dma_start3A_216] : memref<1152x96xf32, #tpu.memory_space<vmem>> -> memref<128x96xf32, #tpu.memory_space<vmem>>
    %dma_start3A_218 = arith.constant 0 : i32
    %dma_start3A_219 = tpu.memref_slice %arg5[%dma_start3A_214, %dma_start3A_218] : memref<9x128xi32, #tpu.memory_space<vmem>> -> memref<1x128xi32, #tpu.memory_space<vmem>>
    %dma_start3A_220 = tpu.memref_squeeze %dma_start3A_219 : memref<1x128xi32, #tpu.memory_space<vmem>> -> memref<128xi32, #tpu.memory_space<vmem>>
    %dma_start3A_221 = arith.constant 0 : i32
    %dma_start3A_222 = arith.constant 0 : i32
    %dma_start3A_223 = tpu.memref_slice %arg2[%dma_start3A_221, %dma_start3A_222] : memref<8192x96xf32, #tpu.memory_space<hbm>> -> memref<8192x96xf32, #tpu.memory_space<hbm>>
    tpu.enqueue_indirect_dma source(%dma_start3A_223 : memref<8192x96xf32, #tpu.memory_space<hbm>>) target(%dma_start3A_217 : memref<128x96xf32, #tpu.memory_space<vmem>>) offsets(%dma_start3A_220 : memref<128xi32, #tpu.memory_space<vmem>>) semaphore(%arg8 : memref<!tpu.dma_semaphore, #tpu.memory_space<semaphore_mem>>)
    %dma_start3A_224 = arith.constant 3 : i32
    %dma_start3A_225 = arith.constant 384 : i32
    %dma_start3A_226 = arith.constant 0 : i32
    %dma_start3A_227 = tpu.memref_slice %arg6[%dma_start3A_225, %dma_start3A_226] : memref<1152x96xf32, #tpu.memory_space<vmem>> -> memref<128x96xf32, #tpu.memory_space<vmem>>
    %dma_start3A_228 = arith.constant 0 : i32
    %dma_start3A_229 = tpu.memref_slice %arg5[%dma_start3A_224, %dma_start3A_228] : memref<9x128xi32, #tpu.memory_space<vmem>> -> memref<1x128xi32, #tpu.memory_space<vmem>>
    %dma_start3A_230 = tpu.memref_squeeze %dma_start3A_229 : memref<1x128xi32, #tpu.memory_space<vmem>> -> memref<128xi32, #tpu.memory_space<vmem>>
    %dma_start3A_231 = arith.constant 0 : i32
    %dma_start3A_232 = arith.constant 0 : i32
    %dma_start3A_233 = tpu.memref_slice %arg2[%dma_start3A_231, %dma_start3A_232] : memref<8192x96xf32, #tpu.memory_space<hbm>> -> memref<8192x96xf32, #tpu.memory_space<hbm>>
    tpu.enqueue_indirect_dma source(%dma_start3A_233 : memref<8192x96xf32, #tpu.memory_space<hbm>>) target(%dma_start3A_227 : memref<128x96xf32, #tpu.memory_space<vmem>>) offsets(%dma_start3A_230 : memref<128xi32, #tpu.memory_space<vmem>>) semaphore(%arg8 : memref<!tpu.dma_semaphore, #tpu.memory_space<semaphore_mem>>)
    %dma_start3A_234 = arith.constant 4 : i32
    %dma_start3A_235 = arith.constant 512 : i32
    %dma_start3A_236 = arith.constant 0 : i32
    %dma_start3A_237 = tpu.memref_slice %arg6[%dma_start3A_235, %dma_start3A_236] : memref<1152x96xf32, #tpu.memory_space<vmem>> -> memref<128x96xf32, #tpu.memory_space<vmem>>
    %dma_start3A_238 = arith.constant 0 : i32
    %dma_start3A_239 = tpu.memref_slice %arg5[%dma_start3A_234, %dma_start3A_238] : memref<9x128xi32, #tpu.memory_space<vmem>> -> memref<1x128xi32, #tpu.memory_space<vmem>>
    %dma_start3A_240 = tpu.memref_squeeze %dma_start3A_239 : memref<1x128xi32, #tpu.memory_space<vmem>> -> memref<128xi32, #tpu.memory_space<vmem>>
    %dma_start3A_241 = arith.constant 0 : i32
    %dma_start3A_242 = arith.constant 0 : i32
    %dma_start3A_243 = tpu.memref_slice %arg2[%dma_start3A_241, %dma_start3A_242] : memref<8192x96xf32, #tpu.memory_space<hbm>> -> memref<8192x96xf32, #tpu.memory_space<hbm>>
    tpu.enqueue_indirect_dma source(%dma_start3A_243 : memref<8192x96xf32, #tpu.memory_space<hbm>>) target(%dma_start3A_237 : memref<128x96xf32, #tpu.memory_space<vmem>>) offsets(%dma_start3A_240 : memref<128xi32, #tpu.memory_space<vmem>>) semaphore(%arg8 : memref<!tpu.dma_semaphore, #tpu.memory_space<semaphore_mem>>)
    %dma_start3A_244 = arith.constant 5 : i32
    %dma_start3A_245 = arith.constant 640 : i32
    %dma_start3A_246 = arith.constant 0 : i32
    %dma_start3A_247 = tpu.memref_slice %arg6[%dma_start3A_245, %dma_start3A_246] : memref<1152x96xf32, #tpu.memory_space<vmem>> -> memref<128x96xf32, #tpu.memory_space<vmem>>
    %dma_start3A_248 = arith.constant 0 : i32
    %dma_start3A_249 = tpu.memref_slice %arg5[%dma_start3A_244, %dma_start3A_248] : memref<9x128xi32, #tpu.memory_space<vmem>> -> memref<1x128xi32, #tpu.memory_space<vmem>>
    %dma_start3A_250 = tpu.memref_squeeze %dma_start3A_249 : memref<1x128xi32, #tpu.memory_space<vmem>> -> memref<128xi32, #tpu.memory_space<vmem>>
    %dma_start3A_251 = arith.constant 0 : i32
    %dma_start3A_252 = arith.constant 0 : i32
    %dma_start3A_253 = tpu.memref_slice %arg2[%dma_start3A_251, %dma_start3A_252] : memref<8192x96xf32, #tpu.memory_space<hbm>> -> memref<8192x96xf32, #tpu.memory_space<hbm>>
    tpu.enqueue_indirect_dma source(%dma_start3A_253 : memref<8192x96xf32, #tpu.memory_space<hbm>>) target(%dma_start3A_247 : memref<128x96xf32, #tpu.memory_space<vmem>>) offsets(%dma_start3A_250 : memref<128xi32, #tpu.memory_space<vmem>>) semaphore(%arg8 : memref<!tpu.dma_semaphore, #tpu.memory_space<semaphore_mem>>)
    %dma_start3A_254 = arith.constant 6 : i32
    %dma_start3A_255 = arith.constant 768 : i32
    %dma_start3A_256 = arith.constant 0 : i32
    %dma_start3A_257 = tpu.memref_slice %arg6[%dma_start3A_255, %dma_start3A_256] : memref<1152x96xf32, #tpu.memory_space<vmem>> -> memref<128x96xf32, #tpu.memory_space<vmem>>
    %dma_start3A_258 = arith.constant 0 : i32
    %dma_start3A_259 = tpu.memref_slice %arg5[%dma_start3A_254, %dma_start3A_258] : memref<9x128xi32, #tpu.memory_space<vmem>> -> memref<1x128xi32, #tpu.memory_space<vmem>>
    %dma_start3A_260 = tpu.memref_squeeze %dma_start3A_259 : memref<1x128xi32, #tpu.memory_space<vmem>> -> memref<128xi32, #tpu.memory_space<vmem>>
    %dma_start3A_261 = arith.constant 0 : i32
    %dma_start3A_262 = arith.constant 0 : i32
    %dma_start3A_263 = tpu.memref_slice %arg2[%dma_start3A_261, %dma_start3A_262] : memref<8192x96xf32, #tpu.memory_space<hbm>> -> memref<8192x96xf32, #tpu.memory_space<hbm>>
    tpu.enqueue_indirect_dma source(%dma_start3A_263 : memref<8192x96xf32, #tpu.memory_space<hbm>>) target(%dma_start3A_257 : memref<128x96xf32, #tpu.memory_space<vmem>>) offsets(%dma_start3A_260 : memref<128xi32, #tpu.memory_space<vmem>>) semaphore(%arg8 : memref<!tpu.dma_semaphore, #tpu.memory_space<semaphore_mem>>)
    %dma_start3A_264 = arith.constant 7 : i32
    %dma_start3A_265 = arith.constant 896 : i32
    %dma_start3A_266 = arith.constant 0 : i32
    %dma_start3A_267 = tpu.memref_slice %arg6[%dma_start3A_265, %dma_start3A_266] : memref<1152x96xf32, #tpu.memory_space<vmem>> -> memref<128x96xf32, #tpu.memory_space<vmem>>
    %dma_start3A_268 = arith.constant 0 : i32
    %dma_start3A_269 = tpu.memref_slice %arg5[%dma_start3A_264, %dma_start3A_268] : memref<9x128xi32, #tpu.memory_space<vmem>> -> memref<1x128xi32, #tpu.memory_space<vmem>>
    %dma_start3A_270 = tpu.memref_squeeze %dma_start3A_269 : memref<1x128xi32, #tpu.memory_space<vmem>> -> memref<128xi32, #tpu.memory_space<vmem>>
    %dma_start3A_271 = arith.constant 0 : i32
    %dma_start3A_272 = arith.constant 0 : i32
    %dma_start3A_273 = tpu.memref_slice %arg2[%dma_start3A_271, %dma_start3A_272] : memref<8192x96xf32, #tpu.memory_space<hbm>> -> memref<8192x96xf32, #tpu.memory_space<hbm>>
    tpu.enqueue_indirect_dma source(%dma_start3A_273 : memref<8192x96xf32, #tpu.memory_space<hbm>>) target(%dma_start3A_267 : memref<128x96xf32, #tpu.memory_space<vmem>>) offsets(%dma_start3A_270 : memref<128xi32, #tpu.memory_space<vmem>>) semaphore(%arg8 : memref<!tpu.dma_semaphore, #tpu.memory_space<semaphore_mem>>)
    %dma_start3A_274 = arith.constant 8 : i32
    %dma_start3A_275 = arith.constant 1024 : i32
    %dma_start3A_276 = arith.constant 0 : i32
    %dma_start3A_277 = tpu.memref_slice %arg6[%dma_start3A_275, %dma_start3A_276] : memref<1152x96xf32, #tpu.memory_space<vmem>> -> memref<128x96xf32, #tpu.memory_space<vmem>>
    %dma_start3A_278 = arith.constant 0 : i32
    %dma_start3A_279 = tpu.memref_slice %arg5[%dma_start3A_274, %dma_start3A_278] : memref<9x128xi32, #tpu.memory_space<vmem>> -> memref<1x128xi32, #tpu.memory_space<vmem>>
    %dma_start3A_280 = tpu.memref_squeeze %dma_start3A_279 : memref<1x128xi32, #tpu.memory_space<vmem>> -> memref<128xi32, #tpu.memory_space<vmem>>
    %dma_start3A_281 = arith.constant 0 : i32
    %dma_start3A_282 = arith.constant 0 : i32
    %dma_start3A_283 = tpu.memref_slice %arg2[%dma_start3A_281, %dma_start3A_282] : memref<8192x96xf32, #tpu.memory_space<hbm>> -> memref<8192x96xf32, #tpu.memory_space<hbm>>
    tpu.enqueue_indirect_dma source(%dma_start3A_283 : memref<8192x96xf32, #tpu.memory_space<hbm>>) target(%dma_start3A_277 : memref<128x96xf32, #tpu.memory_space<vmem>>) offsets(%dma_start3A_280 : memref<128xi32, #tpu.memory_space<vmem>>) semaphore(%arg8 : memref<!tpu.dma_semaphore, #tpu.memory_space<semaphore_mem>>)
    %dma_wait3A_284 = arith.constant 0 : i32
    %dma_wait3A_285 = arith.constant 0 : i32
    %dma_wait3A_286 = arith.constant 0 : i32
    %dma_wait3A_287 = tpu.memref_slice %arg6[%dma_wait3A_285, %dma_wait3A_286] : memref<1152x96xf32, #tpu.memory_space<vmem>> -> memref<128x96xf32, #tpu.memory_space<vmem>>
    %dma_wait3A_288 = arith.constant 0 : i32
    %dma_wait3A_289 = tpu.memref_slice %arg5[%dma_wait3A_284, %dma_wait3A_288] : memref<9x128xi32, #tpu.memory_space<vmem>> -> memref<1x128xi32, #tpu.memory_space<vmem>>
    %dma_wait3A_290 = tpu.memref_squeeze %dma_wait3A_289 : memref<1x128xi32, #tpu.memory_space<vmem>> -> memref<128xi32, #tpu.memory_space<vmem>>
    %dma_wait3A_291 = arith.constant 0 : i32
    %dma_wait3A_292 = arith.constant 0 : i32
    %dma_wait3A_293 = tpu.memref_slice %arg2[%dma_wait3A_291, %dma_wait3A_292] : memref<8192x96xf32, #tpu.memory_space<hbm>> -> memref<8192x96xf32, #tpu.memory_space<hbm>>
    tpu.wait_indirect_dma semaphore(%arg8 : memref<!tpu.dma_semaphore, #tpu.memory_space<semaphore_mem>>) src(%dma_wait3A_293 : memref<8192x96xf32, #tpu.memory_space<hbm>>) dst(%dma_wait3A_287 : memref<128x96xf32, #tpu.memory_space<vmem>>)
    %dma_wait3A_294 = arith.constant 1 : i32
    %dma_wait3A_295 = arith.constant 128 : i32
    %dma_wait3A_296 = arith.constant 0 : i32
    %dma_wait3A_297 = tpu.memref_slice %arg6[%dma_wait3A_295, %dma_wait3A_296] : memref<1152x96xf32, #tpu.memory_space<vmem>> -> memref<128x96xf32, #tpu.memory_space<vmem>>
    %dma_wait3A_298 = arith.constant 0 : i32
    %dma_wait3A_299 = tpu.memref_slice %arg5[%dma_wait3A_294, %dma_wait3A_298] : memref<9x128xi32, #tpu.memory_space<vmem>> -> memref<1x128xi32, #tpu.memory_space<vmem>>
    %dma_wait3A_300 = tpu.memref_squeeze %dma_wait3A_299 : memref<1x128xi32, #tpu.memory_space<vmem>> -> memref<128xi32, #tpu.memory_space<vmem>>
    %dma_wait3A_301 = arith.constant 0 : i32
    %dma_wait3A_302 = arith.constant 0 : i32
    %dma_wait3A_303 = tpu.memref_slice %arg2[%dma_wait3A_301, %dma_wait3A_302] : memref<8192x96xf32, #tpu.memory_space<hbm>> -> memref<8192x96xf32, #tpu.memory_space<hbm>>
    tpu.wait_indirect_dma semaphore(%arg8 : memref<!tpu.dma_semaphore, #tpu.memory_space<semaphore_mem>>) src(%dma_wait3A_303 : memref<8192x96xf32, #tpu.memory_space<hbm>>) dst(%dma_wait3A_297 : memref<128x96xf32, #tpu.memory_space<vmem>>)
    %dma_wait3A_304 = arith.constant 2 : i32
    %dma_wait3A_305 = arith.constant 256 : i32
    %dma_wait3A_306 = arith.constant 0 : i32
    %dma_wait3A_307 = tpu.memref_slice %arg6[%dma_wait3A_305, %dma_wait3A_306] : memref<1152x96xf32, #tpu.memory_space<vmem>> -> memref<128x96xf32, #tpu.memory_space<vmem>>
    %dma_wait3A_308 = arith.constant 0 : i32
    %dma_wait3A_309 = tpu.memref_slice %arg5[%dma_wait3A_304, %dma_wait3A_308] : memref<9x128xi32, #tpu.memory_space<vmem>> -> memref<1x128xi32, #tpu.memory_space<vmem>>
    %dma_wait3A_310 = tpu.memref_squeeze %dma_wait3A_309 : memref<1x128xi32, #tpu.memory_space<vmem>> -> memref<128xi32, #tpu.memory_space<vmem>>
    %dma_wait3A_311 = arith.constant 0 : i32
    %dma_wait3A_312 = arith.constant 0 : i32
    %dma_wait3A_313 = tpu.memref_slice %arg2[%dma_wait3A_311, %dma_wait3A_312] : memref<8192x96xf32, #tpu.memory_space<hbm>> -> memref<8192x96xf32, #tpu.memory_space<hbm>>
    tpu.wait_indirect_dma semaphore(%arg8 : memref<!tpu.dma_semaphore, #tpu.memory_space<semaphore_mem>>) src(%dma_wait3A_313 : memref<8192x96xf32, #tpu.memory_space<hbm>>) dst(%dma_wait3A_307 : memref<128x96xf32, #tpu.memory_space<vmem>>)
    %dma_wait3A_314 = arith.constant 3 : i32
    %dma_wait3A_315 = arith.constant 384 : i32
    %dma_wait3A_316 = arith.constant 0 : i32
    %dma_wait3A_317 = tpu.memref_slice %arg6[%dma_wait3A_315, %dma_wait3A_316] : memref<1152x96xf32, #tpu.memory_space<vmem>> -> memref<128x96xf32, #tpu.memory_space<vmem>>
    %dma_wait3A_318 = arith.constant 0 : i32
    %dma_wait3A_319 = tpu.memref_slice %arg5[%dma_wait3A_314, %dma_wait3A_318] : memref<9x128xi32, #tpu.memory_space<vmem>> -> memref<1x128xi32, #tpu.memory_space<vmem>>
    %dma_wait3A_320 = tpu.memref_squeeze %dma_wait3A_319 : memref<1x128xi32, #tpu.memory_space<vmem>> -> memref<128xi32, #tpu.memory_space<vmem>>
    %dma_wait3A_321 = arith.constant 0 : i32
    %dma_wait3A_322 = arith.constant 0 : i32
    %dma_wait3A_323 = tpu.memref_slice %arg2[%dma_wait3A_321, %dma_wait3A_322] : memref<8192x96xf32, #tpu.memory_space<hbm>> -> memref<8192x96xf32, #tpu.memory_space<hbm>>
    tpu.wait_indirect_dma semaphore(%arg8 : memref<!tpu.dma_semaphore, #tpu.memory_space<semaphore_mem>>) src(%dma_wait3A_323 : memref<8192x96xf32, #tpu.memory_space<hbm>>) dst(%dma_wait3A_317 : memref<128x96xf32, #tpu.memory_space<vmem>>)
    %dma_wait3A_324 = arith.constant 4 : i32
    %dma_wait3A_325 = arith.constant 512 : i32
    %dma_wait3A_326 = arith.constant 0 : i32
    %dma_wait3A_327 = tpu.memref_slice %arg6[%dma_wait3A_325, %dma_wait3A_326] : memref<1152x96xf32, #tpu.memory_space<vmem>> -> memref<128x96xf32, #tpu.memory_space<vmem>>
    %dma_wait3A_328 = arith.constant 0 : i32
    %dma_wait3A_329 = tpu.memref_slice %arg5[%dma_wait3A_324, %dma_wait3A_328] : memref<9x128xi32, #tpu.memory_space<vmem>> -> memref<1x128xi32, #tpu.memory_space<vmem>>
    %dma_wait3A_330 = tpu.memref_squeeze %dma_wait3A_329 : memref<1x128xi32, #tpu.memory_space<vmem>> -> memref<128xi32, #tpu.memory_space<vmem>>
    %dma_wait3A_331 = arith.constant 0 : i32
    %dma_wait3A_332 = arith.constant 0 : i32
    %dma_wait3A_333 = tpu.memref_slice %arg2[%dma_wait3A_331, %dma_wait3A_332] : memref<8192x96xf32, #tpu.memory_space<hbm>> -> memref<8192x96xf32, #tpu.memory_space<hbm>>
    tpu.wait_indirect_dma semaphore(%arg8 : memref<!tpu.dma_semaphore, #tpu.memory_space<semaphore_mem>>) src(%dma_wait3A_333 : memref<8192x96xf32, #tpu.memory_space<hbm>>) dst(%dma_wait3A_327 : memref<128x96xf32, #tpu.memory_space<vmem>>)
    %dma_wait3A_334 = arith.constant 5 : i32
    %dma_wait3A_335 = arith.constant 640 : i32
    %dma_wait3A_336 = arith.constant 0 : i32
    %dma_wait3A_337 = tpu.memref_slice %arg6[%dma_wait3A_335, %dma_wait3A_336] : memref<1152x96xf32, #tpu.memory_space<vmem>> -> memref<128x96xf32, #tpu.memory_space<vmem>>
    %dma_wait3A_338 = arith.constant 0 : i32
    %dma_wait3A_339 = tpu.memref_slice %arg5[%dma_wait3A_334, %dma_wait3A_338] : memref<9x128xi32, #tpu.memory_space<vmem>> -> memref<1x128xi32, #tpu.memory_space<vmem>>
    %dma_wait3A_340 = tpu.memref_squeeze %dma_wait3A_339 : memref<1x128xi32, #tpu.memory_space<vmem>> -> memref<128xi32, #tpu.memory_space<vmem>>
    %dma_wait3A_341 = arith.constant 0 : i32
    %dma_wait3A_342 = arith.constant 0 : i32
    %dma_wait3A_343 = tpu.memref_slice %arg2[%dma_wait3A_341, %dma_wait3A_342] : memref<8192x96xf32, #tpu.memory_space<hbm>> -> memref<8192x96xf32, #tpu.memory_space<hbm>>
    tpu.wait_indirect_dma semaphore(%arg8 : memref<!tpu.dma_semaphore, #tpu.memory_space<semaphore_mem>>) src(%dma_wait3A_343 : memref<8192x96xf32, #tpu.memory_space<hbm>>) dst(%dma_wait3A_337 : memref<128x96xf32, #tpu.memory_space<vmem>>)
    %dma_wait3A_344 = arith.constant 6 : i32
    %dma_wait3A_345 = arith.constant 768 : i32
    %dma_wait3A_346 = arith.constant 0 : i32
    %dma_wait3A_347 = tpu.memref_slice %arg6[%dma_wait3A_345, %dma_wait3A_346] : memref<1152x96xf32, #tpu.memory_space<vmem>> -> memref<128x96xf32, #tpu.memory_space<vmem>>
    %dma_wait3A_348 = arith.constant 0 : i32
    %dma_wait3A_349 = tpu.memref_slice %arg5[%dma_wait3A_344, %dma_wait3A_348] : memref<9x128xi32, #tpu.memory_space<vmem>> -> memref<1x128xi32, #tpu.memory_space<vmem>>
    %dma_wait3A_350 = tpu.memref_squeeze %dma_wait3A_349 : memref<1x128xi32, #tpu.memory_space<vmem>> -> memref<128xi32, #tpu.memory_space<vmem>>
    %dma_wait3A_351 = arith.constant 0 : i32
    %dma_wait3A_352 = arith.constant 0 : i32
    %dma_wait3A_353 = tpu.memref_slice %arg2[%dma_wait3A_351, %dma_wait3A_352] : memref<8192x96xf32, #tpu.memory_space<hbm>> -> memref<8192x96xf32, #tpu.memory_space<hbm>>
    tpu.wait_indirect_dma semaphore(%arg8 : memref<!tpu.dma_semaphore, #tpu.memory_space<semaphore_mem>>) src(%dma_wait3A_353 : memref<8192x96xf32, #tpu.memory_space<hbm>>) dst(%dma_wait3A_347 : memref<128x96xf32, #tpu.memory_space<vmem>>)
    %dma_wait3A_354 = arith.constant 7 : i32
    %dma_wait3A_355 = arith.constant 896 : i32
    %dma_wait3A_356 = arith.constant 0 : i32
    %dma_wait3A_357 = tpu.memref_slice %arg6[%dma_wait3A_355, %dma_wait3A_356] : memref<1152x96xf32, #tpu.memory_space<vmem>> -> memref<128x96xf32, #tpu.memory_space<vmem>>
    %dma_wait3A_358 = arith.constant 0 : i32
    %dma_wait3A_359 = tpu.memref_slice %arg5[%dma_wait3A_354, %dma_wait3A_358] : memref<9x128xi32, #tpu.memory_space<vmem>> -> memref<1x128xi32, #tpu.memory_space<vmem>>
    %dma_wait3A_360 = tpu.memref_squeeze %dma_wait3A_359 : memref<1x128xi32, #tpu.memory_space<vmem>> -> memref<128xi32, #tpu.memory_space<vmem>>
    %dma_wait3A_361 = arith.constant 0 : i32
    %dma_wait3A_362 = arith.constant 0 : i32
    %dma_wait3A_363 = tpu.memref_slice %arg2[%dma_wait3A_361, %dma_wait3A_362] : memref<8192x96xf32, #tpu.memory_space<hbm>> -> memref<8192x96xf32, #tpu.memory_space<hbm>>
    tpu.wait_indirect_dma semaphore(%arg8 : memref<!tpu.dma_semaphore, #tpu.memory_space<semaphore_mem>>) src(%dma_wait3A_363 : memref<8192x96xf32, #tpu.memory_space<hbm>>) dst(%dma_wait3A_357 : memref<128x96xf32, #tpu.memory_space<vmem>>)
    %dma_wait3A_364 = arith.constant 8 : i32
    %dma_wait3A_365 = arith.constant 1024 : i32
    %dma_wait3A_366 = arith.constant 0 : i32
    %dma_wait3A_367 = tpu.memref_slice %arg6[%dma_wait3A_365, %dma_wait3A_366] : memref<1152x96xf32, #tpu.memory_space<vmem>> -> memref<128x96xf32, #tpu.memory_space<vmem>>
    %dma_wait3A_368 = arith.constant 0 : i32
    %dma_wait3A_369 = tpu.memref_slice %arg5[%dma_wait3A_364, %dma_wait3A_368] : memref<9x128xi32, #tpu.memory_space<vmem>> -> memref<1x128xi32, #tpu.memory_space<vmem>>
    %dma_wait3A_370 = tpu.memref_squeeze %dma_wait3A_369 : memref<1x128xi32, #tpu.memory_space<vmem>> -> memref<128xi32, #tpu.memory_space<vmem>>
    %dma_wait3A_371 = arith.constant 0 : i32
    %dma_wait3A_372 = arith.constant 0 : i32
    %dma_wait3A_373 = tpu.memref_slice %arg2[%dma_wait3A_371, %dma_wait3A_372] : memref<8192x96xf32, #tpu.memory_space<hbm>> -> memref<8192x96xf32, #tpu.memory_space<hbm>>
    tpu.wait_indirect_dma semaphore(%arg8 : memref<!tpu.dma_semaphore, #tpu.memory_space<semaphore_mem>>) src(%dma_wait3A_373 : memref<8192x96xf32, #tpu.memory_space<hbm>>) dst(%dma_wait3A_367 : memref<128x96xf32, #tpu.memory_space<vmem>>)
    %scan3A_374 = arith.constant 0 : i32
    %scan3A_375 = arith.constant 0 : i32
    %scan3A_376 = arith.constant 128 : i32
    %scan3A_377 = arith.addi %scan3A_375, %scan3A_376 : i32
    %scan3A_378 = arith.constant 1 : i32
    scf.for %scan3A_382 = %scan3A_375 to %scan3A_377 step %scan3A_378  : i32 {
      %get3A = arith.index_cast %scan3A_382 : i32 to index
      %get3A_383 = arith.constant 0 : index
      %get3A_384 = tpu.vector_load %arg6[%get3A, %get3A_383] {strides = array<i32>} : memref<1152x96xf32, #tpu.memory_space<vmem>>, vector<1x16xf32>,
      %get3A_385 = vector.shape_cast %get3A_384 : vector<1x16xf32> to vector<16xf32>
      %add3A_386 = arith.constant 128 : i32
      %add3A_387 = arith.addi %add3A_386, %scan3A_382 : i32
      %get3A_388 = arith.index_cast %add3A_387 : i32 to index
      %get3A_389 = arith.constant 0 : index
      %get3A_390 = tpu.vector_load %arg6[%get3A_388, %get3A_389] {strides = array<i32>} : memref<1152x96xf32, #tpu.memory_space<vmem>>, vector<1x16xf32>,
      %get3A_391 = vector.shape_cast %get3A_390 : vector<1x16xf32> to vector<16xf32>
      %max3A = arith.maximumf %get3A_385, %get3A_391 : vector<16xf32>
      %add3A_392 = arith.constant 256 : i32
      %add3A_393 = arith.addi %add3A_392, %scan3A_382 : i32
      %get3A_394 = arith.index_cast %add3A_393 : i32 to index
      %get3A_395 = arith.constant 0 : index
      %get3A_396 = tpu.vector_load %arg6[%get3A_394, %get3A_395] {strides = array<i32>} : memref<1152x96xf32, #tpu.memory_space<vmem>>, vector<1x16xf32>,
      %get3A_397 = vector.shape_cast %get3A_396 : vector<1x16xf32> to vector<16xf32>
      %max3A_398 = arith.maximumf %max3A, %get3A_397 : vector<16xf32>
      %add3A_399 = arith.constant 384 : i32
      %add3A_400 = arith.addi %add3A_399, %scan3A_382 : i32
      %get3A_401 = arith.index_cast %add3A_400 : i32 to index
      %get3A_402 = arith.constant 0 : index
      %get3A_403 = tpu.vector_load %arg6[%get3A_401, %get3A_402] {strides = array<i32>} : memref<1152x96xf32, #tpu.memory_space<vmem>>, vector<1x16xf32>,
      %get3A_404 = vector.shape_cast %get3A_403 : vector<1x16xf32> to vector<16xf32>
      %max3A_405 = arith.maximumf %max3A_398, %get3A_404 : vector<16xf32>
      %add3A_406 = arith.constant 512 : i32
      %add3A_407 = arith.addi %add3A_406, %scan3A_382 : i32
      %get3A_408 = arith.index_cast %add3A_407 : i32 to index
      %get3A_409 = arith.constant 0 : index
      %get3A_410 = tpu.vector_load %arg6[%get3A_408, %get3A_409] {strides = array<i32>} : memref<1152x96xf32, #tpu.memory_space<vmem>>, vector<1x16xf32>,
      %get3A_411 = vector.shape_cast %get3A_410 : vector<1x16xf32> to vector<16xf32>
      %max3A_412 = arith.maximumf %max3A_405, %get3A_411 : vector<16xf32>
      %add3A_413 = arith.constant 640 : i32
      %add3A_414 = arith.addi %add3A_413, %scan3A_382 : i32
      %get3A_415 = arith.index_cast %add3A_414 : i32 to index
      %get3A_416 = arith.constant 0 : index
      %get3A_417 = tpu.vector_load %arg6[%get3A_415, %get3A_416] {strides = array<i32>} : memref<1152x96xf32, #tpu.memory_space<vmem>>, vector<1x16xf32>,
      %get3A_418 = vector.shape_cast %get3A_417 : vector<1x16xf32> to vector<16xf32>
      %max3A_419 = arith.maximumf %max3A_412, %get3A_418 : vector<16xf32>
      %add3A_420 = arith.constant 768 : i32
      %add3A_421 = arith.addi %add3A_420, %scan3A_382 : i32
      %get3A_422 = arith.index_cast %add3A_421 : i32 to index
      %get3A_423 = arith.constant 0 : index
      %get3A_424 = tpu.vector_load %arg6[%get3A_422, %get3A_423] {strides = array<i32>} : memref<1152x96xf32, #tpu.memory_space<vmem>>, vector<1x16xf32>,
      %get3A_425 = vector.shape_cast %get3A_424 : vector<1x16xf32> to vector<16xf32>
      %max3A_426 = arith.maximumf %max3A_419, %get3A_425 : vector<16xf32>
      %add3A_427 = arith.constant 896 : i32
      %add3A_428 = arith.addi %add3A_427, %scan3A_382 : i32
      %get3A_429 = arith.index_cast %add3A_428 : i32 to index
      %get3A_430 = arith.constant 0 : index
      %get3A_431 = tpu.vector_load %arg6[%get3A_429, %get3A_430] {strides = array<i32>} : memref<1152x96xf32, #tpu.memory_space<vmem>>, vector<1x16xf32>,
      %get3A_432 = vector.shape_cast %get3A_431 : vector<1x16xf32> to vector<16xf32>
      %max3A_433 = arith.maximumf %max3A_426, %get3A_432 : vector<16xf32>
      %add3A_434 = arith.constant 1024 : i32
      %add3A_435 = arith.addi %add3A_434, %scan3A_382 : i32
      %get3A_436 = arith.index_cast %add3A_435 : i32 to index
      %get3A_437 = arith.constant 0 : index
      %get3A_438 = tpu.vector_load %arg6[%get3A_436, %get3A_437] {strides = array<i32>} : memref<1152x96xf32, #tpu.memory_space<vmem>>, vector<1x16xf32>,
      %get3A_439 = vector.shape_cast %get3A_438 : vector<1x16xf32> to vector<16xf32>
      %max3A_440 = arith.maximumf %max3A_433, %get3A_439 : vector<16xf32>
      %swap3A = arith.index_cast %scan3A_382 : i32 to index
      %swap3A_441 = arith.constant 0 : index
      %swap3A_442 = tpu.vector_load %arg7[%swap3A, %swap3A_441] {strides = array<i32>} : memref<128x96xf32, #tpu.memory_space<vmem>>, vector<1x16xf32>,
      %swap3A_443 = vector.shape_cast %swap3A_442 : vector<1x16xf32> to vector<16xf32>
      %swap3A_444 = vector.shape_cast %max3A_440 : vector<16xf32> to vector<1x16xf32>
      tpu.vector_store %arg7[%swap3A, %swap3A_441], %swap3A_444 {strides = array<i32>} : memref<128x96xf32, #tpu.memory_space<vmem>>, vector<1x16xf32>,
      %get3A_445 = arith.index_cast %scan3A_382 : i32 to index
      %get3A_446 = arith.constant 16 : index
      %get3A_447 = tpu.vector_load %arg6[%get3A_445, %get3A_446] {strides = array<i32>} : memref<1152x96xf32, #tpu.memory_space<vmem>>, vector<1x16xf32>,
      %get3A_448 = vector.shape_cast %get3A_447 : vector<1x16xf32> to vector<16xf32>
      %add3A_449 = arith.constant 128 : i32
      %add3A_450 = arith.addi %add3A_449, %scan3A_382 : i32
      %get3A_451 = arith.index_cast %add3A_450 : i32 to index
      %get3A_452 = arith.constant 16 : index
      %get3A_453 = tpu.vector_load %arg6[%get3A_451, %get3A_452] {strides = array<i32>} : memref<1152x96xf32, #tpu.memory_space<vmem>>, vector<1x16xf32>,
      %get3A_454 = vector.shape_cast %get3A_453 : vector<1x16xf32> to vector<16xf32>
      %max3A_455 = arith.maximumf %get3A_448, %get3A_454 : vector<16xf32>
      %add3A_456 = arith.constant 256 : i32
      %add3A_457 = arith.addi %add3A_456, %scan3A_382 : i32
      %get3A_458 = arith.index_cast %add3A_457 : i32 to index
      %get3A_459 = arith.constant 16 : index
      %get3A_460 = tpu.vector_load %arg6[%get3A_458, %get3A_459] {strides = array<i32>} : memref<1152x96xf32, #tpu.memory_space<vmem>>, vector<1x16xf32>,
      %get3A_461 = vector.shape_cast %get3A_460 : vector<1x16xf32> to vector<16xf32>
      %max3A_462 = arith.maximumf %max3A_455, %get3A_461 : vector<16xf32>
      %add3A_463 = arith.constant 384 : i32
      %add3A_464 = arith.addi %add3A_463, %scan3A_382 : i32
      %get3A_465 = arith.index_cast %add3A_464 : i32 to index
      %get3A_466 = arith.constant 16 : index
      %get3A_467 = tpu.vector_load %arg6[%get3A_465, %get3A_466] {strides = array<i32>} : memref<1152x96xf32, #tpu.memory_space<vmem>>, vector<1x16xf32>,
      %get3A_468 = vector.shape_cast %get3A_467 : vector<1x16xf32> to vector<16xf32>
      %max3A_469 = arith.maximumf %max3A_462, %get3A_468 : vector<16xf32>
      %add3A_470 = arith.constant 512 : i32
      %add3A_471 = arith.addi %add3A_470, %scan3A_382 : i32
      %get3A_472 = arith.index_cast %add3A_471 : i32 to index
      %get3A_473 = arith.constant 16 : index
      %get3A_474 = tpu.vector_load %arg6[%get3A_472, %get3A_473] {strides = array<i32>} : memref<1152x96xf32, #tpu.memory_space<vmem>>, vector<1x16xf32>,
      %get3A_475 = vector.shape_cast %get3A_474 : vector<1x16xf32> to vector<16xf32>
      %max3A_476 = arith.maximumf %max3A_469, %get3A_475 : vector<16xf32>
      %add3A_477 = arith.constant 640 : i32
      %add3A_478 = arith.addi %add3A_477, %scan3A_382 : i32
      %get3A_479 = arith.index_cast %add3A_478 : i32 to index
      %get3A_480 = arith.constant 16 : index
      %get3A_481 = tpu.vector_load %arg6[%get3A_479, %get3A_480] {strides = array<i32>} : memref<1152x96xf32, #tpu.memory_space<vmem>>, vector<1x16xf32>,
      %get3A_482 = vector.shape_cast %get3A_481 : vector<1x16xf32> to vector<16xf32>
      %max3A_483 = arith.maximumf %max3A_476, %get3A_482 : vector<16xf32>
      %add3A_484 = arith.constant 768 : i32
      %add3A_485 = arith.addi %add3A_484, %scan3A_382 : i32
      %get3A_486 = arith.index_cast %add3A_485 : i32 to index
      %get3A_487 = arith.constant 16 : index
      %get3A_488 = tpu.vector_load %arg6[%get3A_486, %get3A_487] {strides = array<i32>} : memref<1152x96xf32, #tpu.memory_space<vmem>>, vector<1x16xf32>,
      %get3A_489 = vector.shape_cast %get3A_488 : vector<1x16xf32> to vector<16xf32>
      %max3A_490 = arith.maximumf %max3A_483, %get3A_489 : vector<16xf32>
      %add3A_491 = arith.constant 896 : i32
      %add3A_492 = arith.addi %add3A_491, %scan3A_382 : i32
      %get3A_493 = arith.index_cast %add3A_492 : i32 to index
      %get3A_494 = arith.constant 16 : index
      %get3A_495 = tpu.vector_load %arg6[%get3A_493, %get3A_494] {strides = array<i32>} : memref<1152x96xf32, #tpu.memory_space<vmem>>, vector<1x16xf32>,
      %get3A_496 = vector.shape_cast %get3A_495 : vector<1x16xf32> to vector<16xf32>
      %max3A_497 = arith.maximumf %max3A_490, %get3A_496 : vector<16xf32>
      %add3A_498 = arith.constant 1024 : i32
      %add3A_499 = arith.addi %add3A_498, %scan3A_382 : i32
      %get3A_500 = arith.index_cast %add3A_499 : i32 to index
      %get3A_501 = arith.constant 16 : index
      %get3A_502 = tpu.vector_load %arg6[%get3A_500, %get3A_501] {strides = array<i32>} : memref<1152x96xf32, #tpu.memory_space<vmem>>, vector<1x16xf32>,
      %get3A_503 = vector.shape_cast %get3A_502 : vector<1x16xf32> to vector<16xf32>
      %max3A_504 = arith.maximumf %max3A_497, %get3A_503 : vector<16xf32>
      %swap3A_505 = arith.index_cast %scan3A_382 : i32 to index
      %swap3A_506 = arith.constant 16 : index
      %swap3A_507 = tpu.vector_load %arg7[%swap3A_505, %swap3A_506] {strides = array<i32>} : memref<128x96xf32, #tpu.memory_space<vmem>>, vector<1x16xf32>,
      %swap3A_508 = vector.shape_cast %swap3A_507 : vector<1x16xf32> to vector<16xf32>
      %swap3A_509 = vector.shape_cast %max3A_504 : vector<16xf32> to vector<1x16xf32>
      tpu.vector_store %arg7[%swap3A_505, %swap3A_506], %swap3A_509 {strides = array<i32>} : memref<128x96xf32, #tpu.memory_space<vmem>>, vector<1x16xf32>,
      %get3A_510 = arith.index_cast %scan3A_382 : i32 to index
      %get3A_511 = arith.constant 32 : index
      %get3A_512 = tpu.vector_load %arg6[%get3A_510, %get3A_511] {strides = array<i32>} : memref<1152x96xf32, #tpu.memory_space<vmem>>, vector<1x16xf32>,
      %get3A_513 = vector.shape_cast %get3A_512 : vector<1x16xf32> to vector<16xf32>
      %add3A_514 = arith.constant 128 : i32
      %add3A_515 = arith.addi %add3A_514, %scan3A_382 : i32
      %get3A_516 = arith.index_cast %add3A_515 : i32 to index
      %get3A_517 = arith.constant 32 : index
      %get3A_518 = tpu.vector_load %arg6[%get3A_516, %get3A_517] {strides = array<i32>} : memref<1152x96xf32, #tpu.memory_space<vmem>>, vector<1x16xf32>,
      %get3A_519 = vector.shape_cast %get3A_518 : vector<1x16xf32> to vector<16xf32>
      %max3A_520 = arith.maximumf %get3A_513, %get3A_519 : vector<16xf32>
      %add3A_521 = arith.constant 256 : i32
      %add3A_522 = arith.addi %add3A_521, %scan3A_382 : i32
      %get3A_523 = arith.index_cast %add3A_522 : i32 to index
      %get3A_524 = arith.constant 32 : index
      %get3A_525 = tpu.vector_load %arg6[%get3A_523, %get3A_524] {strides = array<i32>} : memref<1152x96xf32, #tpu.memory_space<vmem>>, vector<1x16xf32>,
      %get3A_526 = vector.shape_cast %get3A_525 : vector<1x16xf32> to vector<16xf32>
      %max3A_527 = arith.maximumf %max3A_520, %get3A_526 : vector<16xf32>
      %add3A_528 = arith.constant 384 : i32
      %add3A_529 = arith.addi %add3A_528, %scan3A_382 : i32
      %get3A_530 = arith.index_cast %add3A_529 : i32 to index
      %get3A_531 = arith.constant 32 : index
      %get3A_532 = tpu.vector_load %arg6[%get3A_530, %get3A_531] {strides = array<i32>} : memref<1152x96xf32, #tpu.memory_space<vmem>>, vector<1x16xf32>,
      %get3A_533 = vector.shape_cast %get3A_532 : vector<1x16xf32> to vector<16xf32>
      %max3A_534 = arith.maximumf %max3A_527, %get3A_533 : vector<16xf32>
      %add3A_535 = arith.constant 512 : i32
      %add3A_536 = arith.addi %add3A_535, %scan3A_382 : i32
      %get3A_537 = arith.index_cast %add3A_536 : i32 to index
      %get3A_538 = arith.constant 32 : index
      %get3A_539 = tpu.vector_load %arg6[%get3A_537, %get3A_538] {strides = array<i32>} : memref<1152x96xf32, #tpu.memory_space<vmem>>, vector<1x16xf32>,
      %get3A_540 = vector.shape_cast %get3A_539 : vector<1x16xf32> to vector<16xf32>
      %max3A_541 = arith.maximumf %max3A_534, %get3A_540 : vector<16xf32>
      %add3A_542 = arith.constant 640 : i32
      %add3A_543 = arith.addi %add3A_542, %scan3A_382 : i32
      %get3A_544 = arith.index_cast %add3A_543 : i32 to index
      %get3A_545 = arith.constant 32 : index
      %get3A_546 = tpu.vector_load %arg6[%get3A_544, %get3A_545] {strides = array<i32>} : memref<1152x96xf32, #tpu.memory_space<vmem>>, vector<1x16xf32>,
      %get3A_547 = vector.shape_cast %get3A_546 : vector<1x16xf32> to vector<16xf32>
      %max3A_548 = arith.maximumf %max3A_541, %get3A_547 : vector<16xf32>
      %add3A_549 = arith.constant 768 : i32
      %add3A_550 = arith.addi %add3A_549, %scan3A_382 : i32
      %get3A_551 = arith.index_cast %add3A_550 : i32 to index
      %get3A_552 = arith.constant 32 : index
      %get3A_553 = tpu.vector_load %arg6[%get3A_551, %get3A_552] {strides = array<i32>} : memref<1152x96xf32, #tpu.memory_space<vmem>>, vector<1x16xf32>,
      %get3A_554 = vector.shape_cast %get3A_553 : vector<1x16xf32> to vector<16xf32>
      %max3A_555 = arith.maximumf %max3A_548, %get3A_554 : vector<16xf32>
      %add3A_556 = arith.constant 896 : i32
      %add3A_557 = arith.addi %add3A_556, %scan3A_382 : i32
      %get3A_558 = arith.index_cast %add3A_557 : i32 to index
      %get3A_559 = arith.constant 32 : index
      %get3A_560 = tpu.vector_load %arg6[%get3A_558, %get3A_559] {strides = array<i32>} : memref<1152x96xf32, #tpu.memory_space<vmem>>, vector<1x16xf32>,
      %get3A_561 = vector.shape_cast %get3A_560 : vector<1x16xf32> to vector<16xf32>
      %max3A_562 = arith.maximumf %max3A_555, %get3A_561 : vector<16xf32>
      %add3A_563 = arith.constant 1024 : i32
      %add3A_564 = arith.addi %add3A_563, %scan3A_382 : i32
      %get3A_565 = arith.index_cast %add3A_564 : i32 to index
      %get3A_566 = arith.constant 32 : index
      %get3A_567 = tpu.vector_load %arg6[%get3A_565, %get3A_566] {strides = array<i32>} : memref<1152x96xf32, #tpu.memory_space<vmem>>, vector<1x16xf32>,
      %get3A_568 = vector.shape_cast %get3A_567 : vector<1x16xf32> to vector<16xf32>
      %max3A_569 = arith.maximumf %max3A_562, %get3A_568 : vector<16xf32>
      %swap3A_570 = arith.index_cast %scan3A_382 : i32 to index
      %swap3A_571 = arith.constant 32 : index
      %swap3A_572 = tpu.vector_load %arg7[%swap3A_570, %swap3A_571] {strides = array<i32>} : memref<128x96xf32, #tpu.memory_space<vmem>>, vector<1x16xf32>,
      %swap3A_573 = vector.shape_cast %swap3A_572 : vector<1x16xf32> to vector<16xf32>
      %swap3A_574 = vector.shape_cast %max3A_569 : vector<16xf32> to vector<1x16xf32>
      tpu.vector_store %arg7[%swap3A_570, %swap3A_571], %swap3A_574 {strides = array<i32>} : memref<128x96xf32, #tpu.memory_space<vmem>>, vector<1x16xf32>,
      %get3A_575 = arith.index_cast %scan3A_382 : i32 to index
      %get3A_576 = arith.constant 48 : index
      %get3A_577 = tpu.vector_load %arg6[%get3A_575, %get3A_576] {strides = array<i32>} : memref<1152x96xf32, #tpu.memory_space<vmem>>, vector<1x16xf32>,
      %get3A_578 = vector.shape_cast %get3A_577 : vector<1x16xf32> to vector<16xf32>
      %add3A_579 = arith.constant 128 : i32
      %add3A_580 = arith.addi %add3A_579, %scan3A_382 : i32
      %get3A_581 = arith.index_cast %add3A_580 : i32 to index
      %get3A_582 = arith.constant 48 : index
      %get3A_583 = tpu.vector_load %arg6[%get3A_581, %get3A_582] {strides = array<i32>} : memref<1152x96xf32, #tpu.memory_space<vmem>>, vector<1x16xf32>,
      %get3A_584 = vector.shape_cast %get3A_583 : vector<1x16xf32> to vector<16xf32>
      %max3A_585 = arith.maximumf %get3A_578, %get3A_584 : vector<16xf32>
      %add3A_586 = arith.constant 256 : i32
      %add3A_587 = arith.addi %add3A_586, %scan3A_382 : i32
      %get3A_588 = arith.index_cast %add3A_587 : i32 to index
      %get3A_589 = arith.constant 48 : index
      %get3A_590 = tpu.vector_load %arg6[%get3A_588, %get3A_589] {strides = array<i32>} : memref<1152x96xf32, #tpu.memory_space<vmem>>, vector<1x16xf32>,
      %get3A_591 = vector.shape_cast %get3A_590 : vector<1x16xf32> to vector<16xf32>
      %max3A_592 = arith.maximumf %max3A_585, %get3A_591 : vector<16xf32>
      %add3A_593 = arith.constant 384 : i32
      %add3A_594 = arith.addi %add3A_593, %scan3A_382 : i32
      %get3A_595 = arith.index_cast %add3A_594 : i32 to index
      %get3A_596 = arith.constant 48 : index
      %get3A_597 = tpu.vector_load %arg6[%get3A_595, %get3A_596] {strides = array<i32>} : memref<1152x96xf32, #tpu.memory_space<vmem>>, vector<1x16xf32>,
      %get3A_598 = vector.shape_cast %get3A_597 : vector<1x16xf32> to vector<16xf32>
      %max3A_599 = arith.maximumf %max3A_592, %get3A_598 : vector<16xf32>
      %add3A_600 = arith.constant 512 : i32
      %add3A_601 = arith.addi %add3A_600, %scan3A_382 : i32
      %get3A_602 = arith.index_cast %add3A_601 : i32 to index
      %get3A_603 = arith.constant 48 : index
      %get3A_604 = tpu.vector_load %arg6[%get3A_602, %get3A_603] {strides = array<i32>} : memref<1152x96xf32, #tpu.memory_space<vmem>>, vector<1x16xf32>,
      %get3A_605 = vector.shape_cast %get3A_604 : vector<1x16xf32> to vector<16xf32>
      %max3A_606 = arith.maximumf %max3A_599, %get3A_605 : vector<16xf32>
      %add3A_607 = arith.constant 640 : i32
      %add3A_608 = arith.addi %add3A_607, %scan3A_382 : i32
      %get3A_609 = arith.index_cast %add3A_608 : i32 to index
      %get3A_610 = arith.constant 48 : index
      %get3A_611 = tpu.vector_load %arg6[%get3A_609, %get3A_610] {strides = array<i32>} : memref<1152x96xf32, #tpu.memory_space<vmem>>, vector<1x16xf32>,
      %get3A_612 = vector.shape_cast %get3A_611 : vector<1x16xf32> to vector<16xf32>
      %max3A_613 = arith.maximumf %max3A_606, %get3A_612 : vector<16xf32>
      %add3A_614 = arith.constant 768 : i32
      %add3A_615 = arith.addi %add3A_614, %scan3A_382 : i32
      %get3A_616 = arith.index_cast %add3A_615 : i32 to index
      %get3A_617 = arith.constant 48 : index
      %get3A_618 = tpu.vector_load %arg6[%get3A_616, %get3A_617] {strides = array<i32>} : memref<1152x96xf32, #tpu.memory_space<vmem>>, vector<1x16xf32>,
      %get3A_619 = vector.shape_cast %get3A_618 : vector<1x16xf32> to vector<16xf32>
      %max3A_620 = arith.maximumf %max3A_613, %get3A_619 : vector<16xf32>
      %add3A_621 = arith.constant 896 : i32
      %add3A_622 = arith.addi %add3A_621, %scan3A_382 : i32
      %get3A_623 = arith.index_cast %add3A_622 : i32 to index
      %get3A_624 = arith.constant 48 : index
      %get3A_625 = tpu.vector_load %arg6[%get3A_623, %get3A_624] {strides = array<i32>} : memref<1152x96xf32, #tpu.memory_space<vmem>>, vector<1x16xf32>,
      %get3A_626 = vector.shape_cast %get3A_625 : vector<1x16xf32> to vector<16xf32>
      %max3A_627 = arith.maximumf %max3A_620, %get3A_626 : vector<16xf32>
      %add3A_628 = arith.constant 1024 : i32
      %add3A_629 = arith.addi %add3A_628, %scan3A_382 : i32
      %get3A_630 = arith.index_cast %add3A_629 : i32 to index
      %get3A_631 = arith.constant 48 : index
      %get3A_632 = tpu.vector_load %arg6[%get3A_630, %get3A_631] {strides = array<i32>} : memref<1152x96xf32, #tpu.memory_space<vmem>>, vector<1x16xf32>,
      %get3A_633 = vector.shape_cast %get3A_632 : vector<1x16xf32> to vector<16xf32>
      %max3A_634 = arith.maximumf %max3A_627, %get3A_633 : vector<16xf32>
      %swap3A_635 = arith.index_cast %scan3A_382 : i32 to index
      %swap3A_636 = arith.constant 48 : index
      %swap3A_637 = tpu.vector_load %arg7[%swap3A_635, %swap3A_636] {strides = array<i32>} : memref<128x96xf32, #tpu.memory_space<vmem>>, vector<1x16xf32>,
      %swap3A_638 = vector.shape_cast %swap3A_637 : vector<1x16xf32> to vector<16xf32>
      %swap3A_639 = vector.shape_cast %max3A_634 : vector<16xf32> to vector<1x16xf32>
      tpu.vector_store %arg7[%swap3A_635, %swap3A_636], %swap3A_639 {strides = array<i32>} : memref<128x96xf32, #tpu.memory_space<vmem>>, vector<1x16xf32>,
      %get3A_640 = arith.index_cast %scan3A_382 : i32 to index
      %get3A_641 = arith.constant 64 : index
      %get3A_642 = tpu.vector_load %arg6[%get3A_640, %get3A_641] {strides = array<i32>} : memref<1152x96xf32, #tpu.memory_space<vmem>>, vector<1x16xf32>,
      %get3A_643 = vector.shape_cast %get3A_642 : vector<1x16xf32> to vector<16xf32>
      %add3A_644 = arith.constant 128 : i32
      %add3A_645 = arith.addi %add3A_644, %scan3A_382 : i32
      %get3A_646 = arith.index_cast %add3A_645 : i32 to index
      %get3A_647 = arith.constant 64 : index
      %get3A_648 = tpu.vector_load %arg6[%get3A_646, %get3A_647] {strides = array<i32>} : memref<1152x96xf32, #tpu.memory_space<vmem>>, vector<1x16xf32>,
      %get3A_649 = vector.shape_cast %get3A_648 : vector<1x16xf32> to vector<16xf32>
      %max3A_650 = arith.maximumf %get3A_643, %get3A_649 : vector<16xf32>
      %add3A_651 = arith.constant 256 : i32
      %add3A_652 = arith.addi %add3A_651, %scan3A_382 : i32
      %get3A_653 = arith.index_cast %add3A_652 : i32 to index
      %get3A_654 = arith.constant 64 : index
      %get3A_655 = tpu.vector_load %arg6[%get3A_653, %get3A_654] {strides = array<i32>} : memref<1152x96xf32, #tpu.memory_space<vmem>>, vector<1x16xf32>,
      %get3A_656 = vector.shape_cast %get3A_655 : vector<1x16xf32> to vector<16xf32>
      %max3A_657 = arith.maximumf %max3A_650, %get3A_656 : vector<16xf32>
      %add3A_658 = arith.constant 384 : i32
      %add3A_659 = arith.addi %add3A_658, %scan3A_382 : i32
      %get3A_660 = arith.index_cast %add3A_659 : i32 to index
      %get3A_661 = arith.constant 64 : index
      %get3A_662 = tpu.vector_load %arg6[%get3A_660, %get3A_661] {strides = array<i32>} : memref<1152x96xf32, #tpu.memory_space<vmem>>, vector<1x16xf32>,
      %get3A_663 = vector.shape_cast %get3A_662 : vector<1x16xf32> to vector<16xf32>
      %max3A_664 = arith.maximumf %max3A_657, %get3A_663 : vector<16xf32>
      %add3A_665 = arith.constant 512 : i32
      %add3A_666 = arith.addi %add3A_665, %scan3A_382 : i32
      %get3A_667 = arith.index_cast %add3A_666 : i32 to index
      %get3A_668 = arith.constant 64 : index
      %get3A_669 = tpu.vector_load %arg6[%get3A_667, %get3A_668] {strides = array<i32>} : memref<1152x96xf32, #tpu.memory_space<vmem>>, vector<1x16xf32>,
      %get3A_670 = vector.shape_cast %get3A_669 : vector<1x16xf32> to vector<16xf32>
      %max3A_671 = arith.maximumf %max3A_664, %get3A_670 : vector<16xf32>
      %add3A_672 = arith.constant 640 : i32
      %add3A_673 = arith.addi %add3A_672, %scan3A_382 : i32
      %get3A_674 = arith.index_cast %add3A_673 : i32 to index
      %get3A_675 = arith.constant 64 : index
      %get3A_676 = tpu.vector_load %arg6[%get3A_674, %get3A_675] {strides = array<i32>} : memref<1152x96xf32, #tpu.memory_space<vmem>>, vector<1x16xf32>,
      %get3A_677 = vector.shape_cast %get3A_676 : vector<1x16xf32> to vector<16xf32>
      %max3A_678 = arith.maximumf %max3A_671, %get3A_677 : vector<16xf32>
      %add3A_679 = arith.constant 768 : i32
      %add3A_680 = arith.addi %add3A_679, %scan3A_382 : i32
      %get3A_681 = arith.index_cast %add3A_680 : i32 to index
      %get3A_682 = arith.constant 64 : index
      %get3A_683 = tpu.vector_load %arg6[%get3A_681, %get3A_682] {strides = array<i32>} : memref<1152x96xf32, #tpu.memory_space<vmem>>, vector<1x16xf32>,
      %get3A_684 = vector.shape_cast %get3A_683 : vector<1x16xf32> to vector<16xf32>
      %max3A_685 = arith.maximumf %max3A_678, %get3A_684 : vector<16xf32>
      %add3A_686 = arith.constant 896 : i32
      %add3A_687 = arith.addi %add3A_686, %scan3A_382 : i32
      %get3A_688 = arith.index_cast %add3A_687 : i32 to index
      %get3A_689 = arith.constant 64 : index
      %get3A_690 = tpu.vector_load %arg6[%get3A_688, %get3A_689] {strides = array<i32>} : memref<1152x96xf32, #tpu.memory_space<vmem>>, vector<1x16xf32>,
      %get3A_691 = vector.shape_cast %get3A_690 : vector<1x16xf32> to vector<16xf32>
      %max3A_692 = arith.maximumf %max3A_685, %get3A_691 : vector<16xf32>
      %add3A_693 = arith.constant 1024 : i32
      %add3A_694 = arith.addi %add3A_693, %scan3A_382 : i32
      %get3A_695 = arith.index_cast %add3A_694 : i32 to index
      %get3A_696 = arith.constant 64 : index
      %get3A_697 = tpu.vector_load %arg6[%get3A_695, %get3A_696] {strides = array<i32>} : memref<1152x96xf32, #tpu.memory_space<vmem>>, vector<1x16xf32>,
      %get3A_698 = vector.shape_cast %get3A_697 : vector<1x16xf32> to vector<16xf32>
      %max3A_699 = arith.maximumf %max3A_692, %get3A_698 : vector<16xf32>
      %swap3A_700 = arith.index_cast %scan3A_382 : i32 to index
      %swap3A_701 = arith.constant 64 : index
      %swap3A_702 = tpu.vector_load %arg7[%swap3A_700, %swap3A_701] {strides = array<i32>} : memref<128x96xf32, #tpu.memory_space<vmem>>, vector<1x16xf32>,
      %swap3A_703 = vector.shape_cast %swap3A_702 : vector<1x16xf32> to vector<16xf32>
      %swap3A_704 = vector.shape_cast %max3A_699 : vector<16xf32> to vector<1x16xf32>
      tpu.vector_store %arg7[%swap3A_700, %swap3A_701], %swap3A_704 {strides = array<i32>} : memref<128x96xf32, #tpu.memory_space<vmem>>, vector<1x16xf32>,
      %get3A_705 = arith.index_cast %scan3A_382 : i32 to index
      %get3A_706 = arith.constant 80 : index
      %get3A_707 = tpu.vector_load %arg6[%get3A_705, %get3A_706] {strides = array<i32>} : memref<1152x96xf32, #tpu.memory_space<vmem>>, vector<1x16xf32>,
      %get3A_708 = vector.shape_cast %get3A_707 : vector<1x16xf32> to vector<16xf32>
      %add3A_709 = arith.constant 128 : i32
      %add3A_710 = arith.addi %add3A_709, %scan3A_382 : i32
      %get3A_711 = arith.index_cast %add3A_710 : i32 to index
      %get3A_712 = arith.constant 80 : index
      %get3A_713 = tpu.vector_load %arg6[%get3A_711, %get3A_712] {strides = array<i32>} : memref<1152x96xf32, #tpu.memory_space<vmem>>, vector<1x16xf32>,
      %get3A_714 = vector.shape_cast %get3A_713 : vector<1x16xf32> to vector<16xf32>
      %max3A_715 = arith.maximumf %get3A_708, %get3A_714 : vector<16xf32>
      %add3A_716 = arith.constant 256 : i32
      %add3A_717 = arith.addi %add3A_716, %scan3A_382 : i32
      %get3A_718 = arith.index_cast %add3A_717 : i32 to index
      %get3A_719 = arith.constant 80 : index
      %get3A_720 = tpu.vector_load %arg6[%get3A_718, %get3A_719] {strides = array<i32>} : memref<1152x96xf32, #tpu.memory_space<vmem>>, vector<1x16xf32>,
      %get3A_721 = vector.shape_cast %get3A_720 : vector<1x16xf32> to vector<16xf32>
      %max3A_722 = arith.maximumf %max3A_715, %get3A_721 : vector<16xf32>
      %add3A_723 = arith.constant 384 : i32
      %add3A_724 = arith.addi %add3A_723, %scan3A_382 : i32
      %get3A_725 = arith.index_cast %add3A_724 : i32 to index
      %get3A_726 = arith.constant 80 : index
      %get3A_727 = tpu.vector_load %arg6[%get3A_725, %get3A_726] {strides = array<i32>} : memref<1152x96xf32, #tpu.memory_space<vmem>>, vector<1x16xf32>,
      %get3A_728 = vector.shape_cast %get3A_727 : vector<1x16xf32> to vector<16xf32>
      %max3A_729 = arith.maximumf %max3A_722, %get3A_728 : vector<16xf32>
      %add3A_730 = arith.constant 512 : i32
      %add3A_731 = arith.addi %add3A_730, %scan3A_382 : i32
      %get3A_732 = arith.index_cast %add3A_731 : i32 to index
      %get3A_733 = arith.constant 80 : index
      %get3A_734 = tpu.vector_load %arg6[%get3A_732, %get3A_733] {strides = array<i32>} : memref<1152x96xf32, #tpu.memory_space<vmem>>, vector<1x16xf32>,
      %get3A_735 = vector.shape_cast %get3A_734 : vector<1x16xf32> to vector<16xf32>
      %max3A_736 = arith.maximumf %max3A_729, %get3A_735 : vector<16xf32>
      %add3A_737 = arith.constant 640 : i32
      %add3A_738 = arith.addi %add3A_737, %scan3A_382 : i32
      %get3A_739 = arith.index_cast %add3A_738 : i32 to index
      %get3A_740 = arith.constant 80 : index
      %get3A_741 = tpu.vector_load %arg6[%get3A_739, %get3A_740] {strides = array<i32>} : memref<1152x96xf32, #tpu.memory_space<vmem>>, vector<1x16xf32>,
      %get3A_742 = vector.shape_cast %get3A_741 : vector<1x16xf32> to vector<16xf32>
      %max3A_743 = arith.maximumf %max3A_736, %get3A_742 : vector<16xf32>
      %add3A_744 = arith.constant 768 : i32
      %add3A_745 = arith.addi %add3A_744, %scan3A_382 : i32
      %get3A_746 = arith.index_cast %add3A_745 : i32 to index
      %get3A_747 = arith.constant 80 : index
      %get3A_748 = tpu.vector_load %arg6[%get3A_746, %get3A_747] {strides = array<i32>} : memref<1152x96xf32, #tpu.memory_space<vmem>>, vector<1x16xf32>,
      %get3A_749 = vector.shape_cast %get3A_748 : vector<1x16xf32> to vector<16xf32>
      %max3A_750 = arith.maximumf %max3A_743, %get3A_749 : vector<16xf32>
      %add3A_751 = arith.constant 896 : i32
      %add3A_752 = arith.addi %add3A_751, %scan3A_382 : i32
      %get3A_753 = arith.index_cast %add3A_752 : i32 to index
      %get3A_754 = arith.constant 80 : index
      %get3A_755 = tpu.vector_load %arg6[%get3A_753, %get3A_754] {strides = array<i32>} : memref<1152x96xf32, #tpu.memory_space<vmem>>, vector<1x16xf32>,
      %get3A_756 = vector.shape_cast %get3A_755 : vector<1x16xf32> to vector<16xf32>
      %max3A_757 = arith.maximumf %max3A_750, %get3A_756 : vector<16xf32>
      %add3A_758 = arith.constant 1024 : i32
      %add3A_759 = arith.addi %add3A_758, %scan3A_382 : i32
      %get3A_760 = arith.index_cast %add3A_759 : i32 to index
      %get3A_761 = arith.constant 80 : index
      %get3A_762 = tpu.vector_load %arg6[%get3A_760, %get3A_761] {strides = array<i32>} : memref<1152x96xf32, #tpu.memory_space<vmem>>, vector<1x16xf32>,
      %get3A_763 = vector.shape_cast %get3A_762 : vector<1x16xf32> to vector<16xf32>
      %max3A_764 = arith.maximumf %max3A_757, %get3A_763 : vector<16xf32>
      %swap3A_765 = arith.index_cast %scan3A_382 : i32 to index
      %swap3A_766 = arith.constant 80 : index
      %swap3A_767 = tpu.vector_load %arg7[%swap3A_765, %swap3A_766] {strides = array<i32>} : memref<128x96xf32, #tpu.memory_space<vmem>>, vector<1x16xf32>,
      %swap3A_768 = vector.shape_cast %swap3A_767 : vector<1x16xf32> to vector<16xf32>
      %swap3A_769 = vector.shape_cast %max3A_764 : vector<16xf32> to vector<1x16xf32>
      tpu.vector_store %arg7[%swap3A_765, %swap3A_766], %swap3A_769 {strides = array<i32>} : memref<128x96xf32, #tpu.memory_space<vmem>>, vector<1x16xf32>,
    }
    %scan3A_379 = arith.constant 128 : i32
    %mul3A_380 = arith.constant 128 : i32
    %mul3A_381 = arith.muli %add3A_193, %mul3A_380 : i32
    "tpu.region"() ({
      %run_scoped3A = tpu.sem_alloc : memref<!tpu.dma_semaphore, #tpu.memory_space<semaphore_mem>>
      %dma_start3A_382 = arith.constant 0 : i32
      %dma_start3A_383 = tpu.memref_slice %arg4[%mul3A_381, %dma_start3A_382] : memref<8192x96xf32, #tpu.memory_space<hbm>> -> memref<128x96xf32, #tpu.memory_space<hbm>>
      %dma_start3A_384 = arith.constant 0 : i32
      %dma_start3A_385 = tpu.memref_slice %arg4[%mul3A_381, %dma_start3A_384] : memref<8192x96xf32, #tpu.memory_space<hbm>> -> memref<128x96xf32, #tpu.memory_space<hbm>>
      tpu.enqueue_dma source(%arg7 : memref<128x96xf32, #tpu.memory_space<vmem>>) target(%dma_start3A_385 : memref<128x96xf32, #tpu.memory_space<hbm>>) target_semaphore(%run_scoped3A : memref<!tpu.dma_semaphore, #tpu.memory_space<semaphore_mem>>)
      %dma_wait3A_386 = arith.constant 0 : i32
      %dma_wait3A_387 = tpu.memref_slice %arg4[%mul3A_381, %dma_wait3A_386] : memref<8192x96xf32, #tpu.memory_space<hbm>> -> memref<128x96xf32, #tpu.memory_space<hbm>>
      %dma_wait3A_388 = arith.constant 0 : i32
      %dma_wait3A_389 = tpu.memref_slice %arg4[%mul3A_381, %dma_wait3A_388] : memref<8192x96xf32, #tpu.memory_space<hbm>> -> memref<128x96xf32, #tpu.memory_space<hbm>>
      tpu.wait_dma2 semaphore(%run_scoped3A : memref<!tpu.dma_semaphore, #tpu.memory_space<semaphore_mem>>) src(%arg7 : memref<128x96xf32, #tpu.memory_space<vmem>>) dst(%dma_wait3A_389 : memref<128x96xf32, #tpu.memory_space<hbm>>)
      tpu.yield
    }) : () -> ()
    return
  }
}

module attributes {stable_mosaic.version = 14 : i64} {
  func.func @_knn_body(%arg0: i32, %arg1: i32, %arg2: memref<1x512x96xf32, #tpu.memory_space<vmem>>, %arg3: memref<1x96x4096xf32, #tpu.memory_space<vmem>>, %arg4: memref<1x4x16x128xi32, #tpu.memory_space<vmem>>) attributes {dimension_semantics = [#tpu.dimension_semantics<arbitrary>, #tpu.dimension_semantics<arbitrary>], iteration_bounds = array<i64: 2, 8>, scalar_prefetch = 0 : i64, scratch_operands = 0 : i64, tpu.core_type = #tpu.core_type<tc>, window_params = [{transform_indices = @transform_0, window_bounds = array<i64: 1, 512, 96>}, {transform_indices = @transform_1, window_bounds = array<i64: 1, 96, 4096>}, {transform_indices = @transform_2, window_bounds = array<i64: 1, 4, 16, 128>}]} {
    %get3A = arith.constant 0 : index
    %get3A_0 = arith.constant 0 : index
    %get3A_1 = arith.constant 0 : index
    %get3A_2 = vector.load %arg2[%get3A, %get3A_0, %get3A_1] : memref<1x512x96xf32, #tpu.memory_space<vmem>>, vector<1x512x96xf32>
    %get3A_3 = vector.shape_cast %get3A_2 : vector<1x512x96xf32> to vector<512x96xf32>
    %get3A_4 = arith.constant 0 : index
    %get3A_5 = arith.constant 0 : index
    %get3A_6 = arith.constant 0 : index
    %get3A_7 = vector.load %arg3[%get3A_4, %get3A_5, %get3A_6] : memref<1x96x4096xf32, #tpu.memory_space<vmem>>, vector<1x96x4096xf32>
    %get3A_8 = vector.shape_cast %get3A_7 : vector<1x96x4096xf32> to vector<96x4096xf32>
    %mul3A = arith.mulf %get3A_3, %get3A_3 : vector<512x96xf32>
    %reduce_sum3A = arith.constant dense<0.000000e+00> : vector<512xf32>
    %reduce_sum3A_9 = vector.multi_reduction <add>, %mul3A, %reduce_sum3A [1] : vector<512x96xf32> to vector<512xf32>
    %broadcast_in_dim3A = vector.shape_cast %reduce_sum3A_9 : vector<512xf32> to vector<512x1xf32>
    %sqrt3A = math.sqrt %broadcast_in_dim3A : vector<512x1xf32>
    %max3A = arith.constant 9.99999996E-13 : f32
    %max3A_10 = vector.broadcast %max3A : f32 to vector<512x1xf32>
    %max3A_11 = arith.maximumf %sqrt3A, %max3A_10 : vector<512x1xf32>
    %div3A = vector.broadcast %max3A_11 : vector<512x1xf32> to vector<512x96xf32>
    %div3A_12 = arith.divf %get3A_3, %div3A : vector<512x96xf32>
    %mul3A_13 = arith.mulf %get3A_8, %get3A_8 : vector<96x4096xf32>
    %reduce_sum3A_14 = arith.constant dense<0.000000e+00> : vector<4096xf32>
    %reduce_sum3A_15 = vector.multi_reduction <add>, %mul3A_13, %reduce_sum3A_14 [0] : vector<96x4096xf32> to vector<4096xf32>
    %broadcast_in_dim3A_16 = vector.shape_cast %reduce_sum3A_15 : vector<4096xf32> to vector<1x4096xf32>
    %sqrt3A_17 = math.sqrt %broadcast_in_dim3A_16 : vector<1x4096xf32>
    %max3A_18 = arith.constant 9.99999996E-13 : f32
    %max3A_19 = vector.broadcast %max3A_18 : f32 to vector<1x4096xf32>
    %max3A_20 = arith.maximumf %sqrt3A_17, %max3A_19 : vector<1x4096xf32>
    %div3A_21 = vector.broadcast %max3A_20 : vector<1x4096xf32> to vector<96x4096xf32>
    %div3A_22 = arith.divf %get3A_8, %div3A_21 : vector<96x4096xf32>
    %dot_general3A = arith.constant dense<0.000000e+00> : vector<512x4096xf32>
    %dot_general3A_23 = tpu.matmul %div3A_12, %div3A_22, %dot_general3A {dimension_numbers = #tpu.dot_dimension_numbers<[1], [0], [0], [1], [0, 0, 1, 1], [], []>, transpose_lhs_hint = false} : vector<512x96xf32>, vector<96x4096xf32>, vector<512x4096xf32> -> vector<512x4096xf32>
    %mul3A_24 = arith.mulf %div3A_12, %div3A_12 : vector<512x96xf32>
    %reduce_sum3A_25 = arith.constant dense<0.000000e+00> : vector<512xf32>
    %reduce_sum3A_26 = vector.multi_reduction <add>, %mul3A_24, %reduce_sum3A_25 [1] : vector<512x96xf32> to vector<512xf32>
    %broadcast_in_dim3A_27 = vector.shape_cast %reduce_sum3A_26 : vector<512xf32> to vector<512x1xf32>
    %mul3A_28 = arith.mulf %div3A_22, %div3A_22 : vector<96x4096xf32>
    %reduce_sum3A_29 = arith.constant dense<0.000000e+00> : vector<4096xf32>
    %reduce_sum3A_30 = vector.multi_reduction <add>, %mul3A_28, %reduce_sum3A_29 [0] : vector<96x4096xf32> to vector<4096xf32>
    %broadcast_in_dim3A_31 = vector.shape_cast %reduce_sum3A_30 : vector<4096xf32> to vector<1x4096xf32>
    %mul3A_32 = arith.constant 2.000000e+00 : f32
    %mul3A_33 = vector.broadcast %mul3A_32 : f32 to vector<512x4096xf32>
    %mul3A_34 = arith.mulf %mul3A_33, %dot_general3A_23 : vector<512x4096xf32>
    %sub3A = vector.broadcast %broadcast_in_dim3A_27 : vector<512x1xf32> to vector<512x4096xf32>
    %sub3A_35 = arith.subf %sub3A, %mul3A_34 : vector<512x4096xf32>
    %add3A = vector.broadcast %broadcast_in_dim3A_31 : vector<1x4096xf32> to vector<512x4096xf32>
    %add3A_36 = arith.addf %sub3A_35, %add3A : vector<512x4096xf32>
    %iota3A = tpu.iota {dimensions = array<i32: 1>} : vector<512x4096xi32>
    %mul3A_37 = arith.constant 4096 : i32
    %mul3A_38 = arith.muli %arg0, %mul3A_37 : i32
    %argmin3A = tpu.reduce_index %add3A_36 {axis = 1 : i32, kind = #tpu.reduction_kind<arg_min>} : vector<512x4096xf32> -> vector<512xi32>
    %slice3A = vector.extract_strided_slice %argmin3A {offsets = [0], sizes = [128], strides = [1]} : vector<512xi32> to vector<128xi32>
    %add3A_39 = vector.broadcast %mul3A_38 : i32 to vector<128xi32>
    %add3A_40 = arith.addi %slice3A, %add3A_39 : vector<128xi32>
    %swap3A = arith.constant 0 : index
    %swap3A_41 = arith.constant 0 : index
    %swap3A_42 = arith.constant 0 : index
    %swap3A_43 = arith.constant 0 : index
    %swap3A_44 = vector.load %arg4[%swap3A, %swap3A_41, %swap3A_42, %swap3A_43] : memref<1x4x16x128xi32, #tpu.memory_space<vmem>>, vector<1x1x1x128xi32>
    %swap3A_45 = vector.shape_cast %swap3A_44 : vector<1x1x1x128xi32> to vector<128xi32>
    %swap3A_46 = vector.shape_cast %add3A_40 : vector<128xi32> to vector<1x1x1x128xi32>
    tpu.vector_store %arg4[%swap3A, %swap3A_41, %swap3A_42, %swap3A_43], %swap3A_46 {strides = array<i32>} : memref<1x4x16x128xi32, #tpu.memory_space<vmem>>, vector<1x1x1x128xi32>,
    %slice3A_47 = vector.extract_strided_slice %argmin3A {offsets = [128], sizes = [128], strides = [1]} : vector<512xi32> to vector<128xi32>
    %add3A_48 = vector.broadcast %mul3A_38 : i32 to vector<128xi32>
    %add3A_49 = arith.addi %slice3A_47, %add3A_48 : vector<128xi32>
    %swap3A_50 = arith.constant 0 : index
    %swap3A_51 = arith.constant 1 : index
    %swap3A_52 = arith.constant 0 : index
    %swap3A_53 = arith.constant 0 : index
    %swap3A_54 = vector.load %arg4[%swap3A_50, %swap3A_51, %swap3A_52, %swap3A_53] : memref<1x4x16x128xi32, #tpu.memory_space<vmem>>, vector<1x1x1x128xi32>
    %swap3A_55 = vector.shape_cast %swap3A_54 : vector<1x1x1x128xi32> to vector<128xi32>
    %swap3A_56 = vector.shape_cast %add3A_49 : vector<128xi32> to vector<1x1x1x128xi32>
    tpu.vector_store %arg4[%swap3A_50, %swap3A_51, %swap3A_52, %swap3A_53], %swap3A_56 {strides = array<i32>} : memref<1x4x16x128xi32, #tpu.memory_space<vmem>>, vector<1x1x1x128xi32>,
    %slice3A_57 = vector.extract_strided_slice %argmin3A {offsets = [256], sizes = [128], strides = [1]} : vector<512xi32> to vector<128xi32>
    %add3A_58 = vector.broadcast %mul3A_38 : i32 to vector<128xi32>
    %add3A_59 = arith.addi %slice3A_57, %add3A_58 : vector<128xi32>
    %swap3A_60 = arith.constant 0 : index
    %swap3A_61 = arith.constant 2 : index
    %swap3A_62 = arith.constant 0 : index
    %swap3A_63 = arith.constant 0 : index
    %swap3A_64 = vector.load %arg4[%swap3A_60, %swap3A_61, %swap3A_62, %swap3A_63] : memref<1x4x16x128xi32, #tpu.memory_space<vmem>>, vector<1x1x1x128xi32>
    %swap3A_65 = vector.shape_cast %swap3A_64 : vector<1x1x1x128xi32> to vector<128xi32>
    %swap3A_66 = vector.shape_cast %add3A_59 : vector<128xi32> to vector<1x1x1x128xi32>
    tpu.vector_store %arg4[%swap3A_60, %swap3A_61, %swap3A_62, %swap3A_63], %swap3A_66 {strides = array<i32>} : memref<1x4x16x128xi32, #tpu.memory_space<vmem>>, vector<1x1x1x128xi32>,
    %slice3A_67 = vector.extract_strided_slice %argmin3A {offsets = [384], sizes = [128], strides = [1]} : vector<512xi32> to vector<128xi32>
    %add3A_68 = vector.broadcast %mul3A_38 : i32 to vector<128xi32>
    %add3A_69 = arith.addi %slice3A_67, %add3A_68 : vector<128xi32>
    %swap3A_70 = arith.constant 0 : index
    %swap3A_71 = arith.constant 3 : index
    %swap3A_72 = arith.constant 0 : index
    %swap3A_73 = arith.constant 0 : index
    %swap3A_74 = vector.load %arg4[%swap3A_70, %swap3A_71, %swap3A_72, %swap3A_73] : memref<1x4x16x128xi32, #tpu.memory_space<vmem>>, vector<1x1x1x128xi32>
    %swap3A_75 = vector.shape_cast %swap3A_74 : vector<1x1x1x128xi32> to vector<128xi32>
    %swap3A_76 = vector.shape_cast %add3A_69 : vector<128xi32> to vector<1x1x1x128xi32>
    tpu.vector_store %arg4[%swap3A_70, %swap3A_71, %swap3A_72, %swap3A_73], %swap3A_76 {strides = array<i32>} : memref<1x4x16x128xi32, #tpu.memory_space<vmem>>, vector<1x1x1x128xi32>,
    %broadcast_in_dim3A_77 = vector.shape_cast %argmin3A : vector<512xi32> to vector<512x1xi32>
    %eq3A = vector.broadcast %broadcast_in_dim3A_77 : vector<512x1xi32> to vector<512x4096xi32>
    %eq3A_78 = arith.cmpi eq, %iota3A, %eq3A : vector<512x4096xi32>
    %jit3A = arith.constant 3.000000e+38 : f32
    %broadcast_in_dim3A_79 = vector.broadcast %jit3A : f32 to vector<512x4096xf32>
    %select_n3A = arith.select %eq3A_78, %broadcast_in_dim3A_79, %add3A_36 : vector<512x4096xi1>, vector<512x4096xf32>
    %argmin3A_80 = tpu.reduce_index %select_n3A {axis = 1 : i32, kind = #tpu.reduction_kind<arg_min>} : vector<512x4096xf32> -> vector<512xi32>
    %slice3A_81 = vector.extract_strided_slice %argmin3A_80 {offsets = [0], sizes = [128], strides = [1]} : vector<512xi32> to vector<128xi32>
    %add3A_82 = vector.broadcast %mul3A_38 : i32 to vector<128xi32>
    %add3A_83 = arith.addi %slice3A_81, %add3A_82 : vector<128xi32>
    %swap3A_84 = arith.constant 0 : index
    %swap3A_85 = arith.constant 0 : index
    %swap3A_86 = arith.constant 1 : index
    %swap3A_87 = arith.constant 0 : index
    %swap3A_88 = vector.load %arg4[%swap3A_84, %swap3A_85, %swap3A_86, %swap3A_87] : memref<1x4x16x128xi32, #tpu.memory_space<vmem>>, vector<1x1x1x128xi32>
    %swap3A_89 = vector.shape_cast %swap3A_88 : vector<1x1x1x128xi32> to vector<128xi32>
    %swap3A_90 = vector.shape_cast %add3A_83 : vector<128xi32> to vector<1x1x1x128xi32>
    tpu.vector_store %arg4[%swap3A_84, %swap3A_85, %swap3A_86, %swap3A_87], %swap3A_90 {strides = array<i32>} : memref<1x4x16x128xi32, #tpu.memory_space<vmem>>, vector<1x1x1x128xi32>,
    %slice3A_91 = vector.extract_strided_slice %argmin3A_80 {offsets = [128], sizes = [128], strides = [1]} : vector<512xi32> to vector<128xi32>
    %add3A_92 = vector.broadcast %mul3A_38 : i32 to vector<128xi32>
    %add3A_93 = arith.addi %slice3A_91, %add3A_92 : vector<128xi32>
    %swap3A_94 = arith.constant 0 : index
    %swap3A_95 = arith.constant 1 : index
    %swap3A_96 = arith.constant 1 : index
    %swap3A_97 = arith.constant 0 : index
    %swap3A_98 = vector.load %arg4[%swap3A_94, %swap3A_95, %swap3A_96, %swap3A_97] : memref<1x4x16x128xi32, #tpu.memory_space<vmem>>, vector<1x1x1x128xi32>
    %swap3A_99 = vector.shape_cast %swap3A_98 : vector<1x1x1x128xi32> to vector<128xi32>
    %swap3A_100 = vector.shape_cast %add3A_93 : vector<128xi32> to vector<1x1x1x128xi32>
    tpu.vector_store %arg4[%swap3A_94, %swap3A_95, %swap3A_96, %swap3A_97], %swap3A_100 {strides = array<i32>} : memref<1x4x16x128xi32, #tpu.memory_space<vmem>>, vector<1x1x1x128xi32>,
    %slice3A_101 = vector.extract_strided_slice %argmin3A_80 {offsets = [256], sizes = [128], strides = [1]} : vector<512xi32> to vector<128xi32>
    %add3A_102 = vector.broadcast %mul3A_38 : i32 to vector<128xi32>
    %add3A_103 = arith.addi %slice3A_101, %add3A_102 : vector<128xi32>
    %swap3A_104 = arith.constant 0 : index
    %swap3A_105 = arith.constant 2 : index
    %swap3A_106 = arith.constant 1 : index
    %swap3A_107 = arith.constant 0 : index
    %swap3A_108 = vector.load %arg4[%swap3A_104, %swap3A_105, %swap3A_106, %swap3A_107] : memref<1x4x16x128xi32, #tpu.memory_space<vmem>>, vector<1x1x1x128xi32>
    %swap3A_109 = vector.shape_cast %swap3A_108 : vector<1x1x1x128xi32> to vector<128xi32>
    %swap3A_110 = vector.shape_cast %add3A_103 : vector<128xi32> to vector<1x1x1x128xi32>
    tpu.vector_store %arg4[%swap3A_104, %swap3A_105, %swap3A_106, %swap3A_107], %swap3A_110 {strides = array<i32>} : memref<1x4x16x128xi32, #tpu.memory_space<vmem>>, vector<1x1x1x128xi32>,
    %slice3A_111 = vector.extract_strided_slice %argmin3A_80 {offsets = [384], sizes = [128], strides = [1]} : vector<512xi32> to vector<128xi32>
    %add3A_112 = vector.broadcast %mul3A_38 : i32 to vector<128xi32>
    %add3A_113 = arith.addi %slice3A_111, %add3A_112 : vector<128xi32>
    %swap3A_114 = arith.constant 0 : index
    %swap3A_115 = arith.constant 3 : index
    %swap3A_116 = arith.constant 1 : index
    %swap3A_117 = arith.constant 0 : index
    %swap3A_118 = vector.load %arg4[%swap3A_114, %swap3A_115, %swap3A_116, %swap3A_117] : memref<1x4x16x128xi32, #tpu.memory_space<vmem>>, vector<1x1x1x128xi32>
    %swap3A_119 = vector.shape_cast %swap3A_118 : vector<1x1x1x128xi32> to vector<128xi32>
    %swap3A_120 = vector.shape_cast %add3A_113 : vector<128xi32> to vector<1x1x1x128xi32>
    tpu.vector_store %arg4[%swap3A_114, %swap3A_115, %swap3A_116, %swap3A_117], %swap3A_120 {strides = array<i32>} : memref<1x4x16x128xi32, #tpu.memory_space<vmem>>, vector<1x1x1x128xi32>,
    %broadcast_in_dim3A_121 = vector.shape_cast %argmin3A_80 : vector<512xi32> to vector<512x1xi32>
    %eq3A_122 = vector.broadcast %broadcast_in_dim3A_121 : vector<512x1xi32> to vector<512x4096xi32>
    %eq3A_123 = arith.cmpi eq, %iota3A, %eq3A_122 : vector<512x4096xi32>
    %jit3A_124 = arith.constant 3.000000e+38 : f32
    %broadcast_in_dim3A_125 = vector.broadcast %jit3A_124 : f32 to vector<512x4096xf32>
    %select_n3A_126 = arith.select %eq3A_123, %broadcast_in_dim3A_125, %select_n3A : vector<512x4096xi1>, vector<512x4096xf32>
    %argmin3A_127 = tpu.reduce_index %select_n3A_126 {axis = 1 : i32, kind = #tpu.reduction_kind<arg_min>} : vector<512x4096xf32> -> vector<512xi32>
    %slice3A_128 = vector.extract_strided_slice %argmin3A_127 {offsets = [0], sizes = [128], strides = [1]} : vector<512xi32> to vector<128xi32>
    %add3A_129 = vector.broadcast %mul3A_38 : i32 to vector<128xi32>
    %add3A_130 = arith.addi %slice3A_128, %add3A_129 : vector<128xi32>
    %swap3A_131 = arith.constant 0 : index
    %swap3A_132 = arith.constant 0 : index
    %swap3A_133 = arith.constant 2 : index
    %swap3A_134 = arith.constant 0 : index
    %swap3A_135 = vector.load %arg4[%swap3A_131, %swap3A_132, %swap3A_133, %swap3A_134] : memref<1x4x16x128xi32, #tpu.memory_space<vmem>>, vector<1x1x1x128xi32>
    %swap3A_136 = vector.shape_cast %swap3A_135 : vector<1x1x1x128xi32> to vector<128xi32>
    %swap3A_137 = vector.shape_cast %add3A_130 : vector<128xi32> to vector<1x1x1x128xi32>
    tpu.vector_store %arg4[%swap3A_131, %swap3A_132, %swap3A_133, %swap3A_134], %swap3A_137 {strides = array<i32>} : memref<1x4x16x128xi32, #tpu.memory_space<vmem>>, vector<1x1x1x128xi32>,
    %slice3A_138 = vector.extract_strided_slice %argmin3A_127 {offsets = [128], sizes = [128], strides = [1]} : vector<512xi32> to vector<128xi32>
    %add3A_139 = vector.broadcast %mul3A_38 : i32 to vector<128xi32>
    %add3A_140 = arith.addi %slice3A_138, %add3A_139 : vector<128xi32>
    %swap3A_141 = arith.constant 0 : index
    %swap3A_142 = arith.constant 1 : index
    %swap3A_143 = arith.constant 2 : index
    %swap3A_144 = arith.constant 0 : index
    %swap3A_145 = vector.load %arg4[%swap3A_141, %swap3A_142, %swap3A_143, %swap3A_144] : memref<1x4x16x128xi32, #tpu.memory_space<vmem>>, vector<1x1x1x128xi32>
    %swap3A_146 = vector.shape_cast %swap3A_145 : vector<1x1x1x128xi32> to vector<128xi32>
    %swap3A_147 = vector.shape_cast %add3A_140 : vector<128xi32> to vector<1x1x1x128xi32>
    tpu.vector_store %arg4[%swap3A_141, %swap3A_142, %swap3A_143, %swap3A_144], %swap3A_147 {strides = array<i32>} : memref<1x4x16x128xi32, #tpu.memory_space<vmem>>, vector<1x1x1x128xi32>,
    %slice3A_148 = vector.extract_strided_slice %argmin3A_127 {offsets = [256], sizes = [128], strides = [1]} : vector<512xi32> to vector<128xi32>
    %add3A_149 = vector.broadcast %mul3A_38 : i32 to vector<128xi32>
    %add3A_150 = arith.addi %slice3A_148, %add3A_149 : vector<128xi32>
    %swap3A_151 = arith.constant 0 : index
    %swap3A_152 = arith.constant 2 : index
    %swap3A_153 = arith.constant 2 : index
    %swap3A_154 = arith.constant 0 : index
    %swap3A_155 = vector.load %arg4[%swap3A_151, %swap3A_152, %swap3A_153, %swap3A_154] : memref<1x4x16x128xi32, #tpu.memory_space<vmem>>, vector<1x1x1x128xi32>
    %swap3A_156 = vector.shape_cast %swap3A_155 : vector<1x1x1x128xi32> to vector<128xi32>
    %swap3A_157 = vector.shape_cast %add3A_150 : vector<128xi32> to vector<1x1x1x128xi32>
    tpu.vector_store %arg4[%swap3A_151, %swap3A_152, %swap3A_153, %swap3A_154], %swap3A_157 {strides = array<i32>} : memref<1x4x16x128xi32, #tpu.memory_space<vmem>>, vector<1x1x1x128xi32>,
    %slice3A_158 = vector.extract_strided_slice %argmin3A_127 {offsets = [384], sizes = [128], strides = [1]} : vector<512xi32> to vector<128xi32>
    %add3A_159 = vector.broadcast %mul3A_38 : i32 to vector<128xi32>
    %add3A_160 = arith.addi %slice3A_158, %add3A_159 : vector<128xi32>
    %swap3A_161 = arith.constant 0 : index
    %swap3A_162 = arith.constant 3 : index
    %swap3A_163 = arith.constant 2 : index
    %swap3A_164 = arith.constant 0 : index
    %swap3A_165 = vector.load %arg4[%swap3A_161, %swap3A_162, %swap3A_163, %swap3A_164] : memref<1x4x16x128xi32, #tpu.memory_space<vmem>>, vector<1x1x1x128xi32>
    %swap3A_166 = vector.shape_cast %swap3A_165 : vector<1x1x1x128xi32> to vector<128xi32>
    %swap3A_167 = vector.shape_cast %add3A_160 : vector<128xi32> to vector<1x1x1x128xi32>
    tpu.vector_store %arg4[%swap3A_161, %swap3A_162, %swap3A_163, %swap3A_164], %swap3A_167 {strides = array<i32>} : memref<1x4x16x128xi32, #tpu.memory_space<vmem>>, vector<1x1x1x128xi32>,
    %broadcast_in_dim3A_168 = vector.shape_cast %argmin3A_127 : vector<512xi32> to vector<512x1xi32>
    %eq3A_169 = vector.broadcast %broadcast_in_dim3A_168 : vector<512x1xi32> to vector<512x4096xi32>
    %eq3A_170 = arith.cmpi eq, %iota3A, %eq3A_169 : vector<512x4096xi32>
    %jit3A_171 = arith.constant 3.000000e+38 : f32
    %broadcast_in_dim3A_172 = vector.broadcast %jit3A_171 : f32 to vector<512x4096xf32>
    %select_n3A_173 = arith.select %eq3A_170, %broadcast_in_dim3A_172, %select_n3A_126 : vector<512x4096xi1>, vector<512x4096xf32>
    %argmin3A_174 = tpu.reduce_index %select_n3A_173 {axis = 1 : i32, kind = #tpu.reduction_kind<arg_min>} : vector<512x4096xf32> -> vector<512xi32>
    %slice3A_175 = vector.extract_strided_slice %argmin3A_174 {offsets = [0], sizes = [128], strides = [1]} : vector<512xi32> to vector<128xi32>
    %add3A_176 = vector.broadcast %mul3A_38 : i32 to vector<128xi32>
    %add3A_177 = arith.addi %slice3A_175, %add3A_176 : vector<128xi32>
    %swap3A_178 = arith.constant 0 : index
    %swap3A_179 = arith.constant 0 : index
    %swap3A_180 = arith.constant 3 : index
    %swap3A_181 = arith.constant 0 : index
    %swap3A_182 = vector.load %arg4[%swap3A_178, %swap3A_179, %swap3A_180, %swap3A_181] : memref<1x4x16x128xi32, #tpu.memory_space<vmem>>, vector<1x1x1x128xi32>
    %swap3A_183 = vector.shape_cast %swap3A_182 : vector<1x1x1x128xi32> to vector<128xi32>
    %swap3A_184 = vector.shape_cast %add3A_177 : vector<128xi32> to vector<1x1x1x128xi32>
    tpu.vector_store %arg4[%swap3A_178, %swap3A_179, %swap3A_180, %swap3A_181], %swap3A_184 {strides = array<i32>} : memref<1x4x16x128xi32, #tpu.memory_space<vmem>>, vector<1x1x1x128xi32>,
    %slice3A_185 = vector.extract_strided_slice %argmin3A_174 {offsets = [128], sizes = [128], strides = [1]} : vector<512xi32> to vector<128xi32>
    %add3A_186 = vector.broadcast %mul3A_38 : i32 to vector<128xi32>
    %add3A_187 = arith.addi %slice3A_185, %add3A_186 : vector<128xi32>
    %swap3A_188 = arith.constant 0 : index
    %swap3A_189 = arith.constant 1 : index
    %swap3A_190 = arith.constant 3 : index
    %swap3A_191 = arith.constant 0 : index
    %swap3A_192 = vector.load %arg4[%swap3A_188, %swap3A_189, %swap3A_190, %swap3A_191] : memref<1x4x16x128xi32, #tpu.memory_space<vmem>>, vector<1x1x1x128xi32>
    %swap3A_193 = vector.shape_cast %swap3A_192 : vector<1x1x1x128xi32> to vector<128xi32>
    %swap3A_194 = vector.shape_cast %add3A_187 : vector<128xi32> to vector<1x1x1x128xi32>
    tpu.vector_store %arg4[%swap3A_188, %swap3A_189, %swap3A_190, %swap3A_191], %swap3A_194 {strides = array<i32>} : memref<1x4x16x128xi32, #tpu.memory_space<vmem>>, vector<1x1x1x128xi32>,
    %slice3A_195 = vector.extract_strided_slice %argmin3A_174 {offsets = [256], sizes = [128], strides = [1]} : vector<512xi32> to vector<128xi32>
    %add3A_196 = vector.broadcast %mul3A_38 : i32 to vector<128xi32>
    %add3A_197 = arith.addi %slice3A_195, %add3A_196 : vector<128xi32>
    %swap3A_198 = arith.constant 0 : index
    %swap3A_199 = arith.constant 2 : index
    %swap3A_200 = arith.constant 3 : index
    %swap3A_201 = arith.constant 0 : index
    %swap3A_202 = vector.load %arg4[%swap3A_198, %swap3A_199, %swap3A_200, %swap3A_201] : memref<1x4x16x128xi32, #tpu.memory_space<vmem>>, vector<1x1x1x128xi32>
    %swap3A_203 = vector.shape_cast %swap3A_202 : vector<1x1x1x128xi32> to vector<128xi32>
    %swap3A_204 = vector.shape_cast %add3A_197 : vector<128xi32> to vector<1x1x1x128xi32>
    tpu.vector_store %arg4[%swap3A_198, %swap3A_199, %swap3A_200, %swap3A_201], %swap3A_204 {strides = array<i32>} : memref<1x4x16x128xi32, #tpu.memory_space<vmem>>, vector<1x1x1x128xi32>,
    %slice3A_205 = vector.extract_strided_slice %argmin3A_174 {offsets = [384], sizes = [128], strides = [1]} : vector<512xi32> to vector<128xi32>
    %add3A_206 = vector.broadcast %mul3A_38 : i32 to vector<128xi32>
    %add3A_207 = arith.addi %slice3A_205, %add3A_206 : vector<128xi32>
    %swap3A_208 = arith.constant 0 : index
    %swap3A_209 = arith.constant 3 : index
    %swap3A_210 = arith.constant 3 : index
    %swap3A_211 = arith.constant 0 : index
    %swap3A_212 = vector.load %arg4[%swap3A_208, %swap3A_209, %swap3A_210, %swap3A_211] : memref<1x4x16x128xi32, #tpu.memory_space<vmem>>, vector<1x1x1x128xi32>
    %swap3A_213 = vector.shape_cast %swap3A_212 : vector<1x1x1x128xi32> to vector<128xi32>
    %swap3A_214 = vector.shape_cast %add3A_207 : vector<128xi32> to vector<1x1x1x128xi32>
    tpu.vector_store %arg4[%swap3A_208, %swap3A_209, %swap3A_210, %swap3A_211], %swap3A_214 {strides = array<i32>} : memref<1x4x16x128xi32, #tpu.memory_space<vmem>>, vector<1x1x1x128xi32>,
    %broadcast_in_dim3A_215 = vector.shape_cast %argmin3A_174 : vector<512xi32> to vector<512x1xi32>
    %eq3A_216 = vector.broadcast %broadcast_in_dim3A_215 : vector<512x1xi32> to vector<512x4096xi32>
    %eq3A_217 = arith.cmpi eq, %iota3A, %eq3A_216 : vector<512x4096xi32>
    %jit3A_218 = arith.constant 3.000000e+38 : f32
    %broadcast_in_dim3A_219 = vector.broadcast %jit3A_218 : f32 to vector<512x4096xf32>
    %select_n3A_220 = arith.select %eq3A_217, %broadcast_in_dim3A_219, %select_n3A_173 : vector<512x4096xi1>, vector<512x4096xf32>
    %argmin3A_221 = tpu.reduce_index %select_n3A_220 {axis = 1 : i32, kind = #tpu.reduction_kind<arg_min>} : vector<512x4096xf32> -> vector<512xi32>
    %slice3A_222 = vector.extract_strided_slice %argmin3A_221 {offsets = [0], sizes = [128], strides = [1]} : vector<512xi32> to vector<128xi32>
    %add3A_223 = vector.broadcast %mul3A_38 : i32 to vector<128xi32>
    %add3A_224 = arith.addi %slice3A_222, %add3A_223 : vector<128xi32>
    %swap3A_225 = arith.constant 0 : index
    %swap3A_226 = arith.constant 0 : index
    %swap3A_227 = arith.constant 4 : index
    %swap3A_228 = arith.constant 0 : index
    %swap3A_229 = vector.load %arg4[%swap3A_225, %swap3A_226, %swap3A_227, %swap3A_228] : memref<1x4x16x128xi32, #tpu.memory_space<vmem>>, vector<1x1x1x128xi32>
    %swap3A_230 = vector.shape_cast %swap3A_229 : vector<1x1x1x128xi32> to vector<128xi32>
    %swap3A_231 = vector.shape_cast %add3A_224 : vector<128xi32> to vector<1x1x1x128xi32>
    tpu.vector_store %arg4[%swap3A_225, %swap3A_226, %swap3A_227, %swap3A_228], %swap3A_231 {strides = array<i32>} : memref<1x4x16x128xi32, #tpu.memory_space<vmem>>, vector<1x1x1x128xi32>,
    %slice3A_232 = vector.extract_strided_slice %argmin3A_221 {offsets = [128], sizes = [128], strides = [1]} : vector<512xi32> to vector<128xi32>
    %add3A_233 = vector.broadcast %mul3A_38 : i32 to vector<128xi32>
    %add3A_234 = arith.addi %slice3A_232, %add3A_233 : vector<128xi32>
    %swap3A_235 = arith.constant 0 : index
    %swap3A_236 = arith.constant 1 : index
    %swap3A_237 = arith.constant 4 : index
    %swap3A_238 = arith.constant 0 : index
    %swap3A_239 = vector.load %arg4[%swap3A_235, %swap3A_236, %swap3A_237, %swap3A_238] : memref<1x4x16x128xi32, #tpu.memory_space<vmem>>, vector<1x1x1x128xi32>
    %swap3A_240 = vector.shape_cast %swap3A_239 : vector<1x1x1x128xi32> to vector<128xi32>
    %swap3A_241 = vector.shape_cast %add3A_234 : vector<128xi32> to vector<1x1x1x128xi32>
    tpu.vector_store %arg4[%swap3A_235, %swap3A_236, %swap3A_237, %swap3A_238], %swap3A_241 {strides = array<i32>} : memref<1x4x16x128xi32, #tpu.memory_space<vmem>>, vector<1x1x1x128xi32>,
    %slice3A_242 = vector.extract_strided_slice %argmin3A_221 {offsets = [256], sizes = [128], strides = [1]} : vector<512xi32> to vector<128xi32>
    %add3A_243 = vector.broadcast %mul3A_38 : i32 to vector<128xi32>
    %add3A_244 = arith.addi %slice3A_242, %add3A_243 : vector<128xi32>
    %swap3A_245 = arith.constant 0 : index
    %swap3A_246 = arith.constant 2 : index
    %swap3A_247 = arith.constant 4 : index
    %swap3A_248 = arith.constant 0 : index
    %swap3A_249 = vector.load %arg4[%swap3A_245, %swap3A_246, %swap3A_247, %swap3A_248] : memref<1x4x16x128xi32, #tpu.memory_space<vmem>>, vector<1x1x1x128xi32>
    %swap3A_250 = vector.shape_cast %swap3A_249 : vector<1x1x1x128xi32> to vector<128xi32>
    %swap3A_251 = vector.shape_cast %add3A_244 : vector<128xi32> to vector<1x1x1x128xi32>
    tpu.vector_store %arg4[%swap3A_245, %swap3A_246, %swap3A_247, %swap3A_248], %swap3A_251 {strides = array<i32>} : memref<1x4x16x128xi32, #tpu.memory_space<vmem>>, vector<1x1x1x128xi32>,
    %slice3A_252 = vector.extract_strided_slice %argmin3A_221 {offsets = [384], sizes = [128], strides = [1]} : vector<512xi32> to vector<128xi32>
    %add3A_253 = vector.broadcast %mul3A_38 : i32 to vector<128xi32>
    %add3A_254 = arith.addi %slice3A_252, %add3A_253 : vector<128xi32>
    %swap3A_255 = arith.constant 0 : index
    %swap3A_256 = arith.constant 3 : index
    %swap3A_257 = arith.constant 4 : index
    %swap3A_258 = arith.constant 0 : index
    %swap3A_259 = vector.load %arg4[%swap3A_255, %swap3A_256, %swap3A_257, %swap3A_258] : memref<1x4x16x128xi32, #tpu.memory_space<vmem>>, vector<1x1x1x128xi32>
    %swap3A_260 = vector.shape_cast %swap3A_259 : vector<1x1x1x128xi32> to vector<128xi32>
    %swap3A_261 = vector.shape_cast %add3A_254 : vector<128xi32> to vector<1x1x1x128xi32>
    tpu.vector_store %arg4[%swap3A_255, %swap3A_256, %swap3A_257, %swap3A_258], %swap3A_261 {strides = array<i32>} : memref<1x4x16x128xi32, #tpu.memory_space<vmem>>, vector<1x1x1x128xi32>,
    %broadcast_in_dim3A_262 = vector.shape_cast %argmin3A_221 : vector<512xi32> to vector<512x1xi32>
    %eq3A_263 = vector.broadcast %broadcast_in_dim3A_262 : vector<512x1xi32> to vector<512x4096xi32>
    %eq3A_264 = arith.cmpi eq, %iota3A, %eq3A_263 : vector<512x4096xi32>
    %jit3A_265 = arith.constant 3.000000e+38 : f32
    %broadcast_in_dim3A_266 = vector.broadcast %jit3A_265 : f32 to vector<512x4096xf32>
    %select_n3A_267 = arith.select %eq3A_264, %broadcast_in_dim3A_266, %select_n3A_220 : vector<512x4096xi1>, vector<512x4096xf32>
    %argmin3A_268 = tpu.reduce_index %select_n3A_267 {axis = 1 : i32, kind = #tpu.reduction_kind<arg_min>} : vector<512x4096xf32> -> vector<512xi32>
    %slice3A_269 = vector.extract_strided_slice %argmin3A_268 {offsets = [0], sizes = [128], strides = [1]} : vector<512xi32> to vector<128xi32>
    %add3A_270 = vector.broadcast %mul3A_38 : i32 to vector<128xi32>
    %add3A_271 = arith.addi %slice3A_269, %add3A_270 : vector<128xi32>
    %swap3A_272 = arith.constant 0 : index
    %swap3A_273 = arith.constant 0 : index
    %swap3A_274 = arith.constant 5 : index
    %swap3A_275 = arith.constant 0 : index
    %swap3A_276 = vector.load %arg4[%swap3A_272, %swap3A_273, %swap3A_274, %swap3A_275] : memref<1x4x16x128xi32, #tpu.memory_space<vmem>>, vector<1x1x1x128xi32>
    %swap3A_277 = vector.shape_cast %swap3A_276 : vector<1x1x1x128xi32> to vector<128xi32>
    %swap3A_278 = vector.shape_cast %add3A_271 : vector<128xi32> to vector<1x1x1x128xi32>
    tpu.vector_store %arg4[%swap3A_272, %swap3A_273, %swap3A_274, %swap3A_275], %swap3A_278 {strides = array<i32>} : memref<1x4x16x128xi32, #tpu.memory_space<vmem>>, vector<1x1x1x128xi32>,
    %slice3A_279 = vector.extract_strided_slice %argmin3A_268 {offsets = [128], sizes = [128], strides = [1]} : vector<512xi32> to vector<128xi32>
    %add3A_280 = vector.broadcast %mul3A_38 : i32 to vector<128xi32>
    %add3A_281 = arith.addi %slice3A_279, %add3A_280 : vector<128xi32>
    %swap3A_282 = arith.constant 0 : index
    %swap3A_283 = arith.constant 1 : index
    %swap3A_284 = arith.constant 5 : index
    %swap3A_285 = arith.constant 0 : index
    %swap3A_286 = vector.load %arg4[%swap3A_282, %swap3A_283, %swap3A_284, %swap3A_285] : memref<1x4x16x128xi32, #tpu.memory_space<vmem>>, vector<1x1x1x128xi32>
    %swap3A_287 = vector.shape_cast %swap3A_286 : vector<1x1x1x128xi32> to vector<128xi32>
    %swap3A_288 = vector.shape_cast %add3A_281 : vector<128xi32> to vector<1x1x1x128xi32>
    tpu.vector_store %arg4[%swap3A_282, %swap3A_283, %swap3A_284, %swap3A_285], %swap3A_288 {strides = array<i32>} : memref<1x4x16x128xi32, #tpu.memory_space<vmem>>, vector<1x1x1x128xi32>,
    %slice3A_289 = vector.extract_strided_slice %argmin3A_268 {offsets = [256], sizes = [128], strides = [1]} : vector<512xi32> to vector<128xi32>
    %add3A_290 = vector.broadcast %mul3A_38 : i32 to vector<128xi32>
    %add3A_291 = arith.addi %slice3A_289, %add3A_290 : vector<128xi32>
    %swap3A_292 = arith.constant 0 : index
    %swap3A_293 = arith.constant 2 : index
    %swap3A_294 = arith.constant 5 : index
    %swap3A_295 = arith.constant 0 : index
    %swap3A_296 = vector.load %arg4[%swap3A_292, %swap3A_293, %swap3A_294, %swap3A_295] : memref<1x4x16x128xi32, #tpu.memory_space<vmem>>, vector<1x1x1x128xi32>
    %swap3A_297 = vector.shape_cast %swap3A_296 : vector<1x1x1x128xi32> to vector<128xi32>
    %swap3A_298 = vector.shape_cast %add3A_291 : vector<128xi32> to vector<1x1x1x128xi32>
    tpu.vector_store %arg4[%swap3A_292, %swap3A_293, %swap3A_294, %swap3A_295], %swap3A_298 {strides = array<i32>} : memref<1x4x16x128xi32, #tpu.memory_space<vmem>>, vector<1x1x1x128xi32>,
    %slice3A_299 = vector.extract_strided_slice %argmin3A_268 {offsets = [384], sizes = [128], strides = [1]} : vector<512xi32> to vector<128xi32>
    %add3A_300 = vector.broadcast %mul3A_38 : i32 to vector<128xi32>
    %add3A_301 = arith.addi %slice3A_299, %add3A_300 : vector<128xi32>
    %swap3A_302 = arith.constant 0 : index
    %swap3A_303 = arith.constant 3 : index
    %swap3A_304 = arith.constant 5 : index
    %swap3A_305 = arith.constant 0 : index
    %swap3A_306 = vector.load %arg4[%swap3A_302, %swap3A_303, %swap3A_304, %swap3A_305] : memref<1x4x16x128xi32, #tpu.memory_space<vmem>>, vector<1x1x1x128xi32>
    %swap3A_307 = vector.shape_cast %swap3A_306 : vector<1x1x1x128xi32> to vector<128xi32>
    %swap3A_308 = vector.shape_cast %add3A_301 : vector<128xi32> to vector<1x1x1x128xi32>
    tpu.vector_store %arg4[%swap3A_302, %swap3A_303, %swap3A_304, %swap3A_305], %swap3A_308 {strides = array<i32>} : memref<1x4x16x128xi32, #tpu.memory_space<vmem>>, vector<1x1x1x128xi32>,
    %broadcast_in_dim3A_309 = vector.shape_cast %argmin3A_268 : vector<512xi32> to vector<512x1xi32>
    %eq3A_310 = vector.broadcast %broadcast_in_dim3A_309 : vector<512x1xi32> to vector<512x4096xi32>
    %eq3A_311 = arith.cmpi eq, %iota3A, %eq3A_310 : vector<512x4096xi32>
    %jit3A_312 = arith.constant 3.000000e+38 : f32
    %broadcast_in_dim3A_313 = vector.broadcast %jit3A_312 : f32 to vector<512x4096xf32>
    %select_n3A_314 = arith.select %eq3A_311, %broadcast_in_dim3A_313, %select_n3A_267 : vector<512x4096xi1>, vector<512x4096xf32>
    %argmin3A_315 = tpu.reduce_index %select_n3A_314 {axis = 1 : i32, kind = #tpu.reduction_kind<arg_min>} : vector<512x4096xf32> -> vector<512xi32>
    %slice3A_316 = vector.extract_strided_slice %argmin3A_315 {offsets = [0], sizes = [128], strides = [1]} : vector<512xi32> to vector<128xi32>
    %add3A_317 = vector.broadcast %mul3A_38 : i32 to vector<128xi32>
    %add3A_318 = arith.addi %slice3A_316, %add3A_317 : vector<128xi32>
    %swap3A_319 = arith.constant 0 : index
    %swap3A_320 = arith.constant 0 : index
    %swap3A_321 = arith.constant 6 : index
    %swap3A_322 = arith.constant 0 : index
    %swap3A_323 = vector.load %arg4[%swap3A_319, %swap3A_320, %swap3A_321, %swap3A_322] : memref<1x4x16x128xi32, #tpu.memory_space<vmem>>, vector<1x1x1x128xi32>
    %swap3A_324 = vector.shape_cast %swap3A_323 : vector<1x1x1x128xi32> to vector<128xi32>
    %swap3A_325 = vector.shape_cast %add3A_318 : vector<128xi32> to vector<1x1x1x128xi32>
    tpu.vector_store %arg4[%swap3A_319, %swap3A_320, %swap3A_321, %swap3A_322], %swap3A_325 {strides = array<i32>} : memref<1x4x16x128xi32, #tpu.memory_space<vmem>>, vector<1x1x1x128xi32>,
    %slice3A_326 = vector.extract_strided_slice %argmin3A_315 {offsets = [128], sizes = [128], strides = [1]} : vector<512xi32> to vector<128xi32>
    %add3A_327 = vector.broadcast %mul3A_38 : i32 to vector<128xi32>
    %add3A_328 = arith.addi %slice3A_326, %add3A_327 : vector<128xi32>
    %swap3A_329 = arith.constant 0 : index
    %swap3A_330 = arith.constant 1 : index
    %swap3A_331 = arith.constant 6 : index
    %swap3A_332 = arith.constant 0 : index
    %swap3A_333 = vector.load %arg4[%swap3A_329, %swap3A_330, %swap3A_331, %swap3A_332] : memref<1x4x16x128xi32, #tpu.memory_space<vmem>>, vector<1x1x1x128xi32>
    %swap3A_334 = vector.shape_cast %swap3A_333 : vector<1x1x1x128xi32> to vector<128xi32>
    %swap3A_335 = vector.shape_cast %add3A_328 : vector<128xi32> to vector<1x1x1x128xi32>
    tpu.vector_store %arg4[%swap3A_329, %swap3A_330, %swap3A_331, %swap3A_332], %swap3A_335 {strides = array<i32>} : memref<1x4x16x128xi32, #tpu.memory_space<vmem>>, vector<1x1x1x128xi32>,
    %slice3A_336 = vector.extract_strided_slice %argmin3A_315 {offsets = [256], sizes = [128], strides = [1]} : vector<512xi32> to vector<128xi32>
    %add3A_337 = vector.broadcast %mul3A_38 : i32 to vector<128xi32>
    %add3A_338 = arith.addi %slice3A_336, %add3A_337 : vector<128xi32>
    %swap3A_339 = arith.constant 0 : index
    %swap3A_340 = arith.constant 2 : index
    %swap3A_341 = arith.constant 6 : index
    %swap3A_342 = arith.constant 0 : index
    %swap3A_343 = vector.load %arg4[%swap3A_339, %swap3A_340, %swap3A_341, %swap3A_342] : memref<1x4x16x128xi32, #tpu.memory_space<vmem>>, vector<1x1x1x128xi32>
    %swap3A_344 = vector.shape_cast %swap3A_343 : vector<1x1x1x128xi32> to vector<128xi32>
    %swap3A_345 = vector.shape_cast %add3A_338 : vector<128xi32> to vector<1x1x1x128xi32>
    tpu.vector_store %arg4[%swap3A_339, %swap3A_340, %swap3A_341, %swap3A_342], %swap3A_345 {strides = array<i32>} : memref<1x4x16x128xi32, #tpu.memory_space<vmem>>, vector<1x1x1x128xi32>,
    %slice3A_346 = vector.extract_strided_slice %argmin3A_315 {offsets = [384], sizes = [128], strides = [1]} : vector<512xi32> to vector<128xi32>
    %add3A_347 = vector.broadcast %mul3A_38 : i32 to vector<128xi32>
    %add3A_348 = arith.addi %slice3A_346, %add3A_347 : vector<128xi32>
    %swap3A_349 = arith.constant 0 : index
    %swap3A_350 = arith.constant 3 : index
    %swap3A_351 = arith.constant 6 : index
    %swap3A_352 = arith.constant 0 : index
    %swap3A_353 = vector.load %arg4[%swap3A_349, %swap3A_350, %swap3A_351, %swap3A_352] : memref<1x4x16x128xi32, #tpu.memory_space<vmem>>, vector<1x1x1x128xi32>
    %swap3A_354 = vector.shape_cast %swap3A_353 : vector<1x1x1x128xi32> to vector<128xi32>
    %swap3A_355 = vector.shape_cast %add3A_348 : vector<128xi32> to vector<1x1x1x128xi32>
    tpu.vector_store %arg4[%swap3A_349, %swap3A_350, %swap3A_351, %swap3A_352], %swap3A_355 {strides = array<i32>} : memref<1x4x16x128xi32, #tpu.memory_space<vmem>>, vector<1x1x1x128xi32>,
    %broadcast_in_dim3A_356 = vector.shape_cast %argmin3A_315 : vector<512xi32> to vector<512x1xi32>
    %eq3A_357 = vector.broadcast %broadcast_in_dim3A_356 : vector<512x1xi32> to vector<512x4096xi32>
    %eq3A_358 = arith.cmpi eq, %iota3A, %eq3A_357 : vector<512x4096xi32>
    %jit3A_359 = arith.constant 3.000000e+38 : f32
    %broadcast_in_dim3A_360 = vector.broadcast %jit3A_359 : f32 to vector<512x4096xf32>
    %select_n3A_361 = arith.select %eq3A_358, %broadcast_in_dim3A_360, %select_n3A_314 : vector<512x4096xi1>, vector<512x4096xf32>
    %argmin3A_362 = tpu.reduce_index %select_n3A_361 {axis = 1 : i32, kind = #tpu.reduction_kind<arg_min>} : vector<512x4096xf32> -> vector<512xi32>
    %slice3A_363 = vector.extract_strided_slice %argmin3A_362 {offsets = [0], sizes = [128], strides = [1]} : vector<512xi32> to vector<128xi32>
    %add3A_364 = vector.broadcast %mul3A_38 : i32 to vector<128xi32>
    %add3A_365 = arith.addi %slice3A_363, %add3A_364 : vector<128xi32>
    %swap3A_366 = arith.constant 0 : index
    %swap3A_367 = arith.constant 0 : index
    %swap3A_368 = arith.constant 7 : index
    %swap3A_369 = arith.constant 0 : index
    %swap3A_370 = vector.load %arg4[%swap3A_366, %swap3A_367, %swap3A_368, %swap3A_369] : memref<1x4x16x128xi32, #tpu.memory_space<vmem>>, vector<1x1x1x128xi32>
    %swap3A_371 = vector.shape_cast %swap3A_370 : vector<1x1x1x128xi32> to vector<128xi32>
    %swap3A_372 = vector.shape_cast %add3A_365 : vector<128xi32> to vector<1x1x1x128xi32>
    tpu.vector_store %arg4[%swap3A_366, %swap3A_367, %swap3A_368, %swap3A_369], %swap3A_372 {strides = array<i32>} : memref<1x4x16x128xi32, #tpu.memory_space<vmem>>, vector<1x1x1x128xi32>,
    %slice3A_373 = vector.extract_strided_slice %argmin3A_362 {offsets = [128], sizes = [128], strides = [1]} : vector<512xi32> to vector<128xi32>
    %add3A_374 = vector.broadcast %mul3A_38 : i32 to vector<128xi32>
    %add3A_375 = arith.addi %slice3A_373, %add3A_374 : vector<128xi32>
    %swap3A_376 = arith.constant 0 : index
    %swap3A_377 = arith.constant 1 : index
    %swap3A_378 = arith.constant 7 : index
    %swap3A_379 = arith.constant 0 : index
    %swap3A_380 = vector.load %arg4[%swap3A_376, %swap3A_377, %swap3A_378, %swap3A_379] : memref<1x4x16x128xi32, #tpu.memory_space<vmem>>, vector<1x1x1x128xi32>
    %swap3A_381 = vector.shape_cast %swap3A_380 : vector<1x1x1x128xi32> to vector<128xi32>
    %swap3A_382 = vector.shape_cast %add3A_375 : vector<128xi32> to vector<1x1x1x128xi32>
    tpu.vector_store %arg4[%swap3A_376, %swap3A_377, %swap3A_378, %swap3A_379], %swap3A_382 {strides = array<i32>} : memref<1x4x16x128xi32, #tpu.memory_space<vmem>>, vector<1x1x1x128xi32>,
    %slice3A_383 = vector.extract_strided_slice %argmin3A_362 {offsets = [256], sizes = [128], strides = [1]} : vector<512xi32> to vector<128xi32>
    %add3A_384 = vector.broadcast %mul3A_38 : i32 to vector<128xi32>
    %add3A_385 = arith.addi %slice3A_383, %add3A_384 : vector<128xi32>
    %swap3A_386 = arith.constant 0 : index
    %swap3A_387 = arith.constant 2 : index
    %swap3A_388 = arith.constant 7 : index
    %swap3A_389 = arith.constant 0 : index
    %swap3A_390 = vector.load %arg4[%swap3A_386, %swap3A_387, %swap3A_388, %swap3A_389] : memref<1x4x16x128xi32, #tpu.memory_space<vmem>>, vector<1x1x1x128xi32>
    %swap3A_391 = vector.shape_cast %swap3A_390 : vector<1x1x1x128xi32> to vector<128xi32>
    %swap3A_392 = vector.shape_cast %add3A_385 : vector<128xi32> to vector<1x1x1x128xi32>
    tpu.vector_store %arg4[%swap3A_386, %swap3A_387, %swap3A_388, %swap3A_389], %swap3A_392 {strides = array<i32>} : memref<1x4x16x128xi32, #tpu.memory_space<vmem>>, vector<1x1x1x128xi32>,
    %slice3A_393 = vector.extract_strided_slice %argmin3A_362 {offsets = [384], sizes = [128], strides = [1]} : vector<512xi32> to vector<128xi32>
    %add3A_394 = vector.broadcast %mul3A_38 : i32 to vector<128xi32>
    %add3A_395 = arith.addi %slice3A_393, %add3A_394 : vector<128xi32>
    %swap3A_396 = arith.constant 0 : index
    %swap3A_397 = arith.constant 3 : index
    %swap3A_398 = arith.constant 7 : index
    %swap3A_399 = arith.constant 0 : index
    %swap3A_400 = vector.load %arg4[%swap3A_396, %swap3A_397, %swap3A_398, %swap3A_399] : memref<1x4x16x128xi32, #tpu.memory_space<vmem>>, vector<1x1x1x128xi32>
    %swap3A_401 = vector.shape_cast %swap3A_400 : vector<1x1x1x128xi32> to vector<128xi32>
    %swap3A_402 = vector.shape_cast %add3A_395 : vector<128xi32> to vector<1x1x1x128xi32>
    tpu.vector_store %arg4[%swap3A_396, %swap3A_397, %swap3A_398, %swap3A_399], %swap3A_402 {strides = array<i32>} : memref<1x4x16x128xi32, #tpu.memory_space<vmem>>, vector<1x1x1x128xi32>,
    %broadcast_in_dim3A_403 = vector.shape_cast %argmin3A_362 : vector<512xi32> to vector<512x1xi32>
    %eq3A_404 = vector.broadcast %broadcast_in_dim3A_403 : vector<512x1xi32> to vector<512x4096xi32>
    %eq3A_405 = arith.cmpi eq, %iota3A, %eq3A_404 : vector<512x4096xi32>
    %jit3A_406 = arith.constant 3.000000e+38 : f32
    %broadcast_in_dim3A_407 = vector.broadcast %jit3A_406 : f32 to vector<512x4096xf32>
    %select_n3A_408 = arith.select %eq3A_405, %broadcast_in_dim3A_407, %select_n3A_361 : vector<512x4096xi1>, vector<512x4096xf32>
    %argmin3A_409 = tpu.reduce_index %select_n3A_408 {axis = 1 : i32, kind = #tpu.reduction_kind<arg_min>} : vector<512x4096xf32> -> vector<512xi32>
    %slice3A_410 = vector.extract_strided_slice %argmin3A_409 {offsets = [0], sizes = [128], strides = [1]} : vector<512xi32> to vector<128xi32>
    %add3A_411 = vector.broadcast %mul3A_38 : i32 to vector<128xi32>
    %add3A_412 = arith.addi %slice3A_410, %add3A_411 : vector<128xi32>
    %swap3A_413 = arith.constant 0 : index
    %swap3A_414 = arith.constant 0 : index
    %swap3A_415 = arith.constant 8 : index
    %swap3A_416 = arith.constant 0 : index
    %swap3A_417 = vector.load %arg4[%swap3A_413, %swap3A_414, %swap3A_415, %swap3A_416] : memref<1x4x16x128xi32, #tpu.memory_space<vmem>>, vector<1x1x1x128xi32>
    %swap3A_418 = vector.shape_cast %swap3A_417 : vector<1x1x1x128xi32> to vector<128xi32>
    %swap3A_419 = vector.shape_cast %add3A_412 : vector<128xi32> to vector<1x1x1x128xi32>
    tpu.vector_store %arg4[%swap3A_413, %swap3A_414, %swap3A_415, %swap3A_416], %swap3A_419 {strides = array<i32>} : memref<1x4x16x128xi32, #tpu.memory_space<vmem>>, vector<1x1x1x128xi32>,
    %slice3A_420 = vector.extract_strided_slice %argmin3A_409 {offsets = [128], sizes = [128], strides = [1]} : vector<512xi32> to vector<128xi32>
    %add3A_421 = vector.broadcast %mul3A_38 : i32 to vector<128xi32>
    %add3A_422 = arith.addi %slice3A_420, %add3A_421 : vector<128xi32>
    %swap3A_423 = arith.constant 0 : index
    %swap3A_424 = arith.constant 1 : index
    %swap3A_425 = arith.constant 8 : index
    %swap3A_426 = arith.constant 0 : index
    %swap3A_427 = vector.load %arg4[%swap3A_423, %swap3A_424, %swap3A_425, %swap3A_426] : memref<1x4x16x128xi32, #tpu.memory_space<vmem>>, vector<1x1x1x128xi32>
    %swap3A_428 = vector.shape_cast %swap3A_427 : vector<1x1x1x128xi32> to vector<128xi32>
    %swap3A_429 = vector.shape_cast %add3A_422 : vector<128xi32> to vector<1x1x1x128xi32>
    tpu.vector_store %arg4[%swap3A_423, %swap3A_424, %swap3A_425, %swap3A_426], %swap3A_429 {strides = array<i32>} : memref<1x4x16x128xi32, #tpu.memory_space<vmem>>, vector<1x1x1x128xi32>,
    %slice3A_430 = vector.extract_strided_slice %argmin3A_409 {offsets = [256], sizes = [128], strides = [1]} : vector<512xi32> to vector<128xi32>
    %add3A_431 = vector.broadcast %mul3A_38 : i32 to vector<128xi32>
    %add3A_432 = arith.addi %slice3A_430, %add3A_431 : vector<128xi32>
    %swap3A_433 = arith.constant 0 : index
    %swap3A_434 = arith.constant 2 : index
    %swap3A_435 = arith.constant 8 : index
    %swap3A_436 = arith.constant 0 : index
    %swap3A_437 = vector.load %arg4[%swap3A_433, %swap3A_434, %swap3A_435, %swap3A_436] : memref<1x4x16x128xi32, #tpu.memory_space<vmem>>, vector<1x1x1x128xi32>
    %swap3A_438 = vector.shape_cast %swap3A_437 : vector<1x1x1x128xi32> to vector<128xi32>
    %swap3A_439 = vector.shape_cast %add3A_432 : vector<128xi32> to vector<1x1x1x128xi32>
    tpu.vector_store %arg4[%swap3A_433, %swap3A_434, %swap3A_435, %swap3A_436], %swap3A_439 {strides = array<i32>} : memref<1x4x16x128xi32, #tpu.memory_space<vmem>>, vector<1x1x1x128xi32>,
    %slice3A_440 = vector.extract_strided_slice %argmin3A_409 {offsets = [384], sizes = [128], strides = [1]} : vector<512xi32> to vector<128xi32>
    %add3A_441 = vector.broadcast %mul3A_38 : i32 to vector<128xi32>
    %add3A_442 = arith.addi %slice3A_440, %add3A_441 : vector<128xi32>
    %swap3A_443 = arith.constant 0 : index
    %swap3A_444 = arith.constant 3 : index
    %swap3A_445 = arith.constant 8 : index
    %swap3A_446 = arith.constant 0 : index
    %swap3A_447 = vector.load %arg4[%swap3A_443, %swap3A_444, %swap3A_445, %swap3A_446] : memref<1x4x16x128xi32, #tpu.memory_space<vmem>>, vector<1x1x1x128xi32>
    %swap3A_448 = vector.shape_cast %swap3A_447 : vector<1x1x1x128xi32> to vector<128xi32>
    %swap3A_449 = vector.shape_cast %add3A_442 : vector<128xi32> to vector<1x1x1x128xi32>
    tpu.vector_store %arg4[%swap3A_443, %swap3A_444, %swap3A_445, %swap3A_446], %swap3A_449 {strides = array<i32>} : memref<1x4x16x128xi32, #tpu.memory_space<vmem>>, vector<1x1x1x128xi32>,
    return
  }
  func.func @transform_0(%arg0: i32, %arg1: i32) -> (i32, i32, i32) {
    %c0_i32 = arith.constant 0 : i32
    %c0_i32_0 = arith.constant 0 : i32
    return %arg0, %arg1, %c0_i32 : i32, i32, i32
  }
  func.func @transform_1(%arg0: i32, %arg1: i32) -> (i32, i32, i32) {
    %c0_i32 = arith.constant 0 : i32
    %c0_i32_0 = arith.constant 0 : i32
    %c0_i32_1 = arith.constant 0 : i32
    return %arg0, %c0_i32, %c0_i32_0 : i32, i32, i32
  }
  func.func @transform_2(%arg0: i32, %arg1: i32) -> (i32, i32, i32, i32) {
    %c0_i32 = arith.constant 0 : i32
    %c0_i32_0 = arith.constant 0 : i32
    %c0_i32_1 = arith.constant 0 : i32
    return %arg0, %arg1, %c0_i32, %c0_i32_0 : i32, i32, i32, i32
  }
}

module attributes {stable_mosaic.version = 14 : i64} {
  func.func @_conv_body(%arg0: i32, %arg1: i32, %arg2: memref<512x96xf32, #tpu.memory_space<vmem>>, %arg3: memref<512x96xf32, #tpu.memory_space<vmem>>, %arg4: memref<96x96xf32, #tpu.memory_space<vmem>>, %arg5: memref<96x96xf32, #tpu.memory_space<vmem>>, %arg6: memref<96x1xf32, #tpu.memory_space<vmem>>, %arg7: memref<1x96x512xf32, #tpu.memory_space<vmem>>) attributes {dimension_semantics = [#tpu.dimension_semantics<arbitrary>, #tpu.dimension_semantics<arbitrary>], iteration_bounds = array<i64: 2, 8>, scalar_prefetch = 0 : i64, scratch_operands = 0 : i64, tpu.core_type = #tpu.core_type<tc>, window_params = [{transform_indices = @transform_0, window_bounds = array<i64: 512, 96>}, {transform_indices = @transform_1, window_bounds = array<i64: 512, 96>}, {pipeline_mode = #tpu.pipeline_mode<synchronous>, transform_indices = @transform_2, window_bounds = array<i64: 96, 96>}, {pipeline_mode = #tpu.pipeline_mode<synchronous>, transform_indices = @transform_3, window_bounds = array<i64: 96, 96>}, {pipeline_mode = #tpu.pipeline_mode<synchronous>, transform_indices = @transform_4, window_bounds = array<i64: 96, 1>}, {transform_indices = @transform_5, window_bounds = array<i64: 1, 96, 512>}]} {
    %get3A = arith.constant 0 : index
    %get3A_0 = arith.constant 0 : index
    %get3A_1 = vector.load %arg2[%get3A, %get3A_0] : memref<512x96xf32, #tpu.memory_space<vmem>>, vector<512x96xf32>
    %get3A_2 = arith.constant 0 : index
    %get3A_3 = arith.constant 0 : index
    %get3A_4 = vector.load %arg3[%get3A_2, %get3A_3] : memref<512x96xf32, #tpu.memory_space<vmem>>, vector<512x96xf32>
    %sub3A = arith.subf %get3A_4, %get3A_1 : vector<512x96xf32>
    %get3A_5 = arith.constant 0 : index
    %get3A_6 = arith.constant 0 : index
    %get3A_7 = vector.load %arg4[%get3A_5, %get3A_6] : memref<96x96xf32, #tpu.memory_space<vmem>>, vector<96x96xf32>
    %dot_general3A = arith.constant dense<0.000000e+00> : vector<96x512xf32>
    %dot_general3A_8 = tpu.matmul %get3A_7, %get3A_1, %dot_general3A {dimension_numbers = #tpu.dot_dimension_numbers<[1], [1], [0], [0], [0, 0, 1, 0], [], []>, transpose_lhs_hint = false} : vector<96x96xf32>, vector<512x96xf32>, vector<96x512xf32> -> vector<96x512xf32>
    %get3A_9 = arith.constant 0 : index
    %get3A_10 = arith.constant 0 : index
    %get3A_11 = vector.load %arg5[%get3A_9, %get3A_10] : memref<96x96xf32, #tpu.memory_space<vmem>>, vector<96x96xf32>
    %dot_general3A_12 = arith.constant dense<0.000000e+00> : vector<96x512xf32>
    %dot_general3A_13 = tpu.matmul %get3A_11, %sub3A, %dot_general3A_12 {dimension_numbers = #tpu.dot_dimension_numbers<[1], [1], [0], [0], [0, 0, 1, 0], [], []>, transpose_lhs_hint = false} : vector<96x96xf32>, vector<512x96xf32>, vector<96x512xf32> -> vector<96x512xf32>
    %add3A = arith.addf %dot_general3A_8, %dot_general3A_13 : vector<96x512xf32>
    %get3A_14 = arith.constant 0 : index
    %get3A_15 = arith.constant 0 : index
    %get3A_16 = vector.load %arg6[%get3A_14, %get3A_15] : memref<96x1xf32, #tpu.memory_space<vmem>>, vector<96x1xf32>
    %add3A_17 = vector.broadcast %get3A_16 : vector<96x1xf32> to vector<96x512xf32>
    %add3A_18 = arith.addf %add3A, %add3A_17 : vector<96x512xf32>
    %max3A = arith.constant 0.000000e+00 : f32
    %max3A_19 = vector.broadcast %max3A : f32 to vector<96x512xf32>
    %max3A_20 = arith.maximumf %add3A_18, %max3A_19 : vector<96x512xf32>
    %swap3A = arith.constant 0 : index
    %swap3A_21 = arith.constant 0 : index
    %swap3A_22 = arith.constant 0 : index
    %swap3A_23 = vector.load %arg7[%swap3A, %swap3A_21, %swap3A_22] : memref<1x96x512xf32, #tpu.memory_space<vmem>>, vector<1x96x512xf32>
    %swap3A_24 = vector.shape_cast %swap3A_23 : vector<1x96x512xf32> to vector<96x512xf32>
    %swap3A_25 = vector.shape_cast %max3A_20 : vector<96x512xf32> to vector<1x96x512xf32>
    tpu.vector_store %arg7[%swap3A, %swap3A_21, %swap3A_22], %swap3A_25 {strides = array<i32>} : memref<1x96x512xf32, #tpu.memory_space<vmem>>, vector<1x96x512xf32>,
    return
  }
  func.func @transform_0(%arg0: i32, %arg1: i32) -> (i32, i32) {
    %mul3A = arith.constant 8 : i32
    %mul3A_0 = arith.muli %arg0, %mul3A : i32
    %add3A = arith.addi %mul3A_0, %arg1 : i32
    %c0_i32 = arith.constant 0 : i32
    %c0_i32_1 = arith.constant 0 : i32
    return %add3A, %c0_i32 : i32, i32
  }
  func.func @transform_1(%arg0: i32, %arg1: i32) -> (i32, i32) {
    %mul3A = arith.constant 8 : i32
    %mul3A_0 = arith.muli %arg0, %mul3A : i32
    %add3A = arith.addi %mul3A_0, %arg1 : i32
    %c0_i32 = arith.constant 0 : i32
    %c0_i32_1 = arith.constant 0 : i32
    return %add3A, %c0_i32 : i32, i32
  }
  func.func @transform_2(%arg0: i32, %arg1: i32) -> (i32, i32) {
    %c0_i32 = arith.constant 0 : i32
    %c0_i32_0 = arith.constant 0 : i32
    %c0_i32_1 = arith.constant 0 : i32
    return %c0_i32, %c0_i32_0 : i32, i32
  }
  func.func @transform_3(%arg0: i32, %arg1: i32) -> (i32, i32) {
    %c0_i32 = arith.constant 0 : i32
    %c0_i32_0 = arith.constant 0 : i32
    %c0_i32_1 = arith.constant 0 : i32
    return %c0_i32, %c0_i32_0 : i32, i32
  }
  func.func @transform_4(%arg0: i32, %arg1: i32) -> (i32, i32) {
    %c0_i32 = arith.constant 0 : i32
    %c0_i32_0 = arith.constant 0 : i32
    %c0_i32_1 = arith.constant 0 : i32
    return %c0_i32, %c0_i32_0 : i32, i32
  }
  func.func @transform_5(%arg0: i32, %arg1: i32) -> (i32, i32, i32) {
    %c0_i32 = arith.constant 0 : i32
    %c0_i32_0 = arith.constant 0 : i32
    return %arg0, %c0_i32, %arg1 : i32, i32, i32
  }
}

</mosaic_0001>

<sc_bundles>
// kernel: kernel.5.cloned.1.call-start
scs
__scs_entry_jumppad:
0x0: {  	(pc) =	sbr.rel $0x88, $3  }
0x1: {  	(tag) =	ssettag $0x0;
	lr =	simm.s32 $0x1  }
0x2: {  	[smem:$0x3F9E] =	sst lr;
	_ =	strace $0xD0000000  }
0x3: {  	_ = 	snop  }
0x4: {  	_ = 	snop  }
0x5: {  	_ = 	snop  }
0x6: {  	_ = 	snop  }
0x7: {  	_ = 	snop  }
__scs_overlays_trampoline_lowered:
0x8: {  	[smem:$0x3FAD] =	sst s0  }
0x9: {  	[smem:$0x3FAE] =	sst s1  }
0xa: {  	[smem:$0x3FAF] =	sst s2  }
0xb: {  	[smem:$0x3FB0] =	sst s3  }
0xc: {  	[smem:$0x3FB1] =	sst s4  }
0xd: {  	[smem:$0x3FB2] =	sst s5  }
0xe: {  	[smem:$0x3FB3] =	sst s6  }
0xf: {  	[smem:$0x3FB4] =	sst s7  }
0x10: {  	[smem:$0x3FB5] =	sst s8  }
0x11: {  	[smem:$0x3FB6] =	sst s9;
	s0 =	simm.s32 @!p0 $0x0  }
0x12: {  	s1 =	sld [smem:$0x3F9C];
	s0 =	simm.s32 @p0 $0x1  }
0x13: {  	[smem:$0x3FB7] =	sst s0;
	s0 =	simm.s32 @!p1 $0x0  }
0x14: {  	s2 =	sld [smem:$0x3F9B];
	s0 =	simm.s32 @p1 $0x1  }
0x15: {  	[smem:$0x3FB8] =	sst s0;
	s0 =	simm.s32 @!p2 $0x0  }
0x16: {  	s3 =	sld [smem:$0x3FDB];
	s0 =	simm.s32 @p2 $0x1  }
0x17: {  	s4 =	simm.s32 $0x1BF5;
	[smem:$0x3FBA] =	sst s0  }
0x18: {  	s0 =	sld [smem:$0x3F9D];
	_ =	swait.ge [sflag:s4], $0x0  }
0x19: {  	s7 =	sld [smem:$0x3F9E]  }
0x1a: {  	s8 =	sadd.s32 $0xFFFFE003, lr  }
0x1b: {  	s9 =	sadd.s32 $0xFFFFFEF7, lr;
	s5 =	simm.s32 $0xFFFFFFFF;
	p2 =	slt.u32 s8, $0xFFFFF086  }
0x1c: {  	p1 =	slt.u32 s9, $0xF7A;
	s5 =	simm.s32 @!p2 $0x0  }
0x1d: {  	s5 =	simm.s32 @p1 $0x1;
	p0 =	seq.s32 s7, s2  }
0x1e: {  	s7 =	smul.u32 @!p0 $0xF7A, s2;
	p2 =	seq.s32 @!p0 s5, $0x0  }
0x1f: {  	s9 =	smul.u32 $0xF7A, s1;
	s8 =	simm.s32 @!p0 $0x1BF5;
	p2 =	por !p2, p0  }
0x20: {  	[sflag:s8] =	ssyncset.s32 @!p0 $0xFFFFF086;
	s6 =	sadd.s32 @!p0 s3, s7;
	s7 =	simm.s32 @!p0 $0x108  }
0x21: {  	s3 =	sadd.s32 s3, s9;
	s6 =	sadd.s32 @!p0 $0x88, s6;
	s7 =	simm.s32 @p2 $0x1082  }
0x22: {  	[simem:s7], [sflag:s8] =	dma.local @!p0 [hbm:s6], $0xF7A  }
0x23: {  	s9 =	sor.u32 $0xD0000000, s2;
	s6 =	simm.s32 $0x108;
	_ =	swait.ge @!p0 [sflag:s8], $0x0  }
0x24: {  	s3 =	sadd.s32 $0x88, s3;
	s6 =	simm.s32 @!p1 $0x1082;
	[sflag:s4] =	ssyncset.s32 $0xFFFFF086  }
0x25: {  	[simem:s6], [sflag:s4] =	dma.local [hbm:s3], $0xF7A  }
0x26: {  	[smem:$0x3F9E] =	sst s1;
	(tag) =	ssettag s2;
	_ =	strace s9  }
0x27: {  	s1 =	sld [smem:$0x3FAE]  }
0x28: {  	s2 =	sld [smem:$0x3FAF]  }
0x29: {  	s4 =	sld [smem:$0x3FB1]  }
0x2a: {  	p0 =	seq.s32 s5, $0x0;
	s5 =	sld [smem:$0x3FB2]  }
0x2b: {  	s6 =	sld [smem:$0x3FB3]  }
0x2c: {  	s7 =	sld [smem:$0x3FB4]  }
0x2d: {  	s3 =	simm.s32 $0x108;
	s8 =	sld [smem:$0x3FB5]  }
0x2e: {  	s3 =	simm.s32 @!p0 $0x1082;
	s9 =	sld [smem:$0x3FB6]  }
0x2f: {  	lr =	sadd.s32 s0, s3;
	s0 =	sld [smem:$0x3FAD]  }
0x30: {  	s3 =	sld [smem:$0x3FB0]  }
0x31: {  	[smem:$0x3FB9] =	sst s10  }
0x32: {  	s10 =	sld [smem:$0x3FB7];
	_ =	sdelay $0x3  }
0x33: {  	p0 =	seq.s32 s10, $0x1;
	s10 =	sld [smem:$0x3FB9];
	_ =	sdelay $0x3  }
0x34: {  	[smem:$0x3FB9] =	sst s10  }
0x35: {  	s10 =	sld [smem:$0x3FB8];
	_ =	sdelay $0x3  }
0x36: {  	p1 =	seq.s32 s10, $0x1;
	s10 =	sld [smem:$0x3FB9];
	_ =	sdelay $0x3  }
0x37: {  	[smem:$0x3FB9] =	sst s10  }
0x38: {  	s10 =	sld [smem:$0x3FBA]  }
0x39: {  	_ = 	snop;
	(pc) =	sbr.ind lr, $3  }
0x3a: {  	_ = 	snop  }
0x3b: {  	_ = 	snop  }
0x3c: {  	p2 =	seq.s32 s10, $0x1;
	s10 =	sld [smem:$0x3FB9]  }
0x3d: {  	_ =	shalt  }
0x3e: {  	_ =	shalt  }
0x3f: {  	_ =	shalt  }
0x40: {  	_ =	shalt  }
0x41: {  	_ =	shalt  }
0x42: {  	_ =	shalt  }
0x43: {  	_ =	shalt  }
0x44: {  	_ =	shalt  }
0x45: {  	_ =	shalt  }
0x46: {  	_ =	shalt  }
0x47: {  	_ =	shalt  }
0x48: {  	_ =	shalt  }
0x49: {  	_ =	shalt  }
0x4a: {  	_ =	shalt  }
0x4b: {  	_ =	shalt  }
0x4c: {  	_ =	shalt  }
0x4d: {  	_ =	shalt  }
0x4e: {  	_ =	shalt  }
0x4f: {  	_ =	shalt  }
0x50: {  	_ =	shalt  }
0x51: {  	_ =	shalt  }
0x52: {  	_ =	shalt  }
0x53: {  	_ =	shalt  }
0x54: {  	_ =	shalt  }
0x55: {  	_ =	shalt  }
0x56: {  	_ =	shalt  }
0x57: {  	_ =	shalt  }
0x58: {  	_ =	shalt  }
0x59: {  	_ =	shalt  }
0x5a: {  	_ =	shalt  }
0x5b: {  	_ =	shalt  }
0x5c: {  	_ =	shalt  }
0x5d: {  	_ =	shalt  }
0x5e: {  	_ =	shalt  }
0x5f: {  	_ =	shalt  }
0x60: {  	_ =	shalt  }
0x61: {  	_ =	shalt  }
0x62: {  	_ =	shalt  }
0x63: {  	_ =	shalt  }
0x64: {  	_ =	shalt  }
0x65: {  	_ =	shalt  }
0x66: {  	_ =	shalt  }
0x67: {  	_ =	shalt  }
0x68: {  	_ =	shalt  }
0x69: {  	_ =	shalt  }
0x6a: {  	_ =	shalt  }
0x6b: {  	_ =	shalt  }
0x6c: {  	_ =	shalt  }
0x6d: {  	_ =	shalt  }
0x6e: {  	_ =	shalt  }
0x6f: {  	_ =	shalt  }
0x70: {  	_ =	shalt  }
0x71: {  	_ =	shalt  }
0x72: {  	_ =	shalt  }
0x73: {  	_ =	shalt  }
0x74: {  	_ =	shalt  }
0x75: {  	_ =	shalt  }
0x76: {  	_ =	shalt  }
0x77: {  	_ =	shalt  }
0x78: {  	_ =	shalt  }
0x79: {  	_ =	shalt  }
0x7a: {  	_ =	shalt  }
0x7b: {  	_ =	shalt  }
0x7c: {  	_ =	shalt  }
0x7d: {  	_ =	shalt  }
0x7e: {  	_ =	shalt  }
0x7f: {  	_ =	shalt  }
0x80: {  	_ =	shalt  }
0x81: {  	_ =	shalt  }
0x82: {  	_ =	shalt  }
0x83: {  	_ =	shalt  }
0x84: {  	_ =	shalt  }
0x85: {  	_ =	shalt  }
0x86: {  	_ =	shalt  }
0x87: {  	_ =	shalt  }
.Lfunc_end0:
.L_simem_size_0:
called_computation_lowered:
.L_overlay_start_0:
0x88: {  	s2 =	sld [smem:$0x3FD9]  }
0x89: {  	s3 =	sld [smem:$0x3FFE];
	_ =	sdelay $0x1  }
0x8a: {  	s1 =	srdreg.scid  }
0x8b: {  	s0 =	sand.u32 $0x1, s1  }
0x8c: {  	s17 =	sshll.u32 s0, $0xA;
	s2 =	sadd.s32 s3, s2  }
0x8d: {  	s2 =	sadd.s32 s2, s17  }
0x8e: {  	[smem:$0x3FC5] =	sst s2  }
0x8f: {  	_ = 	snop  }
0x90: {  	s2 =	sld [smem:$0x3FD0];
	(tm) =	ssettm $0x1  }
0x91: {  	s18 =	sld [smem:$0x3FFB];
	_ =	sdelay $0x3  }
0x92: {  	_ =	strace s18  }
0x93: {  	s3 =	sld [smem:$0x3FFC];
	_ =	sdelay $0x3  }
0x94: {  	_ =	strace s3  }
0x95: {  	s3 =	sld [smem:$0x3FFD];
	_ =	sdelay $0x3  }
0x96: {  	_ =	strace s3  }
0x97: {  	_ =	strace $0x8FFFFFFF  }
0x98: {  	s19 =	sld [smem:$0x3FDB];
	_ =	sdelay $0x1  }
0x99: {  	s4 =	simm.s32 $_scs_section_size  }
0x9a: {  	s5 =	simm.s32 $_size__tile_overlayer_lowered;
	s6 =	simm.s32 $_tile_overlayer_lowered  }
0x9b: {  	s22 =	simm.s32 $0x1BFF;
	s21 =	sshll.u32 s6, $0x1;
	s3 =	sadd.s32 s4, s19  }
0x9c: {  	s7 =	simm.s32 $0x0;
	s20 =	sshll.u32 s5, $0x1;
	s5 =	sadd.s32 s21, s3  }
0x9d: {  	[timem:s7], [sflag:s22] =	dma.local [hbm:s5], s20  }
0x9e: {  	_ =	swait.ge [sflag:s22], s20  }
0x9f: {  	s4 =	ssub.s32 $0x0, s20;
	[sflag:s22] =	ssyncset.done $0x0  }
0xa0: {  	[sflag:s22] =	ssyncadd.s32 s4;
	_ =	sdelay $0x1  }
0xa1: {  	s23 =	simm.s32 $0x1B8B  }
0xa2: {  	_ =	swait.ge [sflag:s23], $0x1  }
0xa3: {  	[sflag:s23] =	ssyncset.done $0x0  }
0xa4: {  	s25 =	simm.s32 $0x1B8E;
	s24 =	sld [smem:$0x3FFE];
	[sflag:s23] =	ssyncadd.s32 $0xFFFFFFFF  }
0xa5: {  	s26 =	simm.s32 $execute0_lowered;
	[smem:$0x3FD2] =	sst s25  }
0xa6: {  	s5 =	sshll.u32 s26, $0x1;
	_ =	strace $0x80000046;
	[dreg:$0x1] =	wrdreg $0xFFFFFFFF  }
0xa7: {  	s28 =	simm.s32 $_size_execute0_lowered;
	s3 =	sadd.s32 s3, s5;
	[dreg:$0x0] =	wrdreg $0x0  }
0xa8: {  	s5 =	sshll.u32 s28, $0x1;
	[dreg:$0x2] =	wrdreg s3  }
0xa9: {  	[dreg:$0x3] =	wrdreg s5  }
0xaa: {  	[dreg:$0x4] =	wrdreg $0xC0  }
0xab: {  	_ =	task [dreg:s7], $0x5FFFF  }
0xac: {  	[dreg:$0x1] =	wrdreg $0xFFFFFFFF  }
0xad: {  	[dreg:$0x0] =	wrdreg $0x60  }
0xae: {  	[dreg:$0x2] =	wrdreg s2  }
0xaf: {  	[dreg:$0x3] =	wrdreg s24  }
0xb0: {  	[dreg:$0x4] =	wrdreg $0x9  }
0xb1: {  	_ =	task.clear_ibuf [dreg:s7], $0x5FFFF;
	_ =	strace $0x90000046  }
0xb2: {  	s29 =	simm.s32 $0x9;
	_ =	strace $0x80000048  }
0xb3: {  	_ =	swait.ge [sflag:s29], $0x1  }
0xb4: {  	[sflag:s29] =	ssyncadd.s32 $0xFFFFFFFF  }
0xb5: {  	_ =	strace $0x90000048  }
0xb6: {  	_ =	sfence  }
0xb7: {  	s30 =	sld [smem:$0x0];
	_ =	sdelay $0x2  }
0xb8: {  	s31 =	sshll.u32 s1, $0xD;
	s1 =	sshrl.u32 s1, $0x2  }
0xb9: {  	s3 =	sand.u32 $0x4000, s31;
	s1 =	sadd.s32 s1, s30  }
0xba: {  	s0 =	sor.u32 s3, s0;
	s1 =	sshll.u32 s1, $0x11  }
0xbb: {  	s0 =	sor.u32 s1, s0  }
0xbc: {  	s0 =	sadd.s32 $0x8F2B, s0  }
0xbd: {  	[sflag:s0] =	ssyncadd.remote.s32 $0x1  }
0xbe: {  	_ =	sfence.sel $0xFFFF  }
0xbf: {  	[dreg:$0x0] =	wrdreg $0xFFFFFFFF;
	(pc) =	sbr.abs _section_cstart, $3  }
0xc0: {  	[dreg:$0x1] =	wrdreg $0xFFFFFFFF  }
0xc1: {  	_ =	task.clear_ibuf [dreg:s7], $0x2FFFF;
	_ =	strace $0x9FFFFFFF  }
0xc2: {  	(tm) =	ssettm $0x7FFFFFFF  }
0xc3: {  	_ =	shalt  }
tec
execute0_lowered:
.L_overlay_start_1:
0x0: {  	(tag) =	ssettag $0x1  }
0x1: {  	s2 =	rddreg [dreg:$0x0];
	s0 =	srdreg.scid  }
0x2: {  	s3 =	stileid.u32;
	s1 =	rddreg [dreg:$0x1]  }
0x3: {  	s11 =	simm.s32 $0x480;
	s12 =	simm.s32 $0x3480;
	s13 =	simm.s32 $0x100  }
0x4: {  	s14 =	simm.s32 $0x6480;
	s15 =	simm.s32 $0x180;
	s16 =	simm.s32 $0x9480  }
0x5: {  	s17 =	simm.s32 $0x200;
	s18 =	simm.s32 $0xC480;
	s19 =	simm.s32 $0x280  }
0x6: {  	s20 =	simm.s32 $0xF480;
	s21 =	simm.s32 $0x300;
	s22 =	simm.s32 $0x12480  }
0x7: {  	s23 =	simm.s32 $0x380;
	s24 =	simm.s32 $0x15480;
	s25 =	simm.s32 $0x400  }
0x8: {  	s26 =	simm.s32 $0x18480;
	s28 =	simm.s32 $0x1;
	s29 =	simm.s32 $0x1B480  }
0x9: {  	s30 =	simm.s32 $0x0;
	s0 =	sand.u32 $0x1, s0;
	s4 =	sshll.u32 s3, $0x1  }
0xa: {  	s3 =	simm.s32 $0x0;
	s7 =	sadd.s32 $0xA00, s1;
	s4 =	sor.u32 s0, s4  }
0xb: {  	s1 =	sadd.s32 $0x2E00, s1;
	[smem:$0x7FF] =	sst s3;
	s5 =	smul.u32 $0x120, s4  }
0xc: {  	s0 =	ssub.s32 $0x2, s0;
	s6 =	smul.u32 $0xC00, s4;
	s4 =	sshllo.u32 s4, $0x1  }
0xd: {  	_ =	strace $0x80000047;
	s9 =	sshrl.u32 s0, $0x1;
	s8 =	smul.u32 $0x90, s4  }
0xe: {  	s10 =	smul.u32 $0x600, s4;
	s0 =	ssub.s32 s0, s9;
	s9 =	simm.s32 $0x2  }
0xf: {  	s4 =	sadd.s32 s7, s5;
	s5 =	sadd.s32 s1, s6;
	s6 =	sadd.s32 s7, s8  }
0x10: {  	s7 =	sadd.s32 s1, s10;
	s8 =	smax.u32 s0, $0x1;
	s10 =	simm.s32 $0x80  }
.LBB2_1:
0x11: {  	[tilespmem:s3], [sflag:$0x2] =	stream.linear.gather [hbm4b:s4+s3], $0x480, $0x38;
	[tilespmem:$0x1E480] =	vst v63  }
0x12: {  	_ =	swait.ge [sflag:s9], $0x480  }
0x13: {  	[sflag:s9] =	ssyncset.done $0x0  }
0x14: {  	[sflag:s9] =	ssyncadd.s32 $0xFFFFFB80  }
0x15: {  	[tilespmem:s11], [sflag:$0x1] =	stream.indirect.gather [hbm4b:s2+s10], $0x60, s3, s10, $0xb8;
	[tilespmem:$0x1E480] =	vst v63  }
0x16: {  	_ = 	snop  }
0x17: {  	[tilespmem:s12], [sflag:$0x1] =	stream.indirect.gather [hbm4b:s2+s10], $0x60, s10, s10, $0xb8;
	[tilespmem:$0x1E480] =	vst v63  }
0x18: {  	_ = 	snop  }
0x19: {  	[tilespmem:s14], [sflag:$0x1] =	stream.indirect.gather [hbm4b:s2+s10], $0x60, s13, s10, $0xb8;
	[tilespmem:$0x1E480] =	vst v63  }
0x1a: {  	_ = 	snop  }
0x1b: {  	[tilespmem:s16], [sflag:$0x1] =	stream.indirect.gather [hbm4b:s2+s10], $0x60, s15, s10, $0xb8;
	[tilespmem:$0x1E480] =	vst v63  }
0x1c: {  	_ = 	snop  }
0x1d: {  	[tilespmem:s18], [sflag:$0x1] =	stream.indirect.gather [hbm4b:s2+s10], $0x60, s17, s10, $0xb8;
	[tilespmem:$0x1E480] =	vst v63  }
0x1e: {  	_ = 	snop  }
0x1f: {  	[tilespmem:s20], [sflag:$0x1] =	stream.indirect.gather [hbm4b:s2+s10], $0x60, s19, s10, $0xb8;
	[tilespmem:$0x1E480] =	vst v63  }
0x20: {  	_ = 	snop  }
0x21: {  	[tilespmem:s22], [sflag:$0x1] =	stream.indirect.gather [hbm4b:s2+s10], $0x60, s21, s10, $0xb8;
	[tilespmem:$0x1E480] =	vst v63  }
0x22: {  	_ = 	snop  }
0x23: {  	[tilespmem:s24], [sflag:$0x1] =	stream.indirect.gather [hbm4b:s2+s10], $0x60, s23, s10, $0xb8;
	[tilespmem:$0x1E480] =	vst v63  }
0x24: {  	_ = 	snop  }
0x25: {  	[tilespmem:s26], [sflag:$0x1] =	stream.indirect.gather [hbm4b:s2+s10], $0x60, s25, s10, $0xb8;
	[tilespmem:$0x1E480] =	vst v63  }
0x26: {  	_ =	swait.ge [sflag:s28], $0x3000  }
0x27: {  	[sflag:s28] =	ssyncset.done $0x0  }
0x28: {  	[sflag:s28] =	ssyncadd.s32 $0xFFFFD000  }
0x29: {  	_ =	swait.ge [sflag:s28], $0x3000  }
0x2a: {  	[sflag:s28] =	ssyncset.done $0x0  }
0x2b: {  	[sflag:s28] =	ssyncadd.s32 $0xFFFFD000  }
0x2c: {  	_ =	swait.ge [sflag:s28], $0x3000  }
0x2d: {  	[sflag:s28] =	ssyncset.done $0x0  }
0x2e: {  	[sflag:s28] =	ssyncadd.s32 $0xFFFFD000  }
0x2f: {  	_ =	swait.ge [sflag:s28], $0x3000  }
0x30: {  	[sflag:s28] =	ssyncset.done $0x0  }
0x31: {  	[sflag:s28] =	ssyncadd.s32 $0xFFFFD000  }
0x32: {  	_ =	swait.ge [sflag:s28], $0x3000  }
0x33: {  	[sflag:s28] =	ssyncset.done $0x0  }
0x34: {  	[sflag:s28] =	ssyncadd.s32 $0xFFFFD000  }
0x35: {  	_ =	swait.ge [sflag:s28], $0x3000  }
0x36: {  	[sflag:s28] =	ssyncset.done $0x0  }
0x37: {  	[sflag:s28] =	ssyncadd.s32 $0xFFFFD000  }
0x38: {  	_ =	swait.ge [sflag:s28], $0x3000  }
0x39: {  	[sflag:s28] =	ssyncset.done $0x0  }
0x3a: {  	[sflag:s28] =	ssyncadd.s32 $0xFFFFD000  }
0x3b: {  	_ =	swait.ge [sflag:s28], $0x3000  }
0x3c: {  	[sflag:s28] =	ssyncset.done $0x0  }
0x3d: {  	[sflag:s28] =	ssyncadd.s32 $0xFFFFD000  }
0x3e: {  	_ =	swait.ge [sflag:s28], $0x3000  }
0x3f: {  	[sflag:s28] =	ssyncset.done $0x0  }
0x40: {  	s31 =	simm.s32 $0x0;
	[sflag:s28] =	ssyncadd.s32 $0xFFFFD000  }
0x41: {  	v0 =	vld [tilespmem:s31+$0x4D0]  }
0x42: {  	v1 =	vld [tilespmem:s31+$0x34D0]  }
0x43: {  	v2 =	vld [tilespmem:s31+$0x64D0]  }
0x44: {  	v3 =	vld [tilespmem:s31+$0x94D0]  }
0x45: {  	v4 =	vld [tilespmem:s31+$0xC4D0]  }
0x46: {  	v5 =	vld [tilespmem:s31+$0xF4D0]  }
0x47: {  	v6 =	vld [tilespmem:s31+$0x124D0]  }
0x48: {  	v7 =	vld [tilespmem:s31+$0x34B0]  }
0x49: {  	v8 =	vld [tilespmem:s31+$0x4C0]  }
0x4a: {  	v9 =	vld [tilespmem:s31+$0x34C0]  }
0x4b: {  	v10 =	vld [tilespmem:s31+$0x6480]  }
0x4c: {  	v11 =	vld [tilespmem:s31+$0x6490]  }
0x4d: {  	v12 =	vld [tilespmem:s31+$0x64A0]  }
0x4e: {  	v13 =	vld [tilespmem:s31+$0x64B0]  }
0x4f: {  	v14 =	vld [tilespmem:s31+$0x64C0]  }
0x50: {  	v15 =	vld [tilespmem:s31+$0x9480]  }
0x51: {  	v16 =	vld [tilespmem:s31+$0x9490]  }
0x52: {  	v17 =	vld [tilespmem:s31+$0x94A0]  }
0x53: {  	v18 =	vld [tilespmem:s31+$0x94B0]  }
0x54: {  	v19 =	vld [tilespmem:s31+$0x94C0]  }
0x55: {  	v20 =	vld [tilespmem:s31+$0xC480]  }
0x56: {  	v21 =	vld [tilespmem:s31+$0xC490]  }
0x57: {  	v22 =	vld [tilespmem:s31+$0xC4A0]  }
0x58: {  	v23 =	vld [tilespmem:s31+$0xC4B0]  }
0x59: {  	v24 =	vld [tilespmem:s31+$0xC4C0]  }
0x5a: {  	v25 =	vld [tilespmem:s31+$0xF480]  }
0x5b: {  	v26 =	vld [tilespmem:s31+$0xF490]  }
0x5c: {  	v27 =	vld [tilespmem:s31+$0xF4A0]  }
0x5d: {  	v28 =	vld [tilespmem:s31+$0xF4B0]  }
0x5e: {  	v29 =	vld [tilespmem:s31+$0xF4C0]  }
0x5f: {  	v30 =	vld [tilespmem:s31+$0x12480]  }
0x60: {  	v31 =	vld [tilespmem:s31+$0x12490]  }
0x61: {  	v32 =	vld [tilespmem:s31+$0x124A0]  }
0x62: {  	v0 =	vmax.f32 v0, v1;
	v1 =	vld [tilespmem:s31+$0x154D0]  }
0x63: {  	v0 =	vmax.f32 v0, v2;
	v2 =	vld [tilespmem:s31+$0x184D0]  }
0x64: {  	v0 =	vmax.f32 v0, v3;
	v3 =	vld [tilespmem:s31+$0x480]  }
0x65: {  	v0 =	vmax.f32 v0, v4;
	v4 =	vld [tilespmem:s31+$0x3480]  }
0x66: {  	v0 =	vmax.f32 v0, v5;
	v5 =	vld [tilespmem:s31+$0x490]  }
0x67: {  	v0 =	vmax.f32 v0, v6;
	v6 =	vld [tilespmem:s31+$0x3490]  }
0x68: {  	v0 =	vmax.f32 v0, v1;
	v1 =	vld [tilespmem:s31+$0x4A0]  }
0x69: {  	v0 =	vmax.f32 v0, v2;
	v2 =	vld [tilespmem:s31+$0x34A0]  }
0x6a: {  	[tilespmem:s31+$0x1B4D0] =	vst v0;
	v0 =	vld [tilespmem:s31+$0x4B0];
	v3 =	vmax.f32 v3, v4  }
0x6b: {  	v33 =	vld [tilespmem:s31+$0x124B0];
	v3 =	vmax.f32 v3, v10  }
0x6c: {  	v59 =	vld [tilespmem:s31+$0x18480];
	v4 =	vmax.f32 v5, v6;
	v3 =	vmax.f32 v3, v15  }
0x6d: {  	v10 =	vld [tilespmem:s31+$0x154B0];
	v4 =	vmax.f32 v4, v11;
	v3 =	vmax.f32 v3, v20  }
0x6e: {  	v5 =	vld [tilespmem:s31+$0x124C0];
	v1 =	vmax.f32 v1, v2;
	v2 =	vmax.f32 v8, v9;
	v4 =	vmax.f32 v4, v16  }
0x6f: {  	v6 =	vld [tilespmem:s31+$0x15480];
	v3 =	vmax.f32 v3, v25;
	v0 =	vmax.f32 v0, v7;
	v1 =	vmax.f32 v1, v12  }
0x70: {  	v9 =	vld [tilespmem:s31+$0x154A0];
	v2 =	vmax.f32 v2, v14;
	v4 =	vmax.f32 v4, v21;
	v61 =	vmax.f32 v3, v30  }
0x71: {  	v7 =	vld [tilespmem:s31+$0x15490];
	v0 =	vmax.f32 v0, v13;
	v1 =	vmax.f32 v1, v17;
	v2 =	vmax.f32 v2, v19  }
0x72: {  	v11 =	vld [tilespmem:s31+$0x154C0];
	v4 =	vmax.f32 v4, v26;
	v0 =	vmax.f32 v0, v18;
	v1 =	vmax.f32 v1, v22  }
0x73: {  	v2 =	vmax.f32 v2, v24;
	v4 =	vmax.f32 v4, v31;
	v8 =	vmax.f32 v1, v27;
	v1 =	vld [tilespmem:s31+$0x18490]  }
0x74: {  	v63 =	vmax.f32 v61, v6;
	v0 =	vmax.f32 v0, v23;
	v60 =	vmax.f32 v2, v29;
	v2 =	vld [tilespmem:s31+$0x184A0]  }
0x75: {  	v3 =	vld [tilespmem:s31+$0x184B0];
	v0 =	vmax.f32 v0, v28;
	v62 =	vmax.f32 v8, v32;
	v5 =	vmax.f32 v60, v5  }
0x76: {  	s0 =	simm.s32 $0x60;
	v0 =	vmax.f32 v0, v33;
	v8 =	vmax.f32 v4, v7;
	v7 =	vmax.f32 v62, v9;
	v4 =	vld [tilespmem:s31+$0x184C0]  }
0x77: {  	s1 =	simm.s32 $0x300;
	v5 =	vmax.f32 v5, v11;
	v9 =	vmax.f32 v63, v59;
	v6 =	vmax.f32 v0, v10;
	v0 =	vld [tilespmem:s0+$0x4D0]  }
.LBB2_2:
0x78: {  	p0 =	sne.s32 s1, $0xBE80;
	v10 =	vld [tilespmem:s0+$0x34D0];
	[tilespmem:s31+$0x1B480] =	vst v9;
	v1 =	vmax.f32 v8, v1  }
0x79: {  	v8 =	vld [tilespmem:s0+$0x64D0];
	[tilespmem:s31+$0x1B490] =	vst v1;
	v1 =	vmax.f32 v7, v2  }
0x7a: {  	v2 =	vld [tilespmem:s0+$0x94D0];
	[tilespmem:s31+$0x1B4A0] =	vst v1;
	v1 =	vmax.f32 v6, v3  }
0x7b: {  	v3 =	vld [tilespmem:s0+$0xC4D0];
	[tilespmem:s31+$0x1B4B0] =	vst v1;
	v1 =	vmax.f32 v5, v4  }
0x7c: {  	v4 =	vld [tilespmem:s0+$0xF4D0];
	[tilespmem:s31+$0x1B4C0] =	vst v1;
	s31 =	smov.u32 s0  }
0x7d: {  	v0 =	vmax.f32 v0, v10;
	v1 =	vld [tilespmem:s31+$0x124D0]  }
0x7e: {  	v0 =	vmax.f32 v0, v8;
	v5 =	vld [tilespmem:s31+$0x154D0]  }
0x7f: {  	v0 =	vmax.f32 v0, v2;
	v2 =	vld [tilespmem:s31+$0x184D0]  }
0x80: {  	v6 =	vld [tilespmem:s31+$0x480];
	v0 =	vmax.f32 v0, v3  }
0x81: {  	v3 =	vld [tilespmem:s31+$0x3480];
	v0 =	vmax.f32 v0, v4  }
0x82: {  	v4 =	vld [tilespmem:s31+$0x490];
	v0 =	vmax.f32 v0, v1  }
0x83: {  	v1 =	vld [tilespmem:s31+$0x3490];
	v0 =	vmax.f32 v0, v5  }
0x84: {  	v5 =	vld [tilespmem:s31+$0x4A0];
	v0 =	vmax.f32 v0, v2  }
0x85: {  	v2 =	vld [tilespmem:s31+$0x34A0];
	[tilespmem:s31+$0x1B4D0] =	vst v0  }
0x86: {  	v0 =	vmax.f32 v6, v3;
	v3 =	vld [tilespmem:s31+$0x4B0]  }
0x87: {  	v6 =	vld [tilespmem:s31+$0x34B0]  }
0x88: {  	v1 =	vmax.f32 v4, v1;
	v4 =	vld [tilespmem:s31+$0x4C0]  }
0x89: {  	v7 =	vld [tilespmem:s31+$0x34C0]  }
0x8a: {  	v8 =	vld [tilespmem:s31+$0x6480];
	v2 =	vmax.f32 v5, v2  }
0x8b: {  	v5 =	vld [tilespmem:s31+$0x6490]  }
0x8c: {  	v9 =	vld [tilespmem:s31+$0x64A0];
	v3 =	vmax.f32 v3, v6  }
0x8d: {  	v6 =	vld [tilespmem:s31+$0x64B0]  }
0x8e: {  	v4 =	vmax.f32 v4, v7;
	v7 =	vld [tilespmem:s31+$0x64C0]  }
0x8f: {  	v0 =	vmax.f32 v0, v8;
	v8 =	vld [tilespmem:s31+$0x9480]  }
0x90: {  	v1 =	vmax.f32 v1, v5;
	v5 =	vld [tilespmem:s31+$0x9490]  }
0x91: {  	v2 =	vmax.f32 v2, v9;
	v9 =	vld [tilespmem:s31+$0x94A0]  }
0x92: {  	v3 =	vmax.f32 v3, v6;
	v6 =	vld [tilespmem:s31+$0x94B0]  }
0x93: {  	v4 =	vmax.f32 v4, v7;
	v7 =	vld [tilespmem:s31+$0x94C0]  }
0x94: {  	v0 =	vmax.f32 v0, v8;
	v8 =	vld [tilespmem:s31+$0xC480]  }
0x95: {  	v1 =	vmax.f32 v1, v5;
	v5 =	vld [tilespmem:s31+$0xC490]  }
0x96: {  	v2 =	vmax.f32 v2, v9;
	v9 =	vld [tilespmem:s31+$0xC4A0]  }
0x97: {  	v3 =	vmax.f32 v3, v6;
	v6 =	vld [tilespmem:s31+$0xC4B0]  }
0x98: {  	v4 =	vmax.f32 v4, v7;
	v7 =	vld [tilespmem:s31+$0xC4C0]  }
0x99: {  	v0 =	vmax.f32 v0, v8;
	v8 =	vld [tilespmem:s31+$0xF480]  }
0x9a: {  	v1 =	vmax.f32 v1, v5;
	v5 =	vld [tilespmem:s31+$0xF490]  }
0x9b: {  	v2 =	vmax.f32 v2, v9;
	v9 =	vld [tilespmem:s31+$0xF4A0]  }
0x9c: {  	v3 =	vmax.f32 v3, v6;
	v6 =	vld [tilespmem:s31+$0xF4B0]  }
0x9d: {  	v4 =	vmax.f32 v4, v7;
	v7 =	vld [tilespmem:s31+$0xF4C0]  }
0x9e: {  	v0 =	vmax.f32 v0, v8;
	v8 =	vld [tilespmem:s31+$0x12480]  }
0x9f: {  	v1 =	vmax.f32 v1, v5;
	v5 =	vld [tilespmem:s31+$0x12490]  }
0xa0: {  	v2 =	vmax.f32 v2, v9;
	v9 =	vld [tilespmem:s31+$0x124A0]  }
0xa1: {  	v3 =	vmax.f32 v3, v6;
	v6 =	vld [tilespmem:s31+$0x124B0]  }
0xa2: {  	v4 =	vmax.f32 v4, v7;
	v7 =	vld [tilespmem:s31+$0x124C0]  }
0xa3: {  	v0 =	vmax.f32 v0, v8;
	v8 =	vld [tilespmem:s31+$0x15480]  }
0xa4: {  	v1 =	vmax.f32 v1, v5;
	v5 =	vld [tilespmem:s31+$0x15490]  }
0xa5: {  	v2 =	vmax.f32 v2, v9;
	v9 =	vld [tilespmem:s31+$0x154A0]  }
0xa6: {  	v3 =	vmax.f32 v3, v6;
	v6 =	vld [tilespmem:s31+$0x154B0]  }
0xa7: {  	v4 =	vmax.f32 v4, v7;
	v10 =	vld [tilespmem:s31+$0x154C0]  }
0xa8: {  	v11 =	vmax.f32 v0, v8;
	v12 =	vld [tilespmem:s31+$0x18480]  }
.Ltmp0:
0xa9: {  	v8 =	vmax.f32 v1, v5;
	v1 =	vld [tilespmem:s31+$0x18490];
	(pc) =	sbr.rel @p0 .LBB2_2-.Ltmp0, $4  }
0xaa: {  	v7 =	vmax.f32 v2, v9;
	v2 =	vld [tilespmem:s31+$0x184A0]  }
0xab: {  	v6 =	vmax.f32 v3, v6;
	v3 =	vld [tilespmem:s31+$0x184B0]  }
0xac: {  	s0 =	sshra.s32 s1, $0x2;
	v5 =	vmax.f32 v4, v10;
	v4 =	vld [tilespmem:s31+$0x184C0]  }
0xad: {  	s1 =	sadd.s32 $0x180, s1;
	v0 =	vld [tilespmem:s0+$0x4D0];
	v9 =	vmax.f32 v11, v12  }
0xae: {  	v10 =	vld [tilespmem:s0+$0x34D0];
	[tilespmem:s31+$0x1B480] =	vst v9;
	v1 =	vmax.f32 v8, v1  }
0xaf: {  	v8 =	vld [tilespmem:s0+$0x64D0];
	[tilespmem:s31+$0x1B490] =	vst v1;
	v1 =	vmax.f32 v7, v2  }
0xb0: {  	v2 =	vld [tilespmem:s0+$0x94D0];
	[tilespmem:s31+$0x1B4A0] =	vst v1;
	v1 =	vmax.f32 v6, v3  }
0xb1: {  	v3 =	vld [tilespmem:s0+$0xC4D0];
	[tilespmem:s31+$0x1B4B0] =	vst v1;
	v1 =	vmax.f32 v5, v4  }
0xb2: {  	v4 =	vld [tilespmem:s0+$0xF4D0];
	[tilespmem:s31+$0x1B4C0] =	vst v1  }
0xb3: {  	v1 =	vld [tilespmem:s0+$0x124D0]  }
0xb4: {  	v5 =	vld [tilespmem:s0+$0x154D0]  }
0xb5: {  	v6 =	vld [tilespmem:s0+$0x184D0]  }
0xb6: {  	v7 =	vld [tilespmem:s0+$0x34B0]  }
0xb7: {  	v9 =	vld [tilespmem:s0+$0x34C0]  }
0xb8: {  	v0 =	vmax.f32 v0, v10;
	v10 =	vld [tilespmem:s0+$0x6480]  }
0xb9: {  	v11 =	vld [tilespmem:s0+$0x6490]  }
0xba: {  	v12 =	vld [tilespmem:s0+$0x64A0]  }
0xbb: {  	v13 =	vld [tilespmem:s0+$0x64B0]  }
0xbc: {  	v14 =	vld [tilespmem:s0+$0x64C0]  }
0xbd: {  	v15 =	vld [tilespmem:s0+$0x9480]  }
0xbe: {  	v16 =	vld [tilespmem:s0+$0x9490]  }
0xbf: {  	v17 =	vld [tilespmem:s0+$0x94A0]  }
0xc0: {  	v18 =	vld [tilespmem:s0+$0x94B0]  }
0xc1: {  	v19 =	vld [tilespmem:s0+$0x94C0]  }
0xc2: {  	v20 =	vld [tilespmem:s0+$0xC480]  }
0xc3: {  	v21 =	vld [tilespmem:s0+$0xC490]  }
0xc4: {  	v22 =	vld [tilespmem:s0+$0xC4A0]  }
0xc5: {  	v23 =	vld [tilespmem:s0+$0xC4B0]  }
0xc6: {  	v24 =	vld [tilespmem:s0+$0xC4C0]  }
0xc7: {  	v25 =	vld [tilespmem:s0+$0xF480]  }
0xc8: {  	v26 =	vld [tilespmem:s0+$0xF490]  }
0xc9: {  	v27 =	vld [tilespmem:s0+$0xF4A0]  }
0xca: {  	v28 =	vld [tilespmem:s0+$0xF4B0]  }
0xcb: {  	v29 =	vld [tilespmem:s0+$0xF4C0]  }
0xcc: {  	v30 =	vld [tilespmem:s0+$0x12480]  }
0xcd: {  	v31 =	vld [tilespmem:s0+$0x12490]  }
0xce: {  	v32 =	vld [tilespmem:s0+$0x124A0]  }
0xcf: {  	v33 =	vld [tilespmem:s0+$0x124B0]  }
0xd0: {  	v34 =	vld [tilespmem:s0+$0x124C0];
	v0 =	vmax.f32 v0, v8  }
0xd1: {  	v0 =	vmax.f32 v0, v2;
	v2 =	vld [tilespmem:s0+$0x480]  }
0xd2: {  	v0 =	vmax.f32 v0, v3;
	v3 =	vld [tilespmem:s0+$0x3480]  }
0xd3: {  	v0 =	vmax.f32 v0, v4;
	v4 =	vld [tilespmem:s0+$0x490]  }
0xd4: {  	v0 =	vmax.f32 v0, v1;
	v1 =	vld [tilespmem:s0+$0x3490]  }
0xd5: {  	v0 =	vmax.f32 v0, v5;
	v5 =	vld [tilespmem:s0+$0x4A0]  }
0xd6: {  	v0 =	vmax.f32 v0, v6;
	v6 =	vld [tilespmem:s0+$0x34A0]  }
0xd7: {  	v8 =	vld [tilespmem:s0+$0x4C0]  }
0xd8: {  	[tilespmem:s0+$0x1B4D0] =	vst v0;
	v0 =	vld [tilespmem:s0+$0x4B0];
	v2 =	vmax.f32 v2, v3  }
0xd9: {  	v35 =	vld [tilespmem:s0+$0x184A0];
	v2 =	vmax.f32 v2, v10  }
0xda: {  	v36 =	vld [tilespmem:s0+$0x184B0];
	v1 =	vmax.f32 v4, v1;
	v2 =	vmax.f32 v2, v15  }
0xdb: {  	v3 =	vld [tilespmem:s0+$0x15480];
	v1 =	vmax.f32 v1, v11;
	v2 =	vmax.f32 v2, v20;
	v4 =	vmax.f32 v5, v6  }
0xdc: {  	v10 =	vld [tilespmem:s0+$0x18480];
	v6 =	vmax.f32 v8, v9;
	v1 =	vmax.f32 v1, v16;
	v2 =	vmax.f32 v2, v25  }
0xdd: {  	v11 =	vld [tilespmem:s0+$0x18490];
	v0 =	vmax.f32 v0, v7;
	v4 =	vmax.f32 v4, v12;
	v6 =	vmax.f32 v6, v14  }
0xde: {  	v5 =	vld [tilespmem:s0+$0x15490];
	v1 =	vmax.f32 v1, v21;
	v2 =	vmax.f32 v2, v30;
	v0 =	vmax.f32 v0, v13  }
0xdf: {  	v7 =	vld [tilespmem:s0+$0x154A0];
	v4 =	vmax.f32 v4, v17;
	v6 =	vmax.f32 v6, v19;
	v1 =	vmax.f32 v1, v26  }
0xe0: {  	v8 =	vld [tilespmem:s0+$0x154B0];
	v2 =	vmax.f32 v2, v3;
	v0 =	vmax.f32 v0, v18;
	v4 =	vmax.f32 v4, v22  }
0xe1: {  	v9 =	vld [tilespmem:s0+$0x154C0];
	v6 =	vmax.f32 v6, v24;
	v1 =	vmax.f32 v1, v31;
	v2 =	vmax.f32 v2, v10  }
0xe2: {  	v3 =	vld [tilespmem:s0+$0x184C0];
	v0 =	vmax.f32 v0, v23;
	v4 =	vmax.f32 v4, v27;
	v6 =	vmax.f32 v6, v29  }
0xe3: {  	v0 =	vmax.f32 v0, v28;
	v4 =	vmax.f32 v4, v32;
	v1 =	vmax.f32 v1, v5  }
0xe4: {  	[tilespmem:s0+$0x1B480] =	vst v2;
	v0 =	vmax.f32 v0, v33;
	v4 =	vmax.f32 v4, v7;
	v1 =	vmax.f32 v1, v11  }
0xe5: {  	v2 =	vmax.f32 v6, v34;
	v0 =	vmax.f32 v0, v8;
	[tilespmem:s0+$0x1B490] =	vst v1;
	v1 =	vmax.f32 v4, v35  }
0xe6: {  	v2 =	vmax.f32 v2, v9;
	[tilespmem:s0+$0x1B4A0] =	vst v1;
	v0 =	vmax.f32 v0, v36  }
0xe7: {  	[tilespmem:s0+$0x1B4B0] =	vst v0;
	v0 =	vmax.f32 v2, v3  }
0xe8: {  	s1 =	simm.s32 $0x0;
	[tilespmem:s0+$0x1B4C0] =	vst v0  }
0xe9: {  	[hbm4b:s5+s1] =	stream.linear.scatter [tilespmem:s29], [sflag:$0x2], $0x3000, $0x38;
	[tilespmem:$0x1E480] =	vst v63  }
0xea: {  	_ =	swait.ge [sflag:s9], $0x3000  }
0xeb: {  	[sflag:s9] =	ssyncset.done $0x0  }
0xec: {  	[sflag:s9] =	ssyncadd.s32 $0xFFFFD000  }
0xed: {  	[tilespmem:s1], [sflag:$0x2] =	stream.linear.gather [hbm4b:s6+s1], $0x480, $0x38;
	[tilespmem:$0x1E480] =	vst v63  }
0xee: {  	_ =	swait.ge [sflag:s9], $0x480  }
0xef: {  	[sflag:s9] =	ssyncset.done $0x0  }
0xf0: {  	[sflag:s9] =	ssyncadd.s32 $0xFFFFFB80  }
0xf1: {  	[tilespmem:s11], [sflag:$0x1] =	stream.indirect.gather [hbm4b:s2+s10], $0x60, s1, s10, $0xb8;
	[tilespmem:$0x1E480] =	vst v63  }
0xf2: {  	_ = 	snop  }
0xf3: {  	[tilespmem:s12], [sflag:$0x1] =	stream.indirect.gather [hbm4b:s2+s10], $0x60, s10, s10, $0xb8;
	[tilespmem:$0x1E480] =	vst v63  }
0xf4: {  	_ = 	snop  }
0xf5: {  	[tilespmem:s14], [sflag:$0x1] =	stream.indirect.gather [hbm4b:s2+s10], $0x60, s13, s10, $0xb8;
	[tilespmem:$0x1E480] =	vst v63  }
0xf6: {  	_ = 	snop  }
0xf7: {  	[tilespmem:s16], [sflag:$0x1] =	stream.indirect.gather [hbm4b:s2+s10], $0x60, s15, s10, $0xb8;
	[tilespmem:$0x1E480] =	vst v63  }
0xf8: {  	_ = 	snop  }
0xf9: {  	[tilespmem:s18], [sflag:$0x1] =	stream.indirect.gather [hbm4b:s2+s10], $0x60, s17, s10, $0xb8;
	[tilespmem:$0x1E480] =	vst v63  }
0xfa: {  	_ = 	snop  }
0xfb: {  	[tilespmem:s20], [sflag:$0x1] =	stream.indirect.gather [hbm4b:s2+s10], $0x60, s19, s10, $0xb8;
	[tilespmem:$0x1E480] =	vst v63  }
0xfc: {  	_ = 	snop  }
0xfd: {  	[tilespmem:s22], [sflag:$0x1] =	stream.indirect.gather [hbm4b:s2+s10], $0x60, s21, s10, $0xb8;
	[tilespmem:$0x1E480] =	vst v63  }
0xfe: {  	_ = 	snop  }
0xff: {  	[tilespmem:s24], [sflag:$0x1] =	stream.indirect.gather [hbm4b:s2+s10], $0x60, s23, s10, $0xb8;
	[tilespmem:$0x1E480] =	vst v63  }
0x100: {  	_ = 	snop  }
0x101: {  	[tilespmem:s26], [sflag:$0x1] =	stream.indirect.gather [hbm4b:s2+s10], $0x60, s25, s10, $0xb8;
	[tilespmem:$0x1E480] =	vst v63  }
0x102: {  	_ =	swait.ge [sflag:s28], $0x3000  }
0x103: {  	[sflag:s28] =	ssyncset.done $0x0  }
0x104: {  	[sflag:s28] =	ssyncadd.s32 $0xFFFFD000  }
0x105: {  	_ =	swait.ge [sflag:s28], $0x3000  }
0x106: {  	[sflag:s28] =	ssyncset.done $0x0  }
0x107: {  	[sflag:s28] =	ssyncadd.s32 $0xFFFFD000  }
0x108: {  	_ =	swait.ge [sflag:s28], $0x3000  }
0x109: {  	[sflag:s28] =	ssyncset.done $0x0  }
0x10a: {  	[sflag:s28] =	ssyncadd.s32 $0xFFFFD000  }
0x10b: {  	_ =	swait.ge [sflag:s28], $0x3000  }
0x10c: {  	[sflag:s28] =	ssyncset.done $0x0  }
0x10d: {  	[sflag:s28] =	ssyncadd.s32 $0xFFFFD000  }
0x10e: {  	_ =	swait.ge [sflag:s28], $0x3000  }
0x10f: {  	[sflag:s28] =	ssyncset.done $0x0  }
0x110: {  	[sflag:s28] =	ssyncadd.s32 $0xFFFFD000  }
0x111: {  	_ =	swait.ge [sflag:s28], $0x3000  }
0x112: {  	[sflag:s28] =	ssyncset.done $0x0  }
0x113: {  	[sflag:s28] =	ssyncadd.s32 $0xFFFFD000  }
0x114: {  	_ =	swait.ge [sflag:s28], $0x3000  }
0x115: {  	[sflag:s28] =	ssyncset.done $0x0  }
0x116: {  	[sflag:s28] =	ssyncadd.s32 $0xFFFFD000  }
0x117: {  	_ =	swait.ge [sflag:s28], $0x3000  }
0x118: {  	[sflag:s28] =	ssyncset.done $0x0  }
0x119: {  	[sflag:s28] =	ssyncadd.s32 $0xFFFFD000  }
0x11a: {  	_ =	swait.ge [sflag:s28], $0x3000  }
0x11b: {  	[sflag:s28] =	ssyncset.done $0x0  }
0x11c: {  	s31 =	simm.s32 $0x0;
	[sflag:s28] =	ssyncadd.s32 $0xFFFFD000  }
0x11d: {  	v0 =	vld [tilespmem:s31+$0x4D0]  }
0x11e: {  	v1 =	vld [tilespmem:s31+$0x34D0]  }
0x11f: {  	v2 =	vld [tilespmem:s31+$0x64D0]  }
0x120: {  	v3 =	vld [tilespmem:s31+$0x94D0]  }
0x121: {  	v4 =	vld [tilespmem:s31+$0xC4D0]  }
0x122: {  	v5 =	vld [tilespmem:s31+$0xF4D0]  }
0x123: {  	v6 =	vld [tilespmem:s31+$0x124D0]  }
0x124: {  	v7 =	vld [tilespmem:s31+$0x34B0]  }
0x125: {  	v8 =	vld [tilespmem:s31+$0x4C0]  }
0x126: {  	v9 =	vld [tilespmem:s31+$0x34C0]  }
0x127: {  	v10 =	vld [tilespmem:s31+$0x6480]  }
0x128: {  	v11 =	vld [tilespmem:s31+$0x6490]  }
0x129: {  	v37 =	vld [tilespmem:s31+$0x64A0]  }
0x12a: {  	v38 =	vld [tilespmem:s31+$0x64B0]  }
0x12b: {  	v39 =	vld [tilespmem:s31+$0x64C0]  }
0x12c: {  	v40 =	vld [tilespmem:s31+$0x9480]  }
0x12d: {  	v41 =	vld [tilespmem:s31+$0x9490]  }
0x12e: {  	v42 =	vld [tilespmem:s31+$0x94A0]  }
0x12f: {  	v43 =	vld [tilespmem:s31+$0x94B0]  }
0x130: {  	v44 =	vld [tilespmem:s31+$0x94C0]  }
0x131: {  	v45 =	vld [tilespmem:s31+$0xC480]  }
0x132: {  	v46 =	vld [tilespmem:s31+$0xC490]  }
0x133: {  	v47 =	vld [tilespmem:s31+$0xC4A0]  }
0x134: {  	v48 =	vld [tilespmem:s31+$0xC4B0]  }
0x135: {  	v49 =	vld [tilespmem:s31+$0xC4C0]  }
0x136: {  	v50 =	vld [tilespmem:s31+$0xF480]  }
0x137: {  	v51 =	vld [tilespmem:s31+$0xF490]  }
0x138: {  	v52 =	vld [tilespmem:s31+$0xF4A0]  }
0x139: {  	v53 =	vld [tilespmem:s31+$0xF4B0]  }
0x13a: {  	v54 =	vld [tilespmem:s31+$0xF4C0]  }
0x13b: {  	v55 =	vld [tilespmem:s31+$0x12480]  }
0x13c: {  	v56 =	vld [tilespmem:s31+$0x12490]  }
0x13d: {  	v57 =	vld [tilespmem:s31+$0x124A0]  }
0x13e: {  	v0 =	vmax.f32 v0, v1;
	v1 =	vld [tilespmem:s31+$0x154D0]  }
0x13f: {  	v0 =	vmax.f32 v0, v2;
	v2 =	vld [tilespmem:s31+$0x184D0]  }
0x140: {  	v0 =	vmax.f32 v0, v3;
	v3 =	vld [tilespmem:s31+$0x480]  }
0x141: {  	v0 =	vmax.f32 v0, v4;
	v4 =	vld [tilespmem:s31+$0x3480]  }
0x142: {  	v0 =	vmax.f32 v0, v5;
	v5 =	vld [tilespmem:s31+$0x490]  }
0x143: {  	v0 =	vmax.f32 v0, v6;
	v6 =	vld [tilespmem:s31+$0x3490]  }
0x144: {  	v0 =	vmax.f32 v0, v1;
	v1 =	vld [tilespmem:s31+$0x4A0]  }
0x145: {  	v0 =	vmax.f32 v0, v2;
	v2 =	vld [tilespmem:s31+$0x34A0]  }
0x146: {  	[tilespmem:s31+$0x1B4D0] =	vst v0;
	v0 =	vld [tilespmem:s31+$0x4B0];
	v3 =	vmax.f32 v3, v4  }
0x147: {  	v58 =	vld [tilespmem:s31+$0x124B0];
	v3 =	vmax.f32 v3, v10  }
0x148: {  	v59 =	vld [tilespmem:s31+$0x18480];
	v4 =	vmax.f32 v5, v6;
	v3 =	vmax.f32 v3, v40  }
0x149: {  	v10 =	vld [tilespmem:s31+$0x154B0];
	v4 =	vmax.f32 v4, v11;
	v3 =	vmax.f32 v3, v45  }
0x14a: {  	v5 =	vld [tilespmem:s31+$0x124C0];
	v1 =	vmax.f32 v1, v2;
	v2 =	vmax.f32 v8, v9;
	v4 =	vmax.f32 v4, v41  }
0x14b: {  	v6 =	vld [tilespmem:s31+$0x15480];
	v3 =	vmax.f32 v3, v50;
	v0 =	vmax.f32 v0, v7;
	v1 =	vmax.f32 v1, v37  }
0x14c: {  	v9 =	vld [tilespmem:s31+$0x154A0];
	v2 =	vmax.f32 v2, v39;
	v4 =	vmax.f32 v4, v46;
	v61 =	vmax.f32 v3, v55  }
0x14d: {  	v7 =	vld [tilespmem:s31+$0x15490];
	v0 =	vmax.f32 v0, v38;
	v1 =	vmax.f32 v1, v42;
	v2 =	vmax.f32 v2, v44  }
0x14e: {  	v11 =	vld [tilespmem:s31+$0x154C0];
	v4 =	vmax.f32 v4, v51;
	v0 =	vmax.f32 v0, v43;
	v1 =	vmax.f32 v1, v47  }
0x14f: {  	v2 =	vmax.f32 v2, v49;
	v4 =	vmax.f32 v4, v56;
	v8 =	vmax.f32 v1, v52;
	v1 =	vld [tilespmem:s31+$0x18490]  }
0x150: {  	v63 =	vmax.f32 v61, v6;
	v0 =	vmax.f32 v0, v48;
	v60 =	vmax.f32 v2, v54;
	v2 =	vld [tilespmem:s31+$0x184A0]  }
0x151: {  	v3 =	vld [tilespmem:s31+$0x184B0];
	v0 =	vmax.f32 v0, v53;
	v62 =	vmax.f32 v8, v57;
	v5 =	vmax.f32 v60, v5  }
0x152: {  	s0 =	simm.s32 $0x60;
	v0 =	vmax.f32 v0, v58;
	v8 =	vmax.f32 v4, v7;
	v7 =	vmax.f32 v62, v9;
	v4 =	vld [tilespmem:s31+$0x184C0]  }
0x153: {  	s1 =	simm.s32 $0x300;
	v5 =	vmax.f32 v5, v11;
	v9 =	vmax.f32 v63, v59;
	v6 =	vmax.f32 v0, v10;
	v0 =	vld [tilespmem:s0+$0x4D0]  }
.LBB2_4:
0x154: {  	p0 =	sne.s32 s1, $0xBE80;
	v10 =	vld [tilespmem:s0+$0x34D0];
	[tilespmem:s31+$0x1B480] =	vst v9;
	v1 =	vmax.f32 v8, v1  }
0x155: {  	v8 =	vld [tilespmem:s0+$0x64D0];
	[tilespmem:s31+$0x1B490] =	vst v1;
	v1 =	vmax.f32 v7, v2  }
0x156: {  	v2 =	vld [tilespmem:s0+$0x94D0];
	[tilespmem:s31+$0x1B4A0] =	vst v1;
	v1 =	vmax.f32 v6, v3  }
0x157: {  	v3 =	vld [tilespmem:s0+$0xC4D0];
	[tilespmem:s31+$0x1B4B0] =	vst v1;
	v1 =	vmax.f32 v5, v4  }
0x158: {  	v4 =	vld [tilespmem:s0+$0xF4D0];
	[tilespmem:s31+$0x1B4C0] =	vst v1;
	s31 =	smov.u32 s0  }
0x159: {  	v0 =	vmax.f32 v0, v10;
	v1 =	vld [tilespmem:s31+$0x124D0]  }
0x15a: {  	v0 =	vmax.f32 v0, v8;
	v5 =	vld [tilespmem:s31+$0x154D0]  }
0x15b: {  	v0 =	vmax.f32 v0, v2;
	v2 =	vld [tilespmem:s31+$0x184D0]  }
0x15c: {  	v6 =	vld [tilespmem:s31+$0x480];
	v0 =	vmax.f32 v0, v3  }
0x15d: {  	v3 =	vld [tilespmem:s31+$0x3480];
	v0 =	vmax.f32 v0, v4  }
0x15e: {  	v4 =	vld [tilespmem:s31+$0x490];
	v0 =	vmax.f32 v0, v1  }
0x15f: {  	v1 =	vld [tilespmem:s31+$0x3490];
	v0 =	vmax.f32 v0, v5  }
0x160: {  	v5 =	vld [tilespmem:s31+$0x4A0];
	v0 =	vmax.f32 v0, v2  }
0x161: {  	v2 =	vld [tilespmem:s31+$0x34A0];
	[tilespmem:s31+$0x1B4D0] =	vst v0  }
0x162: {  	v0 =	vmax.f32 v6, v3;
	v3 =	vld [tilespmem:s31+$0x4B0]  }
0x163: {  	v6 =	vld [tilespmem:s31+$0x34B0]  }
0x164: {  	v1 =	vmax.f32 v4, v1;
	v4 =	vld [tilespmem:s31+$0x4C0]  }
0x165: {  	v7 =	vld [tilespmem:s31+$0x34C0]  }
0x166: {  	v8 =	vld [tilespmem:s31+$0x6480];
	v2 =	vmax.f32 v5, v2  }
0x167: {  	v5 =	vld [tilespmem:s31+$0x6490]  }
0x168: {  	v9 =	vld [tilespmem:s31+$0x64A0];
	v3 =	vmax.f32 v3, v6  }
0x169: {  	v6 =	vld [tilespmem:s31+$0x64B0]  }
0x16a: {  	v4 =	vmax.f32 v4, v7;
	v7 =	vld [tilespmem:s31+$0x64C0]  }
0x16b: {  	v0 =	vmax.f32 v0, v8;
	v8 =	vld [tilespmem:s31+$0x9480]  }
0x16c: {  	v1 =	vmax.f32 v1, v5;
	v5 =	vld [tilespmem:s31+$0x9490]  }
0x16d: {  	v2 =	vmax.f32 v2, v9;
	v9 =	vld [tilespmem:s31+$0x94A0]  }
0x16e: {  	v3 =	vmax.f32 v3, v6;
	v6 =	vld [tilespmem:s31+$0x94B0]  }
0x16f: {  	v4 =	vmax.f32 v4, v7;
	v7 =	vld [tilespmem:s31+$0x94C0]  }
0x170: {  	v0 =	vmax.f32 v0, v8;
	v8 =	vld [tilespmem:s31+$0xC480]  }
0x171: {  	v1 =	vmax.f32 v1, v5;
	v5 =	vld [tilespmem:s31+$0xC490]  }
0x172: {  	v2 =	vmax.f32 v2, v9;
	v9 =	vld [tilespmem:s31+$0xC4A0]  }
0x173: {  	v3 =	vmax.f32 v3, v6;
	v6 =	vld [tilespmem:s31+$0xC4B0]  }
0x174: {  	v4 =	vmax.f32 v4, v7;
	v7 =	vld [tilespmem:s31+$0xC4C0]  }
0x175: {  	v0 =	vmax.f32 v0, v8;
	v8 =	vld [tilespmem:s31+$0xF480]  }
0x176: {  	v1 =	vmax.f32 v1, v5;
	v5 =	vld [tilespmem:s31+$0xF490]  }
0x177: {  	v2 =	vmax.f32 v2, v9;
	v9 =	vld [tilespmem:s31+$0xF4A0]  }
0x178: {  	v3 =	vmax.f32 v3, v6;
	v6 =	vld [tilespmem:s31+$0xF4B0]  }
0x179: {  	v4 =	vmax.f32 v4, v7;
	v7 =	vld [tilespmem:s31+$0xF4C0]  }
0x17a: {  	v0 =	vmax.f32 v0, v8;
	v8 =	vld [tilespmem:s31+$0x12480]  }
0x17b: {  	v1 =	vmax.f32 v1, v5;
	v5 =	vld [tilespmem:s31+$0x12490]  }
0x17c: {  	v2 =	vmax.f32 v2, v9;
	v9 =	vld [tilespmem:s31+$0x124A0]  }
0x17d: {  	v3 =	vmax.f32 v3, v6;
	v6 =	vld [tilespmem:s31+$0x124B0]  }
0x17e: {  	v4 =	vmax.f32 v4, v7;
	v7 =	vld [tilespmem:s31+$0x124C0]  }
0x17f: {  	v0 =	vmax.f32 v0, v8;
	v8 =	vld [tilespmem:s31+$0x15480]  }
0x180: {  	v1 =	vmax.f32 v1, v5;
	v5 =	vld [tilespmem:s31+$0x15490]  }
0x181: {  	v2 =	vmax.f32 v2, v9;
	v9 =	vld [tilespmem:s31+$0x154A0]  }
0x182: {  	v3 =	vmax.f32 v3, v6;
	v6 =	vld [tilespmem:s31+$0x154B0]  }
0x183: {  	v4 =	vmax.f32 v4, v7;
	v10 =	vld [tilespmem:s31+$0x154C0]  }
0x184: {  	v11 =	vmax.f32 v0, v8;
	v12 =	vld [tilespmem:s31+$0x18480]  }
.Ltmp1:
0x185: {  	v8 =	vmax.f32 v1, v5;
	v1 =	vld [tilespmem:s31+$0x18490];
	(pc) =	sbr.rel @p0 .LBB2_4-.Ltmp1, $4  }
0x186: {  	v7 =	vmax.f32 v2, v9;
	v2 =	vld [tilespmem:s31+$0x184A0]  }
0x187: {  	v6 =	vmax.f32 v3, v6;
	v3 =	vld [tilespmem:s31+$0x184B0]  }
0x188: {  	s0 =	sshra.s32 s1, $0x2;
	v5 =	vmax.f32 v4, v10;
	v4 =	vld [tilespmem:s31+$0x184C0]  }
0x189: {  	s1 =	sadd.s32 $0x180, s1;
	v0 =	vld [tilespmem:s0+$0x4D0];
	v9 =	vmax.f32 v11, v12  }
0x18a: {  	v10 =	vld [tilespmem:s0+$0x34D0];
	[tilespmem:s31+$0x1B480] =	vst v9;
	v1 =	vmax.f32 v8, v1  }
0x18b: {  	v30 =	vld [tilespmem:s0+$0x64D0];
	[tilespmem:s31+$0x1B490] =	vst v1;
	v31 =	vmax.f32 v7, v2  }
0x18c: {  	v32 =	vld [tilespmem:s0+$0x94D0];
	[tilespmem:s31+$0x1B4A0] =	vst v31;
	v33 =	vmax.f32 v6, v3  }
0x18d: {  	v34 =	vld [tilespmem:s0+$0xC4D0];
	[tilespmem:s31+$0x1B4B0] =	vst v33;
	v35 =	vmax.f32 v5, v4  }
0x18e: {  	v36 =	vld [tilespmem:s0+$0xF4D0];
	[tilespmem:s31+$0x1B4C0] =	vst v35  }
0x18f: {  	v1 =	vld [tilespmem:s0+$0x124D0]  }
0x190: {  	v37 =	vld [tilespmem:s0+$0x154D0]  }
0x191: {  	v38 =	vld [tilespmem:s0+$0x184D0]  }
0x192: {  	v39 =	vld [tilespmem:s0+$0x480]  }
0x193: {  	v40 =	vld [tilespmem:s0+$0x3480]  }
0x194: {  	v41 =	vld [tilespmem:s0+$0x490]  }
0x195: {  	v42 =	vld [tilespmem:s0+$0x3490]  }
0x196: {  	v43 =	vld [tilespmem:s0+$0x4A0]  }
0x197: {  	v44 =	vld [tilespmem:s0+$0x34A0]  }
0x198: {  	v45 =	vld [tilespmem:s0+$0x4B0]  }
0x199: {  	v46 =	vld [tilespmem:s0+$0x34B0]  }
0x19a: {  	v47 =	vld [tilespmem:s0+$0x4C0]  }
0x19b: {  	v9 =	vld [tilespmem:s0+$0x34C0]  }
0x19c: {  	v48 =	vld [tilespmem:s0+$0x6480]  }
0x19d: {  	v11 =	vld [tilespmem:s0+$0x6490]  }
0x19e: {  	v12 =	vld [tilespmem:s0+$0x64A0]  }
0x19f: {  	v13 =	vld [tilespmem:s0+$0x64B0]  }
0x1a0: {  	v14 =	vld [tilespmem:s0+$0x64C0]  }
0x1a1: {  	v15 =	vld [tilespmem:s0+$0x9480]  }
0x1a2: {  	v16 =	vld [tilespmem:s0+$0x9490]  }
0x1a3: {  	v17 =	vld [tilespmem:s0+$0x94A0]  }
0x1a4: {  	v18 =	vld [tilespmem:s0+$0x94B0]  }
0x1a5: {  	v19 =	vld [tilespmem:s0+$0x94C0]  }
0x1a6: {  	v20 =	vld [tilespmem:s0+$0xC480]  }
0x1a7: {  	v21 =	vld [tilespmem:s0+$0xC490]  }
0x1a8: {  	v22 =	vld [tilespmem:s0+$0xC4A0]  }
0x1a9: {  	v23 =	vld [tilespmem:s0+$0xC4B0]  }
0x1aa: {  	v24 =	vld [tilespmem:s0+$0xC4C0]  }
0x1ab: {  	v25 =	vld [tilespmem:s0+$0xF480]  }
0x1ac: {  	v26 =	vld [tilespmem:s0+$0xF490]  }
0x1ad: {  	v27 =	vld [tilespmem:s0+$0xF4A0]  }
0x1ae: {  	v28 =	vld [tilespmem:s0+$0xF4B0]  }
0x1af: {  	v0 =	vmax.f32 v0, v10;
	v29 =	vld [tilespmem:s0+$0xF4C0]  }
0x1b0: {  	v31 =	vld [tilespmem:s0+$0x12490];
	v0 =	vmax.f32 v0, v30  }
0x1b1: {  	v33 =	vld [tilespmem:s0+$0x124B0];
	v0 =	vmax.f32 v0, v32  }
0x1b2: {  	v49 =	vld [tilespmem:s0+$0x15480];
	v0 =	vmax.f32 v0, v34  }
0x1b3: {  	v51 =	vld [tilespmem:s0+$0x15490];
	v0 =	vmax.f32 v0, v36  }
0x1b4: {  	v53 =	vld [tilespmem:s0+$0x154A0];
	v0 =	vmax.f32 v0, v1  }
0x1b5: {  	v54 =	vld [tilespmem:s0+$0x154B0];
	v2 =	vmax.f32 v39, v40;
	v1 =	vmax.f32 v41, v42;
	v50 =	vmax.f32 v43, v44  }
0x1b6: {  	v55 =	vld [tilespmem:s0+$0x154C0];
	v52 =	vmax.f32 v47, v9;
	v0 =	vmax.f32 v0, v37;
	v2 =	vmax.f32 v2, v48  }
0x1b7: {  	v30 =	vld [tilespmem:s0+$0x12480];
	v1 =	vmax.f32 v1, v11;
	v4 =	vmax.f32 v50, v12;
	v6 =	vmax.f32 v52, v14  }
0x1b8: {  	v32 =	vld [tilespmem:s0+$0x124A0];
	v0 =	vmax.f32 v0, v38;
	v2 =	vmax.f32 v2, v15;
	v1 =	vmax.f32 v1, v16  }
0x1b9: {  	v34 =	vld [tilespmem:s0+$0x124C0];
	v4 =	vmax.f32 v4, v17;
	v6 =	vmax.f32 v6, v19;
	[tilespmem:s0+$0x1B4D0] =	vst v0;
	v0 =	vmax.f32 v45, v46  }
0x1ba: {  	v56 =	vld [tilespmem:s0+$0x18480];
	v2 =	vmax.f32 v2, v20;
	v1 =	vmax.f32 v1, v21;
	v4 =	vmax.f32 v4, v22  }
0x1bb: {  	v57 =	vld [tilespmem:s0+$0x18490];
	v6 =	vmax.f32 v6, v24;
	v0 =	vmax.f32 v0, v13;
	v2 =	vmax.f32 v2, v25  }
0x1bc: {  	v58 =	vld [tilespmem:s0+$0x184A0];
	v1 =	vmax.f32 v1, v26;
	v4 =	vmax.f32 v4, v27;
	v6 =	vmax.f32 v6, v29  }
0x1bd: {  	v60 =	vld [tilespmem:s0+$0x184C0];
	v0 =	vmax.f32 v0, v18;
	v2 =	vmax.f32 v2, v30;
	v1 =	vmax.f32 v1, v31  }
0x1be: {  	v59 =	vld [tilespmem:s0+$0x184B0];
	v4 =	vmax.f32 v4, v32;
	v61 =	vmax.f32 v6, v34;
	v2 =	vmax.f32 v2, v49  }
0x1bf: {  	v0 =	vmax.f32 v0, v23;
	v1 =	vmax.f32 v1, v51;
	v2 =	vmax.f32 v2, v56  }
0x1c0: {  	v4 =	vmax.f32 v4, v53;
	v0 =	vmax.f32 v0, v28;
	v1 =	vmax.f32 v1, v57;
	[tilespmem:s0+$0x1B480] =	vst v2  }
0x1c1: {  	v62 =	vmax.f32 v4, v58;
	v0 =	vmax.f32 v0, v33;
	[tilespmem:s0+$0x1B490] =	vst v1;
	v2 =	vmax.f32 v61, v55  }
0x1c2: {  	s30 =	sadd.s32 $0x1, s30;
	[tilespmem:s0+$0x1B4A0] =	vst v62;
	v0 =	vmax.f32 v0, v54;
	v63 =	vmax.f32 v2, v60  }
0x1c3: {  	p0 =	sne.s32 s30, s8;
	v0 =	vmax.f32 v0, v59;
	[tilespmem:s0+$0x1B4C0] =	vst v63  }
.Ltmp2:
0x1c4: {  	[tilespmem:s0+$0x1B4B0] =	vst v0;
	(pc) =	sbr.rel @p0 .LBB2_1-.Ltmp2, $4  }
0x1c5: {  	[hbm4b:s7+s3] =	stream.linear.scatter [tilespmem:s29], [sflag:$0x2], $0x3000, $0x38;
	[tilespmem:$0x1E480] =	vst v63  }
0x1c6: {  	_ =	swait.ge [sflag:s9], $0x3000  }
0x1c7: {  	[sflag:s9] =	ssyncset.done $0x0  }
0x1c8: {  	[sflag:s9] =	ssyncadd.s32 $0xFFFFD000  }
0x1c9: {  	_ =	sfence.sel $0x180000  }
0x1ca: {  	[bflag:$0x0] =	sbarrier.arrive $0xFFFF  }
0x1cb: {  	_ =	strace $0x90000047  }
0x1cc: {  	s0 =	stileid.u32;
	[bflag:$0x2] =	sbarrier.arrive $0xFFFF  }
0x1cd: {  	p0 =	sne.s32 s0, $0x0;
	s0 =	rddreg [dreg:$0x2]  }
0x1ce: {  	s0 =	sadd.s32 @!p0 $0x100000, s0  }
0x1cf: {  	[sflag:s0] =	ssyncadd.tile.s32 @!p0 $0x1;
	_ =	shalt  }
.Lfunc_end2:
_tile_overlayer_lowered:
.L_overlay_start_2:
0x1d0: {  	(tag) =	ssettag $0x2  }
0x1d1: {  	s0 =	rddreg [dreg:$0x0];
	s2 =	stileid.u32  }
0x1d2: {  	s1 =	rddreg [dreg:$0x1];
	p0 =	sne.s32 s2, $0x0  }
0x1d3: {  	s3 =	rddreg [dreg:$0x2];
	[bflag:$0x3] =	sbarrier.arrive $0xFFFF;
	s2 =	simm.s32 @!p0 $0x1C02  }
0x1d4: {  	[timem:s3], [sflag:s2] =	dma.local @!p0 [hbm:s0], s1  }
0x1d5: {  	s0 =	simm.s32 @!p0 $0x2  }
0x1d6: {  	_ =	swait.ge @!p0 [sflag:s0], s1  }
0x1d7: {  	s1 =	ssub.s32 @!p0 $0x0, s1;
	[sflag:s0] =	ssyncset.done @!p0 $0x0  }
0x1d8: {  	[sflag:s0] =	ssyncadd.s32 @!p0 s1  }
0x1d9: {  	[bflag:$0x3] =	sbarrier.arrive $0xFFFF  }
0x1da: {  	_ =	shalt  }

</sc_bundles>
